<compile_context>
chip_gen: v7x
topology: tpu7x:2x2x1
jax: 0.10.2.dev20260603
libtpu: 0.0.44.dev20260713+nightly
codegen_flags: <defaults>
</compile_context>

<pallas_src>
import functools

import jax
import jax.numpy as jnp
import numpy as np
from jax import lax
from jax.experimental import pallas as pl
from jax.experimental.pallas import tpu as pltpu
from jax.experimental.pallas import tpu_sc as plsc

N_NODES = 10000
N_EDGES = 320000
D = 128

BN_SCALE = float(1.0 / np.sqrt(1.0 + 1e-5))

_DW = D // 2


def _pack_cols(v):
    u = lax.bitcast_convert_type(v, jnp.int32) + jnp.int32(0x8000)
    lo = jnp.right_shift(u[:, :_DW], 16) & jnp.int32(0xFFFF)
    hi = u[:, _DW:] & jnp.int32(-65536)
    return hi | lo


def _unpack_cols(p):
    lo = lax.bitcast_convert_type(jnp.left_shift(p, 16), jnp.float32)
    hi = lax.bitcast_convert_type(p & jnp.int32(-65536), jnp.float32)
    return jnp.concatenate([lo, hi], axis=1)


_NC = 2
_NS = 16
_NW = _NC * _NS
_EPW = N_EDGES // _NW
_CHUNK = 80
_NCHUNK = _EPW // _CHUNK

_mesh = plsc.VectorSubcoreMesh(core_axis_name="c", subcore_axis_name="s")


def _gather_body(*refs):
    (ta, tb, ii2, jj2, ai_out, bj_out,
     ii_v, jj_v,
     a_v0, a_v1, b_v0, b_v1,
     sem_g0, sem_g1, sem_sa0, sem_sa1, sem_sb0, sem_sb1) = refs
    a_v = (a_v0, a_v1)
    b_v = (b_v0, b_v1)
    sem_g = (sem_g0, sem_g1)
    sem_sa = (sem_sa0, sem_sa1)
    sem_sb = (sem_sb0, sem_sb1)

    wid = lax.axis_index("s") * _NC + lax.axis_index("c")
    ebase = wid * _EPW

    pltpu.sync_copy(ii2.at[wid], ii_v)
    pltpu.sync_copy(jj2.at[wid], jj_v)

    def start(lc, b, first):
        if not first:
            pltpu.make_async_copy(
                a_v[b], ai_out.at[pl.ds(ebase, _CHUNK)], sem_sa[b]).wait()
            pltpu.make_async_copy(
                b_v[b], bj_out.at[pl.ds(ebase, _CHUNK)], sem_sb[b]).wait()
        pltpu.async_copy(ta.at[ii_v.at[lc]], a_v[b], sem_g[b])
        pltpu.async_copy(tb.at[jj_v.at[lc]], b_v[b], sem_g[b])

    def finish(lc, b):
        off = ebase + lc * _CHUNK
        pltpu.make_async_copy(ta.at[ii_v.at[lc]], a_v[b], sem_g[b]).wait()
        pltpu.make_async_copy(tb.at[jj_v.at[lc]], b_v[b], sem_g[b]).wait()
        pltpu.async_copy(a_v[b], ai_out.at[pl.ds(off, _CHUNK)], sem_sa[b])
        pltpu.async_copy(b_v[b], bj_out.at[pl.ds(off, _CHUNK)], sem_sb[b])

    start(0, 0, True)
    start(1, 1, True)

    def body(t, carry):
        finish(2 * t, 0)
        start(2 * t + 2, 0, False)
        finish(2 * t + 1, 1)
        start(2 * t + 3, 1, False)
        return carry

    lax.fori_loop(0, (_NCHUNK - 3) // 2, body, 0)
    finish(_NCHUNK - 3, 0)
    start(_NCHUNK - 1, 0, False)
    finish(_NCHUNK - 2, 1)
    finish(_NCHUNK - 1, 0)

    for b in (0, 1):
        pltpu.make_async_copy(
            a_v[b], ai_out.at[pl.ds(ebase, _CHUNK)], sem_sa[b]).wait()
        pltpu.make_async_copy(
            b_v[b], bj_out.at[pl.ds(ebase, _CHUNK)], sem_sb[b]).wait()


def _make_gather(dt_a, dt_b):
    out_type = [
        jax.ShapeDtypeStruct((N_EDGES, D), dt_a),
        jax.ShapeDtypeStruct((N_EDGES, D), dt_b),
    ]
    scratch = [
        pltpu.VMEM((_NCHUNK, _CHUNK), jnp.int32),
        pltpu.VMEM((_NCHUNK, _CHUNK), jnp.int32),
        pltpu.VMEM((_CHUNK, D), dt_a),
        pltpu.VMEM((_CHUNK, D), dt_a),
        pltpu.VMEM((_CHUNK, D), dt_b),
        pltpu.VMEM((_CHUNK, D), dt_b),
    ]
    scratch = scratch + [pltpu.SemaphoreType.DMA] * 6
    return pl.kernel(
        _gather_body,
        mesh=_mesh,
        out_type=out_type,
        scratch_types=scratch,
    )


_gather_ac = _make_gather(jnp.int32, jnp.float32)
_gather_ff = _make_gather(jnp.float32, jnp.float32)

_NPAD = 10240
_ROWS_PER_TILE = _NPAD // _NS
_ZROWS = 64


def _scatter_body(msg_hbm, ii2, out_hbm, acc_sh, ii_v,
                  m_v0, m_v1, z_v, sem_l0, sem_l1, sem_s0, sem_s1):
    cid = lax.axis_index("c")
    sid = lax.axis_index("s")
    m_v = (m_v0, m_v1)
    sem_l = (sem_l0, sem_l1)
    sem_s = (sem_s0, sem_s1)

    zv = jnp.zeros((16,), jnp.float32)

    def zrow(r, rc):
        for q in range(D // 16):
            z_v[r, pl.ds(q * 16, 16)] = zv
        return rc

    lax.fori_loop(0, _ZROWS, zrow, 0)
    for q in range(_ROWS_PER_TILE // _ZROWS):
        pltpu.sync_copy(
            z_v, acc_sh.at[pl.ds(sid * _ROWS_PER_TILE + q * _ZROWS, _ZROWS)])
    plsc.subcore_barrier()

    wid = cid * _NS + sid
    ebase = wid * _EPW
    pltpu.sync_copy(ii2.at[wid], ii_v)

    def start(lc, b, first):
        if not first:
            pltpu.make_async_copy(
                m_v[b], acc_sh.at[ii_v.at[lc]], sem_s[b]).wait()
        pltpu.async_copy(
            msg_hbm.at[pl.ds(ebase + lc * _CHUNK, _CHUNK)], m_v[b],
            sem_l[b])

    def finish(lc, b):
        pltpu.make_async_copy(
            msg_hbm.at[pl.ds(ebase, _CHUNK)], m_v[b], sem_l[b]).wait()
        pltpu.async_copy(m_v[b], acc_sh.at[ii_v.at[lc]], sem_s[b],
                         add=True)

    start(0, 0, True)
    start(1, 1, True)

    def body(t, carry):
        finish(2 * t, 0)
        start(2 * t + 2, 0, False)
        finish(2 * t + 1, 1)
        start(2 * t + 3, 1, False)
        return carry

    lax.fori_loop(0, (_NCHUNK - 3) // 2, body, 0)
    finish(_NCHUNK - 3, 0)
    start(_NCHUNK - 1, 0, False)
    finish(_NCHUNK - 2, 1)
    finish(_NCHUNK - 1, 0)
    pltpu.make_async_copy(m_v[0], acc_sh.at[ii_v.at[0]], sem_s[0]).wait()
    pltpu.make_async_copy(m_v[1], acc_sh.at[ii_v.at[0]], sem_s[1]).wait()
    plsc.subcore_barrier()

    for q in range(_ROWS_PER_TILE // _ZROWS):
        rows = sid * _ROWS_PER_TILE + q * _ZROWS
        pltpu.sync_copy(acc_sh.at[pl.ds(rows, _ZROWS)], z_v)
        pltpu.sync_copy(z_v, out_hbm.at[cid, pl.ds(rows, _ZROWS)])


_scatter_add = pl.kernel(
    _scatter_body,
    mesh=_mesh,
    out_type=jax.ShapeDtypeStruct((_NC, _NPAD, D), jnp.float32),
    scratch_types=[
        pltpu.VMEM_SHARED((_NPAD, D), jnp.float32),
        pltpu.VMEM((_NCHUNK, _CHUNK), jnp.int32),
        pltpu.VMEM((_CHUNK, D), jnp.float32),
        pltpu.VMEM((_CHUNK, D), jnp.float32),
        pltpu.VMEM((_ZROWS, D), jnp.float32),
        pltpu.SemaphoreType.DMA,
        pltpu.SemaphoreType.DMA,
        pltpu.SemaphoreType.DMA,
        pltpu.SemaphoreType.DMA,
    ],
)



def _np0_body(x_ref, wne, bne, wa, wb, wc, tac, tb):
    nf = jnp.maximum(
        jnp.dot(x_ref[...], wne[...], preferred_element_type=jnp.float32)
        + bne[...], 0.0)
    pa = _pack_cols(jnp.dot(nf, wa[...],
                            preferred_element_type=jnp.float32))
    pc = _pack_cols(jnp.dot(nf, wc[...],
                            preferred_element_type=jnp.float32))
    tac[...] = jnp.concatenate([pa, pc], axis=1)
    tb[...] = jnp.dot(nf, wb[...], preferred_element_type=jnp.float32)


def _np1_body(p_ref, wa, wb, ta, tb):
    nf = p_ref[0] + p_ref[1]
    ta[...] = jnp.dot(nf, wa[...], preferred_element_type=jnp.float32)
    tb[...] = jnp.dot(nf, wb[...], preferred_element_type=jnp.float32)


_BE = 2560
_EGRID = N_EDGES // _BE


def _e0_body(ac, bj, ea, wee, bee, we3, be_, wn2, bn_, wcls, bcls,
             t_out, msg_out, pred_out):
    ef0 = jnp.maximum(
        jnp.dot(ea[...], wee[...], preferred_element_type=jnp.float32)
        + bee[...], 0.0)
    ai = _unpack_cols(ac[:, :_DW])
    ci = _unpack_cols(ac[:, _DW:])
    t = BN_SCALE * jnp.maximum(
        ai + bj[...]
        + jnp.dot(ef0, we3[...], preferred_element_type=jnp.float32)
        + be_[...], 0.0)
    t_out[...] = _pack_cols(t)
    pred_out[...] = jnp.dot(t, wcls[...],
                            preferred_element_type=jnp.float32) + bcls[...]
    msg_out[...] = BN_SCALE * jnp.maximum(
        ci + jnp.dot(t, wn2[...], preferred_element_type=jnp.float32)
        + bn_[...], 0.0)


def _e1_body(ai, bj, t0, we3, be_, wcls, bcls, pred_out):
    t = BN_SCALE * jnp.maximum(
        ai[...] + bj[...]
        + jnp.dot(_unpack_cols(t0[...]), we3[...],
                  preferred_element_type=jnp.float32)
        + be_[...], 0.0)
    pred_out[...] = jnp.dot(t, wcls[...],
                            preferred_element_type=jnp.float32) + bcls[...]


def _full(shape):
    nd = len(shape)
    return pl.BlockSpec(shape, lambda i: (0,) * nd)


def _eblk(width):
    return pl.BlockSpec((_BE, width), lambda i: (i, 0))




def kernel(x, edge_attr, edge_index, W_ne, b_ne, W_ee, b_ee, W_e0, b_e0,
           W_n0, b_n0, W_e1, b_e1, W_n1, b_n1, W_cls, b_cls):
    f32 = jnp.float32
    jj2 = edge_index[0].astype(jnp.int32).reshape(_NW, _NCHUNK, _CHUNK)
    ii2 = edge_index[1].astype(jnp.int32).reshape(_NW, _NCHUNK, _CHUNK)

    wa0, wb0, we3_0 = W_e0[:D], W_e0[D:2 * D], W_e0[2 * D:]
    wc0, wn2_0 = W_n0[:D], W_n0[D:]
    wa1, wb1, we3_1 = W_e1[:D], W_e1[D:2 * D], W_e1[2 * D:]
    b_ne2 = b_ne.reshape(1, D)
    b_ee2 = b_ee.reshape(1, D)
    b_e02 = b_e0.reshape(1, D)
    b_n02 = b_n0.reshape(1, D)
    b_e12 = b_e1.reshape(1, D)
    b_cls2 = b_cls.reshape(1, 1)

    tac0, tb0 = pl.pallas_call(
        _np0_body,
        out_shape=[
            jax.ShapeDtypeStruct((N_NODES, D), jnp.int32),
            jax.ShapeDtypeStruct((N_NODES, D), f32),
        ],
    )(x, W_ne, b_ne2, wa0, wb0, wc0)

    ac0, bj0 = _gather_ac(tac0, tb0, ii2, jj2)

    t0, msg, pred0 = pl.pallas_call(
        _e0_body,
        grid=(_EGRID,),
        in_specs=[
            _eblk(D), _eblk(D), _eblk(16),
            _full((16, D)), _full((1, D)), _full((D, D)), _full((1, D)),
            _full((D, D)), _full((1, D)), _full((D, 1)), _full((1, 1)),
        ],
        out_specs=[_eblk(_DW), _eblk(D), _eblk(1)],
        out_shape=[
            jax.ShapeDtypeStruct((N_EDGES, _DW), jnp.int32),
            jax.ShapeDtypeStruct((N_EDGES, D), f32),
            jax.ShapeDtypeStruct((N_EDGES, 1), f32),
        ],
    )(ac0, bj0, edge_attr, W_ee, b_ee2, we3_0, b_e02, wn2_0, b_n02,
      W_cls, b_cls2)

    partials = _scatter_add(msg, ii2)[:, :N_NODES]

    ta1, tb1 = pl.pallas_call(
        _np1_body,
        out_shape=[jax.ShapeDtypeStruct((N_NODES, D), f32)] * 2,
    )(partials, wa1, wb1)

    ai1, bj1 = _gather_ff(ta1, tb1, ii2, jj2)

    pred1 = pl.pallas_call(
        _e1_body,
        grid=(_EGRID,),
        in_specs=[
            _eblk(D), _eblk(D), _eblk(_DW),
            _full((D, D)), _full((1, D)), _full((D, 1)), _full((1, 1)),
        ],
        out_specs=_eblk(1),
        out_shape=jax.ShapeDtypeStruct((N_EDGES, 1), f32),
    )(ai1, bj1, t0, we3_1, b_e12, W_cls, b_cls2)

    return (pred0.reshape(N_EDGES), pred1.reshape(N_EDGES))

# --- scband reference (transcript-rebuilt; emitter-appended) ---
"""Pipeline reference for scband-vanilla-mpn2-23545010717048 (READ-ONLY COPY).

The authoritative reference and input builder live on the scoring server;
editing this copy changes nothing except your own understanding.
"""

import jax, jax.numpy as jnp
import numpy as np

N_NODES = 10000
N_EDGES = 320000
D_NODE = 128
D_EDGE_IN = 16
D_EDGE = 128
STEPS = 2


def _bn_eval(h):
    # BatchNorm1d in eval mode with default running stats (mean=0, var=1, gamma=1, beta=0)
    return h / jnp.sqrt(1.0 + 1e-5)


def setup_inputs(seed: int = 0) -> dict:
    key = jax.random.key(seed)
    ks = [jax.random.fold_in(key, i) for i in range(32)]
    inp = {}
    inp['x'] = jax.random.normal(ks[0], (N_NODES, D_NODE), dtype=jnp.float32)
    inp['edge_attr'] = jax.random.normal(ks[1], (N_EDGES, D_EDGE_IN), dtype=jnp.float32)
    inp['edge_index'] = jax.random.randint(ks[2], (2, N_EDGES), 0, N_NODES, dtype=jnp.int64 if jax.config.jax_enable_x64 else jnp.int32)
    # node embedding MLP: Linear(128->128) + ReLU
    inp['W_ne'] = jax.random.normal(ks[3], (D_NODE, D_NODE), dtype=jnp.float32) * 0.05
    inp['b_ne'] = jnp.zeros((D_NODE,), dtype=jnp.float32)
    # edge embedding MLP: Linear(16->128) + ReLU
    inp['W_ee'] = jax.random.normal(ks[4], (D_EDGE_IN, D_EDGE), dtype=jnp.float32) * 0.05
    inp['b_ee'] = jnp.zeros((D_EDGE,), dtype=jnp.float32)
    # per-layer MPN weights
    # mlp_edge: Linear(2*128 + 128 -> 128) + ReLU + BN
    # mlp_node: Linear(128 + 128 -> 128) + ReLU + BN
    inp['W_e0'] = jax.random.normal(ks[5], (2 * D_NODE + D_EDGE, D_EDGE), dtype=jnp.float32) * 0.05
    inp['b_e0'] = jnp.zeros((D_EDGE,), dtype=jnp.float32)
    inp['W_n0'] = jax.random.normal(ks[6], (D_NODE + D_EDGE, D_NODE), dtype=jnp.float32) * 0.05
    inp['b_n0'] = jnp.zeros((D_NODE,), dtype=jnp.float32)
    inp['W_e1'] = jax.random.normal(ks[7], (2 * D_NODE + D_EDGE, D_EDGE), dtype=jnp.float32) * 0.05
    inp['b_e1'] = jnp.zeros((D_EDGE,), dtype=jnp.float32)
    inp['W_n1'] = jax.random.normal(ks[8], (D_NODE + D_EDGE, D_NODE), dtype=jnp.float32) * 0.05
    inp['b_n1'] = jnp.zeros((D_NODE,), dtype=jnp.float32)
    # classification MLP: Linear(128 -> 1), no relu
    inp['W_cls'] = jax.random.normal(ks[9], (D_EDGE, 1), dtype=jnp.float32) * 0.05
    inp['b_cls'] = jnp.zeros((1,), dtype=jnp.float32)
    return inp


def reference(x, edge_attr, edge_index, W_ne, b_ne, W_ee, b_ee, W_e0, b_e0, W_n0, b_n0, W_e1, b_e1, W_n1, b_n1, W_cls, b_cls):
    num_nodes = x.shape[0]
    node_features = jax.nn.relu(x @ W_ne + b_ne)
    edge_features = jax.nn.relu(edge_attr @ W_ee + b_ee)
    j = edge_index[0]
    i = edge_index[1]
    layer_params = [(W_e0, b_e0, W_n0, b_n0), (W_e1, b_e1, W_n1, b_n1)]
    aux_loss_steps = 1
    preds_edge = []
    for step, (W_e, b_e, W_n, b_n) in enumerate(layer_params):
        x_i = node_features[i]
        x_j = node_features[j]
        # mlp_edge on concatenated features
        edge_features = _bn_eval(jax.nn.relu(jnp.concatenate([x_i, x_j, edge_features], axis=1) @ W_e + b_e))
        # message: mlp_node(cat([x_i, edge_attr])) aggregated with 'add' at target nodes i
        msg = _bn_eval(jax.nn.relu(jnp.concatenate([x_i, edge_features], axis=1) @ W_n + b_n))
        node_features = jax.ops.segment_sum(msg, i, num_segments=num_nodes)
        if step >= STEPS - aux_loss_steps - 1:
            preds_edge.append((edge_features @ W_cls + b_cls).squeeze())
    return tuple(preds_edge)

if __name__ == "__main__":
    import jax
    _d = setup_inputs()
    print(jax.jit(kernel)(*tuple(_d.values())))

</pallas_src>

<mosaic_0001>
#map = affine_map<(d0, d1) -> (0, 0)>
#map1 = affine_map<(d0, d1) -> (0, 0, 0)>
module attributes {stable_mosaic.version = 14 : i64} {
  func.func @_scatter_body(%arg0: i32, %arg1: i32, %arg2: memref<320000x128xf32, #tpu.memory_space<hbm>>, %arg3: memref<32x125x80xi32, #tpu.memory_space<hbm>>, %arg4: memref<2x10240x128xf32, #tpu.memory_space<hbm>>, %arg5: memref<10240x128xf32, #tpu.memory_space<vmem_shared>>, %arg6: memref<125x80xi32, #tpu.memory_space<vmem>>, %arg7: memref<80x128xf32, #tpu.memory_space<vmem>>, %arg8: memref<80x128xf32, #tpu.memory_space<vmem>>, %arg9: memref<64x128xf32, #tpu.memory_space<vmem>>, %arg10: memref<!tpu.dma_semaphore, #tpu.memory_space<semaphore_mem>>, %arg11: memref<!tpu.dma_semaphore, #tpu.memory_space<semaphore_mem>>, %arg12: memref<!tpu.dma_semaphore, #tpu.memory_space<semaphore_mem>>, %arg13: memref<!tpu.dma_semaphore, #tpu.memory_space<semaphore_mem>>) attributes {dimension_semantics = [#tpu.dimension_semantics<core_parallel>, #tpu.dimension_semantics<subcore_parallel>], iteration_bounds = array<i64: 2, 16>, scalar_prefetch = 0 : i64, scratch_operands = 9 : i64, tpu.core_type = #tpu.core_type<sc_vector_subcore>, window_params = [{transform_indices = #map}, {transform_indices = #map1}, {transform_indices = #map1}]} {
    %broadcast_in_dim3A = arith.constant 0.000000e+00 : f32
    %broadcast_in_dim3A_0 = vector.broadcast %broadcast_in_dim3A : f32 to vector<16xf32>
    %scan3A = arith.constant 0 : i32
    %scan3A_1 = arith.constant 0 : i32
    %scan3A_2 = arith.constant 64 : i32
    %scan3A_3 = arith.addi %scan3A_1, %scan3A_2 : i32
    %scan3A_4 = arith.constant 1 : i32
    scf.for %scan3A_166 = %scan3A_1 to %scan3A_3 step %scan3A_4  : i32 {
      %swap3A = arith.index_cast %scan3A_166 : i32 to index
      %swap3A_167 = arith.constant 0 : index
      %swap3A_168 = tpu.vector_load %arg9[%swap3A, %swap3A_167] {strides = array<i32>} : memref<64x128xf32, #tpu.memory_space<vmem>>, vector<1x16xf32>,
      %swap3A_169 = vector.shape_cast %swap3A_168 : vector<1x16xf32> to vector<16xf32>
      %swap3A_170 = vector.shape_cast %broadcast_in_dim3A_0 : vector<16xf32> to vector<1x16xf32>
      tpu.vector_store %arg9[%swap3A, %swap3A_167], %swap3A_170 {strides = array<i32>} : memref<64x128xf32, #tpu.memory_space<vmem>>, vector<1x16xf32>,
      %swap3A_171 = arith.index_cast %scan3A_166 : i32 to index
      %swap3A_172 = arith.constant 16 : index
      %swap3A_173 = tpu.vector_load %arg9[%swap3A_171, %swap3A_172] {strides = array<i32>} : memref<64x128xf32, #tpu.memory_space<vmem>>, vector<1x16xf32>,
      %swap3A_174 = vector.shape_cast %swap3A_173 : vector<1x16xf32> to vector<16xf32>
      %swap3A_175 = vector.shape_cast %broadcast_in_dim3A_0 : vector<16xf32> to vector<1x16xf32>
      tpu.vector_store %arg9[%swap3A_171, %swap3A_172], %swap3A_175 {strides = array<i32>} : memref<64x128xf32, #tpu.memory_space<vmem>>, vector<1x16xf32>,
      %swap3A_176 = arith.index_cast %scan3A_166 : i32 to index
      %swap3A_177 = arith.constant 32 : index
      %swap3A_178 = tpu.vector_load %arg9[%swap3A_176, %swap3A_177] {strides = array<i32>} : memref<64x128xf32, #tpu.memory_space<vmem>>, vector<1x16xf32>,
      %swap3A_179 = vector.shape_cast %swap3A_178 : vector<1x16xf32> to vector<16xf32>
      %swap3A_180 = vector.shape_cast %broadcast_in_dim3A_0 : vector<16xf32> to vector<1x16xf32>
      tpu.vector_store %arg9[%swap3A_176, %swap3A_177], %swap3A_180 {strides = array<i32>} : memref<64x128xf32, #tpu.memory_space<vmem>>, vector<1x16xf32>,
      %swap3A_181 = arith.index_cast %scan3A_166 : i32 to index
      %swap3A_182 = arith.constant 48 : index
      %swap3A_183 = tpu.vector_load %arg9[%swap3A_181, %swap3A_182] {strides = array<i32>} : memref<64x128xf32, #tpu.memory_space<vmem>>, vector<1x16xf32>,
      %swap3A_184 = vector.shape_cast %swap3A_183 : vector<1x16xf32> to vector<16xf32>
      %swap3A_185 = vector.shape_cast %broadcast_in_dim3A_0 : vector<16xf32> to vector<1x16xf32>
      tpu.vector_store %arg9[%swap3A_181, %swap3A_182], %swap3A_185 {strides = array<i32>} : memref<64x128xf32, #tpu.memory_space<vmem>>, vector<1x16xf32>,
      %swap3A_186 = arith.index_cast %scan3A_166 : i32 to index
      %swap3A_187 = arith.constant 64 : index
      %swap3A_188 = tpu.vector_load %arg9[%swap3A_186, %swap3A_187] {strides = array<i32>} : memref<64x128xf32, #tpu.memory_space<vmem>>, vector<1x16xf32>,
      %swap3A_189 = vector.shape_cast %swap3A_188 : vector<1x16xf32> to vector<16xf32>
      %swap3A_190 = vector.shape_cast %broadcast_in_dim3A_0 : vector<16xf32> to vector<1x16xf32>
      tpu.vector_store %arg9[%swap3A_186, %swap3A_187], %swap3A_190 {strides = array<i32>} : memref<64x128xf32, #tpu.memory_space<vmem>>, vector<1x16xf32>,
      %swap3A_191 = arith.index_cast %scan3A_166 : i32 to index
      %swap3A_192 = arith.constant 80 : index
      %swap3A_193 = tpu.vector_load %arg9[%swap3A_191, %swap3A_192] {strides = array<i32>} : memref<64x128xf32, #tpu.memory_space<vmem>>, vector<1x16xf32>,
      %swap3A_194 = vector.shape_cast %swap3A_193 : vector<1x16xf32> to vector<16xf32>
      %swap3A_195 = vector.shape_cast %broadcast_in_dim3A_0 : vector<16xf32> to vector<1x16xf32>
      tpu.vector_store %arg9[%swap3A_191, %swap3A_192], %swap3A_195 {strides = array<i32>} : memref<64x128xf32, #tpu.memory_space<vmem>>, vector<1x16xf32>,
      %swap3A_196 = arith.index_cast %scan3A_166 : i32 to index
      %swap3A_197 = arith.constant 96 : index
      %swap3A_198 = tpu.vector_load %arg9[%swap3A_196, %swap3A_197] {strides = array<i32>} : memref<64x128xf32, #tpu.memory_space<vmem>>, vector<1x16xf32>,
      %swap3A_199 = vector.shape_cast %swap3A_198 : vector<1x16xf32> to vector<16xf32>
      %swap3A_200 = vector.shape_cast %broadcast_in_dim3A_0 : vector<16xf32> to vector<1x16xf32>
      tpu.vector_store %arg9[%swap3A_196, %swap3A_197], %swap3A_200 {strides = array<i32>} : memref<64x128xf32, #tpu.memory_space<vmem>>, vector<1x16xf32>,
      %swap3A_201 = arith.index_cast %scan3A_166 : i32 to index
      %swap3A_202 = arith.constant 112 : index
      %swap3A_203 = tpu.vector_load %arg9[%swap3A_201, %swap3A_202] {strides = array<i32>} : memref<64x128xf32, #tpu.memory_space<vmem>>, vector<1x16xf32>,
      %swap3A_204 = vector.shape_cast %swap3A_203 : vector<1x16xf32> to vector<16xf32>
      %swap3A_205 = vector.shape_cast %broadcast_in_dim3A_0 : vector<16xf32> to vector<1x16xf32>
      tpu.vector_store %arg9[%swap3A_201, %swap3A_202], %swap3A_205 {strides = array<i32>} : memref<64x128xf32, #tpu.memory_space<vmem>>, vector<1x16xf32>,
    }
    %scan3A_5 = arith.constant 64 : i32
    %mul3A = arith.constant 640 : i32
    %mul3A_6 = arith.muli %arg1, %mul3A : i32
    %add3A = arith.constant 0 : i32
    %add3A_7 = arith.addi %mul3A_6, %add3A : i32
    "tpu.region"() ({
      %run_scoped3A = tpu.sem_alloc : memref<!tpu.dma_semaphore, #tpu.memory_space<semaphore_mem>>
      %dma_start3A_166 = arith.constant 0 : i32
      %dma_start3A_167 = tpu.memref_slice %arg5[%add3A_7, %dma_start3A_166] : memref<10240x128xf32, #tpu.memory_space<vmem_shared>> -> memref<64x128xf32, #tpu.memory_space<vmem_shared>>
      %dma_start3A_168 = arith.constant 0 : i32
      %dma_start3A_169 = tpu.memref_slice %arg5[%add3A_7, %dma_start3A_168] : memref<10240x128xf32, #tpu.memory_space<vmem_shared>> -> memref<64x128xf32, #tpu.memory_space<vmem_shared>>
      tpu.enqueue_dma source(%arg9 : memref<64x128xf32, #tpu.memory_space<vmem>>) target(%dma_start3A_169 : memref<64x128xf32, #tpu.memory_space<vmem_shared>>) target_semaphore(%run_scoped3A : memref<!tpu.dma_semaphore, #tpu.memory_space<semaphore_mem>>)
      %dma_wait3A_170 = arith.constant 0 : i32
      %dma_wait3A_171 = tpu.memref_slice %arg5[%add3A_7, %dma_wait3A_170] : memref<10240x128xf32, #tpu.memory_space<vmem_shared>> -> memref<64x128xf32, #tpu.memory_space<vmem_shared>>
      %dma_wait3A_172 = arith.constant 0 : i32
      %dma_wait3A_173 = tpu.memref_slice %arg5[%add3A_7, %dma_wait3A_172] : memref<10240x128xf32, #tpu.memory_space<vmem_shared>> -> memref<64x128xf32, #tpu.memory_space<vmem_shared>>
      tpu.wait_dma2 semaphore(%run_scoped3A : memref<!tpu.dma_semaphore, #tpu.memory_space<semaphore_mem>>) src(%arg9 : memref<64x128xf32, #tpu.memory_space<vmem>>) dst(%dma_wait3A_173 : memref<64x128xf32, #tpu.memory_space<vmem_shared>>)
      tpu.yield
    }) : () -> ()
    %mul3A_8 = arith.constant 640 : i32
    %mul3A_9 = arith.muli %arg1, %mul3A_8 : i32
    %add3A_10 = arith.constant 64 : i32
    %add3A_11 = arith.addi %mul3A_9, %add3A_10 : i32
    "tpu.region"() ({
      %run_scoped3A = tpu.sem_alloc : memref<!tpu.dma_semaphore, #tpu.memory_space<semaphore_mem>>
      %dma_start3A_166 = arith.constant 0 : i32
      %dma_start3A_167 = tpu.memref_slice %arg5[%add3A_11, %dma_start3A_166] : memref<10240x128xf32, #tpu.memory_space<vmem_shared>> -> memref<64x128xf32, #tpu.memory_space<vmem_shared>>
      %dma_start3A_168 = arith.constant 0 : i32
      %dma_start3A_169 = tpu.memref_slice %arg5[%add3A_11, %dma_start3A_168] : memref<10240x128xf32, #tpu.memory_space<vmem_shared>> -> memref<64x128xf32, #tpu.memory_space<vmem_shared>>
      tpu.enqueue_dma source(%arg9 : memref<64x128xf32, #tpu.memory_space<vmem>>) target(%dma_start3A_169 : memref<64x128xf32, #tpu.memory_space<vmem_shared>>) target_semaphore(%run_scoped3A : memref<!tpu.dma_semaphore, #tpu.memory_space<semaphore_mem>>)
      %dma_wait3A_170 = arith.constant 0 : i32
      %dma_wait3A_171 = tpu.memref_slice %arg5[%add3A_11, %dma_wait3A_170] : memref<10240x128xf32, #tpu.memory_space<vmem_shared>> -> memref<64x128xf32, #tpu.memory_space<vmem_shared>>
      %dma_wait3A_172 = arith.constant 0 : i32
      %dma_wait3A_173 = tpu.memref_slice %arg5[%add3A_11, %dma_wait3A_172] : memref<10240x128xf32, #tpu.memory_space<vmem_shared>> -> memref<64x128xf32, #tpu.memory_space<vmem_shared>>
      tpu.wait_dma2 semaphore(%run_scoped3A : memref<!tpu.dma_semaphore, #tpu.memory_space<semaphore_mem>>) src(%arg9 : memref<64x128xf32, #tpu.memory_space<vmem>>) dst(%dma_wait3A_173 : memref<64x128xf32, #tpu.memory_space<vmem_shared>>)
      tpu.yield
    }) : () -> ()
    %mul3A_12 = arith.constant 640 : i32
    %mul3A_13 = arith.muli %arg1, %mul3A_12 : i32
    %add3A_14 = arith.constant 128 : i32
    %add3A_15 = arith.addi %mul3A_13, %add3A_14 : i32
    "tpu.region"() ({
      %run_scoped3A = tpu.sem_alloc : memref<!tpu.dma_semaphore, #tpu.memory_space<semaphore_mem>>
      %dma_start3A_166 = arith.constant 0 : i32
      %dma_start3A_167 = tpu.memref_slice %arg5[%add3A_15, %dma_start3A_166] : memref<10240x128xf32, #tpu.memory_space<vmem_shared>> -> memref<64x128xf32, #tpu.memory_space<vmem_shared>>
      %dma_start3A_168 = arith.constant 0 : i32
      %dma_start3A_169 = tpu.memref_slice %arg5[%add3A_15, %dma_start3A_168] : memref<10240x128xf32, #tpu.memory_space<vmem_shared>> -> memref<64x128xf32, #tpu.memory_space<vmem_shared>>
      tpu.enqueue_dma source(%arg9 : memref<64x128xf32, #tpu.memory_space<vmem>>) target(%dma_start3A_169 : memref<64x128xf32, #tpu.memory_space<vmem_shared>>) target_semaphore(%run_scoped3A : memref<!tpu.dma_semaphore, #tpu.memory_space<semaphore_mem>>)
      %dma_wait3A_170 = arith.constant 0 : i32
      %dma_wait3A_171 = tpu.memref_slice %arg5[%add3A_15, %dma_wait3A_170] : memref<10240x128xf32, #tpu.memory_space<vmem_shared>> -> memref<64x128xf32, #tpu.memory_space<vmem_shared>>
      %dma_wait3A_172 = arith.constant 0 : i32
      %dma_wait3A_173 = tpu.memref_slice %arg5[%add3A_15, %dma_wait3A_172] : memref<10240x128xf32, #tpu.memory_space<vmem_shared>> -> memref<64x128xf32, #tpu.memory_space<vmem_shared>>
      tpu.wait_dma2 semaphore(%run_scoped3A : memref<!tpu.dma_semaphore, #tpu.memory_space<semaphore_mem>>) src(%arg9 : memref<64x128xf32, #tpu.memory_space<vmem>>) dst(%dma_wait3A_173 : memref<64x128xf32, #tpu.memory_space<vmem_shared>>)
      tpu.yield
    }) : () -> ()
    %mul3A_16 = arith.constant 640 : i32
    %mul3A_17 = arith.muli %arg1, %mul3A_16 : i32
    %add3A_18 = arith.constant 192 : i32
    %add3A_19 = arith.addi %mul3A_17, %add3A_18 : i32
    "tpu.region"() ({
      %run_scoped3A = tpu.sem_alloc : memref<!tpu.dma_semaphore, #tpu.memory_space<semaphore_mem>>
      %dma_start3A_166 = arith.constant 0 : i32
      %dma_start3A_167 = tpu.memref_slice %arg5[%add3A_19, %dma_start3A_166] : memref<10240x128xf32, #tpu.memory_space<vmem_shared>> -> memref<64x128xf32, #tpu.memory_space<vmem_shared>>
      %dma_start3A_168 = arith.constant 0 : i32
      %dma_start3A_169 = tpu.memref_slice %arg5[%add3A_19, %dma_start3A_168] : memref<10240x128xf32, #tpu.memory_space<vmem_shared>> -> memref<64x128xf32, #tpu.memory_space<vmem_shared>>
      tpu.enqueue_dma source(%arg9 : memref<64x128xf32, #tpu.memory_space<vmem>>) target(%dma_start3A_169 : memref<64x128xf32, #tpu.memory_space<vmem_shared>>) target_semaphore(%run_scoped3A : memref<!tpu.dma_semaphore, #tpu.memory_space<semaphore_mem>>)
      %dma_wait3A_170 = arith.constant 0 : i32
      %dma_wait3A_171 = tpu.memref_slice %arg5[%add3A_19, %dma_wait3A_170] : memref<10240x128xf32, #tpu.memory_space<vmem_shared>> -> memref<64x128xf32, #tpu.memory_space<vmem_shared>>
      %dma_wait3A_172 = arith.constant 0 : i32
      %dma_wait3A_173 = tpu.memref_slice %arg5[%add3A_19, %dma_wait3A_172] : memref<10240x128xf32, #tpu.memory_space<vmem_shared>> -> memref<64x128xf32, #tpu.memory_space<vmem_shared>>
      tpu.wait_dma2 semaphore(%run_scoped3A : memref<!tpu.dma_semaphore, #tpu.memory_space<semaphore_mem>>) src(%arg9 : memref<64x128xf32, #tpu.memory_space<vmem>>) dst(%dma_wait3A_173 : memref<64x128xf32, #tpu.memory_space<vmem_shared>>)
      tpu.yield
    }) : () -> ()
    %mul3A_20 = arith.constant 640 : i32
    %mul3A_21 = arith.muli %arg1, %mul3A_20 : i32
    %add3A_22 = arith.constant 256 : i32
    %add3A_23 = arith.addi %mul3A_21, %add3A_22 : i32
    "tpu.region"() ({
      %run_scoped3A = tpu.sem_alloc : memref<!tpu.dma_semaphore, #tpu.memory_space<semaphore_mem>>
      %dma_start3A_166 = arith.constant 0 : i32
      %dma_start3A_167 = tpu.memref_slice %arg5[%add3A_23, %dma_start3A_166] : memref<10240x128xf32, #tpu.memory_space<vmem_shared>> -> memref<64x128xf32, #tpu.memory_space<vmem_shared>>
      %dma_start3A_168 = arith.constant 0 : i32
      %dma_start3A_169 = tpu.memref_slice %arg5[%add3A_23, %dma_start3A_168] : memref<10240x128xf32, #tpu.memory_space<vmem_shared>> -> memref<64x128xf32, #tpu.memory_space<vmem_shared>>
      tpu.enqueue_dma source(%arg9 : memref<64x128xf32, #tpu.memory_space<vmem>>) target(%dma_start3A_169 : memref<64x128xf32, #tpu.memory_space<vmem_shared>>) target_semaphore(%run_scoped3A : memref<!tpu.dma_semaphore, #tpu.memory_space<semaphore_mem>>)
      %dma_wait3A_170 = arith.constant 0 : i32
      %dma_wait3A_171 = tpu.memref_slice %arg5[%add3A_23, %dma_wait3A_170] : memref<10240x128xf32, #tpu.memory_space<vmem_shared>> -> memref<64x128xf32, #tpu.memory_space<vmem_shared>>
      %dma_wait3A_172 = arith.constant 0 : i32
      %dma_wait3A_173 = tpu.memref_slice %arg5[%add3A_23, %dma_wait3A_172] : memref<10240x128xf32, #tpu.memory_space<vmem_shared>> -> memref<64x128xf32, #tpu.memory_space<vmem_shared>>
      tpu.wait_dma2 semaphore(%run_scoped3A : memref<!tpu.dma_semaphore, #tpu.memory_space<semaphore_mem>>) src(%arg9 : memref<64x128xf32, #tpu.memory_space<vmem>>) dst(%dma_wait3A_173 : memref<64x128xf32, #tpu.memory_space<vmem_shared>>)
      tpu.yield
    }) : () -> ()
    %mul3A_24 = arith.constant 640 : i32
    %mul3A_25 = arith.muli %arg1, %mul3A_24 : i32
    %add3A_26 = arith.constant 320 : i32
    %add3A_27 = arith.addi %mul3A_25, %add3A_26 : i32
    "tpu.region"() ({
      %run_scoped3A = tpu.sem_alloc : memref<!tpu.dma_semaphore, #tpu.memory_space<semaphore_mem>>
      %dma_start3A_166 = arith.constant 0 : i32
      %dma_start3A_167 = tpu.memref_slice %arg5[%add3A_27, %dma_start3A_166] : memref<10240x128xf32, #tpu.memory_space<vmem_shared>> -> memref<64x128xf32, #tpu.memory_space<vmem_shared>>
      %dma_start3A_168 = arith.constant 0 : i32
      %dma_start3A_169 = tpu.memref_slice %arg5[%add3A_27, %dma_start3A_168] : memref<10240x128xf32, #tpu.memory_space<vmem_shared>> -> memref<64x128xf32, #tpu.memory_space<vmem_shared>>
      tpu.enqueue_dma source(%arg9 : memref<64x128xf32, #tpu.memory_space<vmem>>) target(%dma_start3A_169 : memref<64x128xf32, #tpu.memory_space<vmem_shared>>) target_semaphore(%run_scoped3A : memref<!tpu.dma_semaphore, #tpu.memory_space<semaphore_mem>>)
      %dma_wait3A_170 = arith.constant 0 : i32
      %dma_wait3A_171 = tpu.memref_slice %arg5[%add3A_27, %dma_wait3A_170] : memref<10240x128xf32, #tpu.memory_space<vmem_shared>> -> memref<64x128xf32, #tpu.memory_space<vmem_shared>>
      %dma_wait3A_172 = arith.constant 0 : i32
      %dma_wait3A_173 = tpu.memref_slice %arg5[%add3A_27, %dma_wait3A_172] : memref<10240x128xf32, #tpu.memory_space<vmem_shared>> -> memref<64x128xf32, #tpu.memory_space<vmem_shared>>
      tpu.wait_dma2 semaphore(%run_scoped3A : memref<!tpu.dma_semaphore, #tpu.memory_space<semaphore_mem>>) src(%arg9 : memref<64x128xf32, #tpu.memory_space<vmem>>) dst(%dma_wait3A_173 : memref<64x128xf32, #tpu.memory_space<vmem_shared>>)
      tpu.yield
    }) : () -> ()
    %mul3A_28 = arith.constant 640 : i32
    %mul3A_29 = arith.muli %arg1, %mul3A_28 : i32
    %add3A_30 = arith.constant 384 : i32
    %add3A_31 = arith.addi %mul3A_29, %add3A_30 : i32
    "tpu.region"() ({
      %run_scoped3A = tpu.sem_alloc : memref<!tpu.dma_semaphore, #tpu.memory_space<semaphore_mem>>
      %dma_start3A_166 = arith.constant 0 : i32
      %dma_start3A_167 = tpu.memref_slice %arg5[%add3A_31, %dma_start3A_166] : memref<10240x128xf32, #tpu.memory_space<vmem_shared>> -> memref<64x128xf32, #tpu.memory_space<vmem_shared>>
      %dma_start3A_168 = arith.constant 0 : i32
      %dma_start3A_169 = tpu.memref_slice %arg5[%add3A_31, %dma_start3A_168] : memref<10240x128xf32, #tpu.memory_space<vmem_shared>> -> memref<64x128xf32, #tpu.memory_space<vmem_shared>>
      tpu.enqueue_dma source(%arg9 : memref<64x128xf32, #tpu.memory_space<vmem>>) target(%dma_start3A_169 : memref<64x128xf32, #tpu.memory_space<vmem_shared>>) target_semaphore(%run_scoped3A : memref<!tpu.dma_semaphore, #tpu.memory_space<semaphore_mem>>)
      %dma_wait3A_170 = arith.constant 0 : i32
      %dma_wait3A_171 = tpu.memref_slice %arg5[%add3A_31, %dma_wait3A_170] : memref<10240x128xf32, #tpu.memory_space<vmem_shared>> -> memref<64x128xf32, #tpu.memory_space<vmem_shared>>
      %dma_wait3A_172 = arith.constant 0 : i32
      %dma_wait3A_173 = tpu.memref_slice %arg5[%add3A_31, %dma_wait3A_172] : memref<10240x128xf32, #tpu.memory_space<vmem_shared>> -> memref<64x128xf32, #tpu.memory_space<vmem_shared>>
      tpu.wait_dma2 semaphore(%run_scoped3A : memref<!tpu.dma_semaphore, #tpu.memory_space<semaphore_mem>>) src(%arg9 : memref<64x128xf32, #tpu.memory_space<vmem>>) dst(%dma_wait3A_173 : memref<64x128xf32, #tpu.memory_space<vmem_shared>>)
      tpu.yield
    }) : () -> ()
    %mul3A_32 = arith.constant 640 : i32
    %mul3A_33 = arith.muli %arg1, %mul3A_32 : i32
    %add3A_34 = arith.constant 448 : i32
    %add3A_35 = arith.addi %mul3A_33, %add3A_34 : i32
    "tpu.region"() ({
      %run_scoped3A = tpu.sem_alloc : memref<!tpu.dma_semaphore, #tpu.memory_space<semaphore_mem>>
      %dma_start3A_166 = arith.constant 0 : i32
      %dma_start3A_167 = tpu.memref_slice %arg5[%add3A_35, %dma_start3A_166] : memref<10240x128xf32, #tpu.memory_space<vmem_shared>> -> memref<64x128xf32, #tpu.memory_space<vmem_shared>>
      %dma_start3A_168 = arith.constant 0 : i32
      %dma_start3A_169 = tpu.memref_slice %arg5[%add3A_35, %dma_start3A_168] : memref<10240x128xf32, #tpu.memory_space<vmem_shared>> -> memref<64x128xf32, #tpu.memory_space<vmem_shared>>
      tpu.enqueue_dma source(%arg9 : memref<64x128xf32, #tpu.memory_space<vmem>>) target(%dma_start3A_169 : memref<64x128xf32, #tpu.memory_space<vmem_shared>>) target_semaphore(%run_scoped3A : memref<!tpu.dma_semaphore, #tpu.memory_space<semaphore_mem>>)
      %dma_wait3A_170 = arith.constant 0 : i32
      %dma_wait3A_171 = tpu.memref_slice %arg5[%add3A_35, %dma_wait3A_170] : memref<10240x128xf32, #tpu.memory_space<vmem_shared>> -> memref<64x128xf32, #tpu.memory_space<vmem_shared>>
      %dma_wait3A_172 = arith.constant 0 : i32
      %dma_wait3A_173 = tpu.memref_slice %arg5[%add3A_35, %dma_wait3A_172] : memref<10240x128xf32, #tpu.memory_space<vmem_shared>> -> memref<64x128xf32, #tpu.memory_space<vmem_shared>>
      tpu.wait_dma2 semaphore(%run_scoped3A : memref<!tpu.dma_semaphore, #tpu.memory_space<semaphore_mem>>) src(%arg9 : memref<64x128xf32, #tpu.memory_space<vmem>>) dst(%dma_wait3A_173 : memref<64x128xf32, #tpu.memory_space<vmem_shared>>)
      tpu.yield
    }) : () -> ()
    %mul3A_36 = arith.constant 640 : i32
    %mul3A_37 = arith.muli %arg1, %mul3A_36 : i32
    %add3A_38 = arith.constant 512 : i32
    %add3A_39 = arith.addi %mul3A_37, %add3A_38 : i32
    "tpu.region"() ({
      %run_scoped3A = tpu.sem_alloc : memref<!tpu.dma_semaphore, #tpu.memory_space<semaphore_mem>>
      %dma_start3A_166 = arith.constant 0 : i32
      %dma_start3A_167 = tpu.memref_slice %arg5[%add3A_39, %dma_start3A_166] : memref<10240x128xf32, #tpu.memory_space<vmem_shared>> -> memref<64x128xf32, #tpu.memory_space<vmem_shared>>
      %dma_start3A_168 = arith.constant 0 : i32
      %dma_start3A_169 = tpu.memref_slice %arg5[%add3A_39, %dma_start3A_168] : memref<10240x128xf32, #tpu.memory_space<vmem_shared>> -> memref<64x128xf32, #tpu.memory_space<vmem_shared>>
      tpu.enqueue_dma source(%arg9 : memref<64x128xf32, #tpu.memory_space<vmem>>) target(%dma_start3A_169 : memref<64x128xf32, #tpu.memory_space<vmem_shared>>) target_semaphore(%run_scoped3A : memref<!tpu.dma_semaphore, #tpu.memory_space<semaphore_mem>>)
      %dma_wait3A_170 = arith.constant 0 : i32
      %dma_wait3A_171 = tpu.memref_slice %arg5[%add3A_39, %dma_wait3A_170] : memref<10240x128xf32, #tpu.memory_space<vmem_shared>> -> memref<64x128xf32, #tpu.memory_space<vmem_shared>>
      %dma_wait3A_172 = arith.constant 0 : i32
      %dma_wait3A_173 = tpu.memref_slice %arg5[%add3A_39, %dma_wait3A_172] : memref<10240x128xf32, #tpu.memory_space<vmem_shared>> -> memref<64x128xf32, #tpu.memory_space<vmem_shared>>
      tpu.wait_dma2 semaphore(%run_scoped3A : memref<!tpu.dma_semaphore, #tpu.memory_space<semaphore_mem>>) src(%arg9 : memref<64x128xf32, #tpu.memory_space<vmem>>) dst(%dma_wait3A_173 : memref<64x128xf32, #tpu.memory_space<vmem_shared>>)
      tpu.yield
    }) : () -> ()
    %mul3A_40 = arith.constant 640 : i32
    %mul3A_41 = arith.muli %arg1, %mul3A_40 : i32
    %add3A_42 = arith.constant 576 : i32
    %add3A_43 = arith.addi %mul3A_41, %add3A_42 : i32
    "tpu.region"() ({
      %run_scoped3A = tpu.sem_alloc : memref<!tpu.dma_semaphore, #tpu.memory_space<semaphore_mem>>
      %dma_start3A_166 = arith.constant 0 : i32
      %dma_start3A_167 = tpu.memref_slice %arg5[%add3A_43, %dma_start3A_166] : memref<10240x128xf32, #tpu.memory_space<vmem_shared>> -> memref<64x128xf32, #tpu.memory_space<vmem_shared>>
      %dma_start3A_168 = arith.constant 0 : i32
      %dma_start3A_169 = tpu.memref_slice %arg5[%add3A_43, %dma_start3A_168] : memref<10240x128xf32, #tpu.memory_space<vmem_shared>> -> memref<64x128xf32, #tpu.memory_space<vmem_shared>>
      tpu.enqueue_dma source(%arg9 : memref<64x128xf32, #tpu.memory_space<vmem>>) target(%dma_start3A_169 : memref<64x128xf32, #tpu.memory_space<vmem_shared>>) target_semaphore(%run_scoped3A : memref<!tpu.dma_semaphore, #tpu.memory_space<semaphore_mem>>)
      %dma_wait3A_170 = arith.constant 0 : i32
      %dma_wait3A_171 = tpu.memref_slice %arg5[%add3A_43, %dma_wait3A_170] : memref<10240x128xf32, #tpu.memory_space<vmem_shared>> -> memref<64x128xf32, #tpu.memory_space<vmem_shared>>
      %dma_wait3A_172 = arith.constant 0 : i32
      %dma_wait3A_173 = tpu.memref_slice %arg5[%add3A_43, %dma_wait3A_172] : memref<10240x128xf32, #tpu.memory_space<vmem_shared>> -> memref<64x128xf32, #tpu.memory_space<vmem_shared>>
      tpu.wait_dma2 semaphore(%run_scoped3A : memref<!tpu.dma_semaphore, #tpu.memory_space<semaphore_mem>>) src(%arg9 : memref<64x128xf32, #tpu.memory_space<vmem>>) dst(%dma_wait3A_173 : memref<64x128xf32, #tpu.memory_space<vmem_shared>>)
      tpu.yield
    }) : () -> ()
    %barrier3A = arith.constant 0 : index
    tpu.barrier barrier_id(%barrier3A)
    %mul3A_44 = arith.constant 16 : i32
    %mul3A_45 = arith.muli %arg0, %mul3A_44 : i32
    %add3A_46 = arith.addi %mul3A_45, %arg1 : i32
    %mul3A_47 = arith.constant 10000 : i32
    %mul3A_48 = arith.muli %add3A_46, %mul3A_47 : i32
    "tpu.region"() ({
      %run_scoped3A = tpu.sem_alloc : memref<!tpu.dma_semaphore, #tpu.memory_space<semaphore_mem>>
      %dma_start3A_166 = arith.constant 0 : i32
      %dma_start3A_167 = arith.constant 0 : i32
      %dma_start3A_168 = tpu.memref_slice %arg3[%add3A_46, %dma_start3A_166, %dma_start3A_167] : memref<32x125x80xi32, #tpu.memory_space<hbm>> -> memref<1x125x80xi32, #tpu.memory_space<hbm>>
      %dma_start3A_169 = tpu.memref_squeeze %dma_start3A_168 : memref<1x125x80xi32, #tpu.memory_space<hbm>> -> memref<125x80xi32, #tpu.memory_space<hbm>>
      %dma_start3A_170 = arith.constant 0 : i32
      %dma_start3A_171 = arith.constant 0 : i32
      %dma_start3A_172 = tpu.memref_slice %arg3[%add3A_46, %dma_start3A_170, %dma_start3A_171] : memref<32x125x80xi32, #tpu.memory_space<hbm>> -> memref<1x125x80xi32, #tpu.memory_space<hbm>>
      %dma_start3A_173 = tpu.memref_squeeze %dma_start3A_172 : memref<1x125x80xi32, #tpu.memory_space<hbm>> -> memref<125x80xi32, #tpu.memory_space<hbm>>
      tpu.enqueue_dma source(%dma_start3A_173 : memref<125x80xi32, #tpu.memory_space<hbm>>) target(%arg6 : memref<125x80xi32, #tpu.memory_space<vmem>>) target_semaphore(%run_scoped3A : memref<!tpu.dma_semaphore, #tpu.memory_space<semaphore_mem>>)
      %dma_wait3A_174 = arith.constant 0 : i32
      %dma_wait3A_175 = arith.constant 0 : i32
      %dma_wait3A_176 = tpu.memref_slice %arg3[%add3A_46, %dma_wait3A_174, %dma_wait3A_175] : memref<32x125x80xi32, #tpu.memory_space<hbm>> -> memref<1x125x80xi32, #tpu.memory_space<hbm>>
      %dma_wait3A_177 = tpu.memref_squeeze %dma_wait3A_176 : memref<1x125x80xi32, #tpu.memory_space<hbm>> -> memref<125x80xi32, #tpu.memory_space<hbm>>
      %dma_wait3A_178 = arith.constant 0 : i32
      %dma_wait3A_179 = arith.constant 0 : i32
      %dma_wait3A_180 = tpu.memref_slice %arg3[%add3A_46, %dma_wait3A_178, %dma_wait3A_179] : memref<32x125x80xi32, #tpu.memory_space<hbm>> -> memref<1x125x80xi32, #tpu.memory_space<hbm>>
      %dma_wait3A_181 = tpu.memref_squeeze %dma_wait3A_180 : memref<1x125x80xi32, #tpu.memory_space<hbm>> -> memref<125x80xi32, #tpu.memory_space<hbm>>
      tpu.wait_dma2 semaphore(%run_scoped3A : memref<!tpu.dma_semaphore, #tpu.memory_space<semaphore_mem>>) src(%dma_wait3A_181 : memref<125x80xi32, #tpu.memory_space<hbm>>) dst(%arg6 : memref<125x80xi32, #tpu.memory_space<vmem>>)
      tpu.yield
    }) : () -> ()
    %add3A_49 = arith.constant 0 : i32
    %add3A_50 = arith.addi %mul3A_48, %add3A_49 : i32
    %dma_start3A = arith.constant 0 : i32
    %dma_start3A_51 = tpu.memref_slice %arg2[%add3A_50, %dma_start3A] : memref<320000x128xf32, #tpu.memory_space<hbm>> -> memref<80x128xf32, #tpu.memory_space<hbm>>
    %dma_start3A_52 = arith.constant 0 : i32
    %dma_start3A_53 = tpu.memref_slice %arg2[%add3A_50, %dma_start3A_52] : memref<320000x128xf32, #tpu.memory_space<hbm>> -> memref<80x128xf32, #tpu.memory_space<hbm>>
    tpu.enqueue_dma source(%dma_start3A_53 : memref<80x128xf32, #tpu.memory_space<hbm>>) target(%arg7 : memref<80x128xf32, #tpu.memory_space<vmem>>) target_semaphore(%arg10 : memref<!tpu.dma_semaphore, #tpu.memory_space<semaphore_mem>>)
    %add3A_54 = arith.constant 80 : i32
    %add3A_55 = arith.addi %mul3A_48, %add3A_54 : i32
    %dma_start3A_56 = arith.constant 0 : i32
    %dma_start3A_57 = tpu.memref_slice %arg2[%add3A_55, %dma_start3A_56] : memref<320000x128xf32, #tpu.memory_space<hbm>> -> memref<80x128xf32, #tpu.memory_space<hbm>>
    %dma_start3A_58 = arith.constant 0 : i32
    %dma_start3A_59 = tpu.memref_slice %arg2[%add3A_55, %dma_start3A_58] : memref<320000x128xf32, #tpu.memory_space<hbm>> -> memref<80x128xf32, #tpu.memory_space<hbm>>
    tpu.enqueue_dma source(%dma_start3A_59 : memref<80x128xf32, #tpu.memory_space<hbm>>) target(%arg8 : memref<80x128xf32, #tpu.memory_space<vmem>>) target_semaphore(%arg11 : memref<!tpu.dma_semaphore, #tpu.memory_space<semaphore_mem>>)
    %scan3A_60 = arith.constant 0 : i32
    %scan3A_61 = arith.constant 0 : i32
    %scan3A_62 = arith.constant 61 : i32
    %scan3A_63 = arith.addi %scan3A_61, %scan3A_62 : i32
    %scan3A_64 = arith.constant 1 : i32
    scf.for %scan3A_166 = %scan3A_61 to %scan3A_63 step %scan3A_64  : i32 {
      %mul3A_167 = arith.constant 2 : i32
      %mul3A_168 = arith.muli %mul3A_167, %scan3A_166 : i32
      %dma_wait3A_169 = arith.constant 0 : i32
      %dma_wait3A_170 = tpu.memref_slice %arg2[%mul3A_48, %dma_wait3A_169] : memref<320000x128xf32, #tpu.memory_space<hbm>> -> memref<80x128xf32, #tpu.memory_space<hbm>>
      %dma_wait3A_171 = arith.constant 0 : i32
      %dma_wait3A_172 = tpu.memref_slice %arg2[%mul3A_48, %dma_wait3A_171] : memref<320000x128xf32, #tpu.memory_space<hbm>> -> memref<80x128xf32, #tpu.memory_space<hbm>>
      tpu.wait_dma2 semaphore(%arg10 : memref<!tpu.dma_semaphore, #tpu.memory_space<semaphore_mem>>) src(%dma_wait3A_172 : memref<80x128xf32, #tpu.memory_space<hbm>>) dst(%arg7 : memref<80x128xf32, #tpu.memory_space<vmem>>)
      %dma_start3A_173 = arith.constant 0 : i32
      %dma_start3A_174 = tpu.memref_slice %arg6[%mul3A_168, %dma_start3A_173] : memref<125x80xi32, #tpu.memory_space<vmem>> -> memref<1x80xi32, #tpu.memory_space<vmem>>
      %dma_start3A_175 = tpu.memref_squeeze %dma_start3A_174 : memref<1x80xi32, #tpu.memory_space<vmem>> -> memref<80xi32, #tpu.memory_space<vmem>>
      %dma_start3A_176 = arith.constant 0 : i32
      %dma_start3A_177 = arith.constant 0 : i32
      %dma_start3A_178 = tpu.memref_slice %arg5[%dma_start3A_176, %dma_start3A_177] : memref<10240x128xf32, #tpu.memory_space<vmem_shared>> -> memref<10240x128xf32, #tpu.memory_space<vmem_shared>>
      tpu.enqueue_indirect_dma source(%arg7 : memref<80x128xf32, #tpu.memory_space<vmem>>) target(%dma_start3A_178 : memref<10240x128xf32, #tpu.memory_space<vmem_shared>>) offsets(%dma_start3A_175 : memref<80xi32, #tpu.memory_space<vmem>>) semaphore(%arg12 : memref<!tpu.dma_semaphore, #tpu.memory_space<semaphore_mem>>) {add = true}
      %mul3A_179 = arith.constant 2 : i32
      %mul3A_180 = arith.muli %mul3A_179, %scan3A_166 : i32
      %add3A_181 = arith.constant 2 : i32
      %add3A_182 = arith.addi %mul3A_180, %add3A_181 : i32
      %dma_wait3A_183 = arith.constant 0 : i32
      %dma_wait3A_184 = tpu.memref_slice %arg6[%add3A_182, %dma_wait3A_183] : memref<125x80xi32, #tpu.memory_space<vmem>> -> memref<1x80xi32, #tpu.memory_space<vmem>>
      %dma_wait3A_185 = tpu.memref_squeeze %dma_wait3A_184 : memref<1x80xi32, #tpu.memory_space<vmem>> -> memref<80xi32, #tpu.memory_space<vmem>>
      %dma_wait3A_186 = arith.constant 0 : i32
      %dma_wait3A_187 = arith.constant 0 : i32
      %dma_wait3A_188 = tpu.memref_slice %arg5[%dma_wait3A_186, %dma_wait3A_187] : memref<10240x128xf32, #tpu.memory_space<vmem_shared>> -> memref<10240x128xf32, #tpu.memory_space<vmem_shared>>
      tpu.wait_indirect_dma semaphore(%arg12 : memref<!tpu.dma_semaphore, #tpu.memory_space<semaphore_mem>>) src(%arg7 : memref<80x128xf32, #tpu.memory_space<vmem>>) dst(%dma_wait3A_188 : memref<10240x128xf32, #tpu.memory_space<vmem_shared>>)
      %mul3A_189 = arith.constant 80 : i32
      %mul3A_190 = arith.muli %add3A_182, %mul3A_189 : i32
      %add3A_191 = arith.addi %mul3A_48, %mul3A_190 : i32
      %dma_start3A_192 = arith.constant 0 : i32
      %dma_start3A_193 = tpu.memref_slice %arg2[%add3A_191, %dma_start3A_192] : memref<320000x128xf32, #tpu.memory_space<hbm>> -> memref<80x128xf32, #tpu.memory_space<hbm>>
      %dma_start3A_194 = arith.constant 0 : i32
      %dma_start3A_195 = tpu.memref_slice %arg2[%add3A_191, %dma_start3A_194] : memref<320000x128xf32, #tpu.memory_space<hbm>> -> memref<80x128xf32, #tpu.memory_space<hbm>>
      tpu.enqueue_dma source(%dma_start3A_195 : memref<80x128xf32, #tpu.memory_space<hbm>>) target(%arg7 : memref<80x128xf32, #tpu.memory_space<vmem>>) target_semaphore(%arg10 : memref<!tpu.dma_semaphore, #tpu.memory_space<semaphore_mem>>)
      %mul3A_196 = arith.constant 2 : i32
      %mul3A_197 = arith.muli %mul3A_196, %scan3A_166 : i32
      %add3A_198 = arith.constant 1 : i32
      %add3A_199 = arith.addi %mul3A_197, %add3A_198 : i32
      %dma_wait3A_200 = arith.constant 0 : i32
      %dma_wait3A_201 = tpu.memref_slice %arg2[%mul3A_48, %dma_wait3A_200] : memref<320000x128xf32, #tpu.memory_space<hbm>> -> memref<80x128xf32, #tpu.memory_space<hbm>>
      %dma_wait3A_202 = arith.constant 0 : i32
      %dma_wait3A_203 = tpu.memref_slice %arg2[%mul3A_48, %dma_wait3A_202] : memref<320000x128xf32, #tpu.memory_space<hbm>> -> memref<80x128xf32, #tpu.memory_space<hbm>>
      tpu.wait_dma2 semaphore(%arg11 : memref<!tpu.dma_semaphore, #tpu.memory_space<semaphore_mem>>) src(%dma_wait3A_203 : memref<80x128xf32, #tpu.memory_space<hbm>>) dst(%arg8 : memref<80x128xf32, #tpu.memory_space<vmem>>)
      %dma_start3A_204 = arith.constant 0 : i32
      %dma_start3A_205 = tpu.memref_slice %arg6[%add3A_199, %dma_start3A_204] : memref<125x80xi32, #tpu.memory_space<vmem>> -> memref<1x80xi32, #tpu.memory_space<vmem>>
      %dma_start3A_206 = tpu.memref_squeeze %dma_start3A_205 : memref<1x80xi32, #tpu.memory_space<vmem>> -> memref<80xi32, #tpu.memory_space<vmem>>
      %dma_start3A_207 = arith.constant 0 : i32
      %dma_start3A_208 = arith.constant 0 : i32
      %dma_start3A_209 = tpu.memref_slice %arg5[%dma_start3A_207, %dma_start3A_208] : memref<10240x128xf32, #tpu.memory_space<vmem_shared>> -> memref<10240x128xf32, #tpu.memory_space<vmem_shared>>
      tpu.enqueue_indirect_dma source(%arg8 : memref<80x128xf32, #tpu.memory_space<vmem>>) target(%dma_start3A_209 : memref<10240x128xf32, #tpu.memory_space<vmem_shared>>) offsets(%dma_start3A_206 : memref<80xi32, #tpu.memory_space<vmem>>) semaphore(%arg13 : memref<!tpu.dma_semaphore, #tpu.memory_space<semaphore_mem>>) {add = true}
      %mul3A_210 = arith.constant 2 : i32
      %mul3A_211 = arith.muli %mul3A_210, %scan3A_166 : i32
      %add3A_212 = arith.constant 3 : i32
      %add3A_213 = arith.addi %mul3A_211, %add3A_212 : i32
      %dma_wait3A_214 = arith.constant 0 : i32
      %dma_wait3A_215 = tpu.memref_slice %arg6[%add3A_213, %dma_wait3A_214] : memref<125x80xi32, #tpu.memory_space<vmem>> -> memref<1x80xi32, #tpu.memory_space<vmem>>
      %dma_wait3A_216 = tpu.memref_squeeze %dma_wait3A_215 : memref<1x80xi32, #tpu.memory_space<vmem>> -> memref<80xi32, #tpu.memory_space<vmem>>
      %dma_wait3A_217 = arith.constant 0 : i32
      %dma_wait3A_218 = arith.constant 0 : i32
      %dma_wait3A_219 = tpu.memref_slice %arg5[%dma_wait3A_217, %dma_wait3A_218] : memref<10240x128xf32, #tpu.memory_space<vmem_shared>> -> memref<10240x128xf32, #tpu.memory_space<vmem_shared>>
      tpu.wait_indirect_dma semaphore(%arg13 : memref<!tpu.dma_semaphore, #tpu.memory_space<semaphore_mem>>) src(%arg8 : memref<80x128xf32, #tpu.memory_space<vmem>>) dst(%dma_wait3A_219 : memref<10240x128xf32, #tpu.memory_space<vmem_shared>>)
      %mul3A_220 = arith.constant 80 : i32
      %mul3A_221 = arith.muli %add3A_213, %mul3A_220 : i32
      %add3A_222 = arith.addi %mul3A_48, %mul3A_221 : i32
      %dma_start3A_223 = arith.constant 0 : i32
      %dma_start3A_224 = tpu.memref_slice %arg2[%add3A_222, %dma_start3A_223] : memref<320000x128xf32, #tpu.memory_space<hbm>> -> memref<80x128xf32, #tpu.memory_space<hbm>>
      %dma_start3A_225 = arith.constant 0 : i32
      %dma_start3A_226 = tpu.memref_slice %arg2[%add3A_222, %dma_start3A_225] : memref<320000x128xf32, #tpu.memory_space<hbm>> -> memref<80x128xf32, #tpu.memory_space<hbm>>
      tpu.enqueue_dma source(%dma_start3A_226 : memref<80x128xf32, #tpu.memory_space<hbm>>) target(%arg8 : memref<80x128xf32, #tpu.memory_space<vmem>>) target_semaphore(%arg11 : memref<!tpu.dma_semaphore, #tpu.memory_space<semaphore_mem>>)
    }
    %scan3A_65 = arith.constant 61 : i32
    %dma_wait3A = arith.constant 0 : i32
    %dma_wait3A_66 = tpu.memref_slice %arg2[%mul3A_48, %dma_wait3A] : memref<320000x128xf32, #tpu.memory_space<hbm>> -> memref<80x128xf32, #tpu.memory_space<hbm>>
    %dma_wait3A_67 = arith.constant 0 : i32
    %dma_wait3A_68 = tpu.memref_slice %arg2[%mul3A_48, %dma_wait3A_67] : memref<320000x128xf32, #tpu.memory_space<hbm>> -> memref<80x128xf32, #tpu.memory_space<hbm>>
    tpu.wait_dma2 semaphore(%arg10 : memref<!tpu.dma_semaphore, #tpu.memory_space<semaphore_mem>>) src(%dma_wait3A_68 : memref<80x128xf32, #tpu.memory_space<hbm>>) dst(%arg7 : memref<80x128xf32, #tpu.memory_space<vmem>>)
    %dma_start3A_69 = arith.constant 122 : i32
    %dma_start3A_70 = arith.constant 0 : i32
    %dma_start3A_71 = tpu.memref_slice %arg6[%dma_start3A_69, %dma_start3A_70] : memref<125x80xi32, #tpu.memory_space<vmem>> -> memref<1x80xi32, #tpu.memory_space<vmem>>
    %dma_start3A_72 = tpu.memref_squeeze %dma_start3A_71 : memref<1x80xi32, #tpu.memory_space<vmem>> -> memref<80xi32, #tpu.memory_space<vmem>>
    %dma_start3A_73 = arith.constant 0 : i32
    %dma_start3A_74 = arith.constant 0 : i32
    %dma_start3A_75 = tpu.memref_slice %arg5[%dma_start3A_73, %dma_start3A_74] : memref<10240x128xf32, #tpu.memory_space<vmem_shared>> -> memref<10240x128xf32, #tpu.memory_space<vmem_shared>>
    tpu.enqueue_indirect_dma source(%arg7 : memref<80x128xf32, #tpu.memory_space<vmem>>) target(%dma_start3A_75 : memref<10240x128xf32, #tpu.memory_space<vmem_shared>>) offsets(%dma_start3A_72 : memref<80xi32, #tpu.memory_space<vmem>>) semaphore(%arg12 : memref<!tpu.dma_semaphore, #tpu.memory_space<semaphore_mem>>) {add = true}
    %dma_wait3A_76 = arith.constant 124 : i32
    %dma_wait3A_77 = arith.constant 0 : i32
    %dma_wait3A_78 = tpu.memref_slice %arg6[%dma_wait3A_76, %dma_wait3A_77] : memref<125x80xi32, #tpu.memory_space<vmem>> -> memref<1x80xi32, #tpu.memory_space<vmem>>
    %dma_wait3A_79 = tpu.memref_squeeze %dma_wait3A_78 : memref<1x80xi32, #tpu.memory_space<vmem>> -> memref<80xi32, #tpu.memory_space<vmem>>
    %dma_wait3A_80 = arith.constant 0 : i32
    %dma_wait3A_81 = arith.constant 0 : i32
    %dma_wait3A_82 = tpu.memref_slice %arg5[%dma_wait3A_80, %dma_wait3A_81] : memref<10240x128xf32, #tpu.memory_space<vmem_shared>> -> memref<10240x128xf32, #tpu.memory_space<vmem_shared>>
    tpu.wait_indirect_dma semaphore(%arg12 : memref<!tpu.dma_semaphore, #tpu.memory_space<semaphore_mem>>) src(%arg7 : memref<80x128xf32, #tpu.memory_space<vmem>>) dst(%dma_wait3A_82 : memref<10240x128xf32, #tpu.memory_space<vmem_shared>>)
    %add3A_83 = arith.constant 9920 : i32
    %add3A_84 = arith.addi %mul3A_48, %add3A_83 : i32
    %dma_start3A_85 = arith.constant 0 : i32
    %dma_start3A_86 = tpu.memref_slice %arg2[%add3A_84, %dma_start3A_85] : memref<320000x128xf32, #tpu.memory_space<hbm>> -> memref<80x128xf32, #tpu.memory_space<hbm>>
    %dma_start3A_87 = arith.constant 0 : i32
    %dma_start3A_88 = tpu.memref_slice %arg2[%add3A_84, %dma_start3A_87] : memref<320000x128xf32, #tpu.memory_space<hbm>> -> memref<80x128xf32, #tpu.memory_space<hbm>>
    tpu.enqueue_dma source(%dma_start3A_88 : memref<80x128xf32, #tpu.memory_space<hbm>>) target(%arg7 : memref<80x128xf32, #tpu.memory_space<vmem>>) target_semaphore(%arg10 : memref<!tpu.dma_semaphore, #tpu.memory_space<semaphore_mem>>)
    %dma_wait3A_89 = arith.constant 0 : i32
    %dma_wait3A_90 = tpu.memref_slice %arg2[%mul3A_48, %dma_wait3A_89] : memref<320000x128xf32, #tpu.memory_space<hbm>> -> memref<80x128xf32, #tpu.memory_space<hbm>>
    %dma_wait3A_91 = arith.constant 0 : i32
    %dma_wait3A_92 = tpu.memref_slice %arg2[%mul3A_48, %dma_wait3A_91] : memref<320000x128xf32, #tpu.memory_space<hbm>> -> memref<80x128xf32, #tpu.memory_space<hbm>>
    tpu.wait_dma2 semaphore(%arg11 : memref<!tpu.dma_semaphore, #tpu.memory_space<semaphore_mem>>) src(%dma_wait3A_92 : memref<80x128xf32, #tpu.memory_space<hbm>>) dst(%arg8 : memref<80x128xf32, #tpu.memory_space<vmem>>)
    %dma_start3A_93 = arith.constant 123 : i32
    %dma_start3A_94 = arith.constant 0 : i32
    %dma_start3A_95 = tpu.memref_slice %arg6[%dma_start3A_93, %dma_start3A_94] : memref<125x80xi32, #tpu.memory_space<vmem>> -> memref<1x80xi32, #tpu.memory_space<vmem>>
    %dma_start3A_96 = tpu.memref_squeeze %dma_start3A_95 : memref<1x80xi32, #tpu.memory_space<vmem>> -> memref<80xi32, #tpu.memory_space<vmem>>
    %dma_start3A_97 = arith.constant 0 : i32
    %dma_start3A_98 = arith.constant 0 : i32
    %dma_start3A_99 = tpu.memref_slice %arg5[%dma_start3A_97, %dma_start3A_98] : memref<10240x128xf32, #tpu.memory_space<vmem_shared>> -> memref<10240x128xf32, #tpu.memory_space<vmem_shared>>
    tpu.enqueue_indirect_dma source(%arg8 : memref<80x128xf32, #tpu.memory_space<vmem>>) target(%dma_start3A_99 : memref<10240x128xf32, #tpu.memory_space<vmem_shared>>) offsets(%dma_start3A_96 : memref<80xi32, #tpu.memory_space<vmem>>) semaphore(%arg13 : memref<!tpu.dma_semaphore, #tpu.memory_space<semaphore_mem>>) {add = true}
    %dma_wait3A_100 = arith.constant 0 : i32
    %dma_wait3A_101 = tpu.memref_slice %arg2[%mul3A_48, %dma_wait3A_100] : memref<320000x128xf32, #tpu.memory_space<hbm>> -> memref<80x128xf32, #tpu.memory_space<hbm>>
    %dma_wait3A_102 = arith.constant 0 : i32
    %dma_wait3A_103 = tpu.memref_slice %arg2[%mul3A_48, %dma_wait3A_102] : memref<320000x128xf32, #tpu.memory_space<hbm>> -> memref<80x128xf32, #tpu.memory_space<hbm>>
    tpu.wait_dma2 semaphore(%arg10 : memref<!tpu.dma_semaphore, #tpu.memory_space<semaphore_mem>>) src(%dma_wait3A_103 : memref<80x128xf32, #tpu.memory_space<hbm>>) dst(%arg7 : memref<80x128xf32, #tpu.memory_space<vmem>>)
    %dma_start3A_104 = arith.constant 124 : i32
    %dma_start3A_105 = arith.constant 0 : i32
    %dma_start3A_106 = tpu.memref_slice %arg6[%dma_start3A_104, %dma_start3A_105] : memref<125x80xi32, #tpu.memory_space<vmem>> -> memref<1x80xi32, #tpu.memory_space<vmem>>
    %dma_start3A_107 = tpu.memref_squeeze %dma_start3A_106 : memref<1x80xi32, #tpu.memory_space<vmem>> -> memref<80xi32, #tpu.memory_space<vmem>>
    %dma_start3A_108 = arith.constant 0 : i32
    %dma_start3A_109 = arith.constant 0 : i32
    %dma_start3A_110 = tpu.memref_slice %arg5[%dma_start3A_108, %dma_start3A_109] : memref<10240x128xf32, #tpu.memory_space<vmem_shared>> -> memref<10240x128xf32, #tpu.memory_space<vmem_shared>>
    tpu.enqueue_indirect_dma source(%arg7 : memref<80x128xf32, #tpu.memory_space<vmem>>) target(%dma_start3A_110 : memref<10240x128xf32, #tpu.memory_space<vmem_shared>>) offsets(%dma_start3A_107 : memref<80xi32, #tpu.memory_space<vmem>>) semaphore(%arg12 : memref<!tpu.dma_semaphore, #tpu.memory_space<semaphore_mem>>) {add = true}
    %dma_wait3A_111 = arith.constant 0 : i32
    %dma_wait3A_112 = arith.constant 0 : i32
    %dma_wait3A_113 = tpu.memref_slice %arg6[%dma_wait3A_111, %dma_wait3A_112] : memref<125x80xi32, #tpu.memory_space<vmem>> -> memref<1x80xi32, #tpu.memory_space<vmem>>
    %dma_wait3A_114 = tpu.memref_squeeze %dma_wait3A_113 : memref<1x80xi32, #tpu.memory_space<vmem>> -> memref<80xi32, #tpu.memory_space<vmem>>
    %dma_wait3A_115 = arith.constant 0 : i32
    %dma_wait3A_116 = arith.constant 0 : i32
    %dma_wait3A_117 = tpu.memref_slice %arg5[%dma_wait3A_115, %dma_wait3A_116] : memref<10240x128xf32, #tpu.memory_space<vmem_shared>> -> memref<10240x128xf32, #tpu.memory_space<vmem_shared>>
    tpu.wait_indirect_dma semaphore(%arg12 : memref<!tpu.dma_semaphore, #tpu.memory_space<semaphore_mem>>) src(%arg7 : memref<80x128xf32, #tpu.memory_space<vmem>>) dst(%dma_wait3A_117 : memref<10240x128xf32, #tpu.memory_space<vmem_shared>>)
    %dma_wait3A_118 = arith.constant 0 : i32
    %dma_wait3A_119 = arith.constant 0 : i32
    %dma_wait3A_120 = tpu.memref_slice %arg6[%dma_wait3A_118, %dma_wait3A_119] : memref<125x80xi32, #tpu.memory_space<vmem>> -> memref<1x80xi32, #tpu.memory_space<vmem>>
    %dma_wait3A_121 = tpu.memref_squeeze %dma_wait3A_120 : memref<1x80xi32, #tpu.memory_space<vmem>> -> memref<80xi32, #tpu.memory_space<vmem>>
    %dma_wait3A_122 = arith.constant 0 : i32
    %dma_wait3A_123 = arith.constant 0 : i32
    %dma_wait3A_124 = tpu.memref_slice %arg5[%dma_wait3A_122, %dma_wait3A_123] : memref<10240x128xf32, #tpu.memory_space<vmem_shared>> -> memref<10240x128xf32, #tpu.memory_space<vmem_shared>>
    tpu.wait_indirect_dma semaphore(%arg13 : memref<!tpu.dma_semaphore, #tpu.memory_space<semaphore_mem>>) src(%arg8 : memref<80x128xf32, #tpu.memory_space<vmem>>) dst(%dma_wait3A_124 : memref<10240x128xf32, #tpu.memory_space<vmem_shared>>)
    %barrier3A_125 = arith.constant 0 : index
    tpu.barrier barrier_id(%barrier3A_125)
    %mul3A_126 = arith.constant 640 : i32
    %mul3A_127 = arith.muli %arg1, %mul3A_126 : i32
    %add3A_128 = arith.constant 0 : i32
    %add3A_129 = arith.addi %mul3A_127, %add3A_128 : i32
    "tpu.region"() ({
      %run_scoped3A = tpu.sem_alloc : memref<!tpu.dma_semaphore, #tpu.memory_space<semaphore_mem>>
      %dma_start3A_166 = arith.constant 0 : i32
      %dma_start3A_167 = tpu.memref_slice %arg5[%add3A_129, %dma_start3A_166] : memref<10240x128xf32, #tpu.memory_space<vmem_shared>> -> memref<64x128xf32, #tpu.memory_space<vmem_shared>>
      %dma_start3A_168 = arith.constant 0 : i32
      %dma_start3A_169 = tpu.memref_slice %arg5[%add3A_129, %dma_start3A_168] : memref<10240x128xf32, #tpu.memory_space<vmem_shared>> -> memref<64x128xf32, #tpu.memory_space<vmem_shared>>
      tpu.enqueue_dma source(%dma_start3A_169 : memref<64x128xf32, #tpu.memory_space<vmem_shared>>) target(%arg9 : memref<64x128xf32, #tpu.memory_space<vmem>>) target_semaphore(%run_scoped3A : memref<!tpu.dma_semaphore, #tpu.memory_space<semaphore_mem>>)
      %dma_wait3A_170 = arith.constant 0 : i32
      %dma_wait3A_171 = tpu.memref_slice %arg5[%add3A_129, %dma_wait3A_170] : memref<10240x128xf32, #tpu.memory_space<vmem_shared>> -> memref<64x128xf32, #tpu.memory_space<vmem_shared>>
      %dma_wait3A_172 = arith.constant 0 : i32
      %dma_wait3A_173 = tpu.memref_slice %arg5[%add3A_129, %dma_wait3A_172] : memref<10240x128xf32, #tpu.memory_space<vmem_shared>> -> memref<64x128xf32, #tpu.memory_space<vmem_shared>>
      tpu.wait_dma2 semaphore(%run_scoped3A : memref<!tpu.dma_semaphore, #tpu.memory_space<semaphore_mem>>) src(%dma_wait3A_173 : memref<64x128xf32, #tpu.memory_space<vmem_shared>>) dst(%arg9 : memref<64x128xf32, #tpu.memory_space<vmem>>)
      tpu.yield
    }) : () -> ()
    "tpu.region"() ({
      %run_scoped3A = tpu.sem_alloc : memref<!tpu.dma_semaphore, #tpu.memory_space<semaphore_mem>>
      %dma_start3A_166 = arith.constant 0 : i32
      %dma_start3A_167 = tpu.memref_slice %arg4[%arg0, %add3A_129, %dma_start3A_166] : memref<2x10240x128xf32, #tpu.memory_space<hbm>> -> memref<1x64x128xf32, #tpu.memory_space<hbm>>
      %dma_start3A_168 = tpu.memref_squeeze %dma_start3A_167 : memref<1x64x128xf32, #tpu.memory_space<hbm>> -> memref<64x128xf32, #tpu.memory_space<hbm>>
      %dma_start3A_169 = arith.constant 0 : i32
      %dma_start3A_170 = tpu.memref_slice %arg4[%arg0, %add3A_129, %dma_start3A_169] : memref<2x10240x128xf32, #tpu.memory_space<hbm>> -> memref<1x64x128xf32, #tpu.memory_space<hbm>>
      %dma_start3A_171 = tpu.memref_squeeze %dma_start3A_170 : memref<1x64x128xf32, #tpu.memory_space<hbm>> -> memref<64x128xf32, #tpu.memory_space<hbm>>
      tpu.enqueue_dma source(%arg9 : memref<64x128xf32, #tpu.memory_space<vmem>>) target(%dma_start3A_171 : memref<64x128xf32, #tpu.memory_space<hbm>>) target_semaphore(%run_scoped3A : memref<!tpu.dma_semaphore, #tpu.memory_space<semaphore_mem>>)
      %dma_wait3A_172 = arith.constant 0 : i32
      %dma_wait3A_173 = tpu.memref_slice %arg4[%arg0, %add3A_129, %dma_wait3A_172] : memref<2x10240x128xf32, #tpu.memory_space<hbm>> -> memref<1x64x128xf32, #tpu.memory_space<hbm>>
      %dma_wait3A_174 = tpu.memref_squeeze %dma_wait3A_173 : memref<1x64x128xf32, #tpu.memory_space<hbm>> -> memref<64x128xf32, #tpu.memory_space<hbm>>
      %dma_wait3A_175 = arith.constant 0 : i32
      %dma_wait3A_176 = tpu.memref_slice %arg4[%arg0, %add3A_129, %dma_wait3A_175] : memref<2x10240x128xf32, #tpu.memory_space<hbm>> -> memref<1x64x128xf32, #tpu.memory_space<hbm>>
      %dma_wait3A_177 = tpu.memref_squeeze %dma_wait3A_176 : memref<1x64x128xf32, #tpu.memory_space<hbm>> -> memref<64x128xf32, #tpu.memory_space<hbm>>
      tpu.wait_dma2 semaphore(%run_scoped3A : memref<!tpu.dma_semaphore, #tpu.memory_space<semaphore_mem>>) src(%arg9 : memref<64x128xf32, #tpu.memory_space<vmem>>) dst(%dma_wait3A_177 : memref<64x128xf32, #tpu.memory_space<hbm>>)
      tpu.yield
    }) : () -> ()
    %mul3A_130 = arith.constant 640 : i32
    %mul3A_131 = arith.muli %arg1, %mul3A_130 : i32
    %add3A_132 = arith.constant 64 : i32
    %add3A_133 = arith.addi %mul3A_131, %add3A_132 : i32
    "tpu.region"() ({
      %run_scoped3A = tpu.sem_alloc : memref<!tpu.dma_semaphore, #tpu.memory_space<semaphore_mem>>
      %dma_start3A_166 = arith.constant 0 : i32
      %dma_start3A_167 = tpu.memref_slice %arg5[%add3A_133, %dma_start3A_166] : memref<10240x128xf32, #tpu.memory_space<vmem_shared>> -> memref<64x128xf32, #tpu.memory_space<vmem_shared>>
      %dma_start3A_168 = arith.constant 0 : i32
      %dma_start3A_169 = tpu.memref_slice %arg5[%add3A_133, %dma_start3A_168] : memref<10240x128xf32, #tpu.memory_space<vmem_shared>> -> memref<64x128xf32, #tpu.memory_space<vmem_shared>>
      tpu.enqueue_dma source(%dma_start3A_169 : memref<64x128xf32, #tpu.memory_space<vmem_shared>>) target(%arg9 : memref<64x128xf32, #tpu.memory_space<vmem>>) target_semaphore(%run_scoped3A : memref<!tpu.dma_semaphore, #tpu.memory_space<semaphore_mem>>)
      %dma_wait3A_170 = arith.constant 0 : i32
      %dma_wait3A_171 = tpu.memref_slice %arg5[%add3A_133, %dma_wait3A_170] : memref<10240x128xf32, #tpu.memory_space<vmem_shared>> -> memref<64x128xf32, #tpu.memory_space<vmem_shared>>
      %dma_wait3A_172 = arith.constant 0 : i32
      %dma_wait3A_173 = tpu.memref_slice %arg5[%add3A_133, %dma_wait3A_172] : memref<10240x128xf32, #tpu.memory_space<vmem_shared>> -> memref<64x128xf32, #tpu.memory_space<vmem_shared>>
      tpu.wait_dma2 semaphore(%run_scoped3A : memref<!tpu.dma_semaphore, #tpu.memory_space<semaphore_mem>>) src(%dma_wait3A_173 : memref<64x128xf32, #tpu.memory_space<vmem_shared>>) dst(%arg9 : memref<64x128xf32, #tpu.memory_space<vmem>>)
      tpu.yield
    }) : () -> ()
    "tpu.region"() ({
      %run_scoped3A = tpu.sem_alloc : memref<!tpu.dma_semaphore, #tpu.memory_space<semaphore_mem>>
      %dma_start3A_166 = arith.constant 0 : i32
      %dma_start3A_167 = tpu.memref_slice %arg4[%arg0, %add3A_133, %dma_start3A_166] : memref<2x10240x128xf32, #tpu.memory_space<hbm>> -> memref<1x64x128xf32, #tpu.memory_space<hbm>>
      %dma_start3A_168 = tpu.memref_squeeze %dma_start3A_167 : memref<1x64x128xf32, #tpu.memory_space<hbm>> -> memref<64x128xf32, #tpu.memory_space<hbm>>
      %dma_start3A_169 = arith.constant 0 : i32
      %dma_start3A_170 = tpu.memref_slice %arg4[%arg0, %add3A_133, %dma_start3A_169] : memref<2x10240x128xf32, #tpu.memory_space<hbm>> -> memref<1x64x128xf32, #tpu.memory_space<hbm>>
      %dma_start3A_171 = tpu.memref_squeeze %dma_start3A_170 : memref<1x64x128xf32, #tpu.memory_space<hbm>> -> memref<64x128xf32, #tpu.memory_space<hbm>>
      tpu.enqueue_dma source(%arg9 : memref<64x128xf32, #tpu.memory_space<vmem>>) target(%dma_start3A_171 : memref<64x128xf32, #tpu.memory_space<hbm>>) target_semaphore(%run_scoped3A : memref<!tpu.dma_semaphore, #tpu.memory_space<semaphore_mem>>)
      %dma_wait3A_172 = arith.constant 0 : i32
      %dma_wait3A_173 = tpu.memref_slice %arg4[%arg0, %add3A_133, %dma_wait3A_172] : memref<2x10240x128xf32, #tpu.memory_space<hbm>> -> memref<1x64x128xf32, #tpu.memory_space<hbm>>
      %dma_wait3A_174 = tpu.memref_squeeze %dma_wait3A_173 : memref<1x64x128xf32, #tpu.memory_space<hbm>> -> memref<64x128xf32, #tpu.memory_space<hbm>>
      %dma_wait3A_175 = arith.constant 0 : i32
      %dma_wait3A_176 = tpu.memref_slice %arg4[%arg0, %add3A_133, %dma_wait3A_175] : memref<2x10240x128xf32, #tpu.memory_space<hbm>> -> memref<1x64x128xf32, #tpu.memory_space<hbm>>
      %dma_wait3A_177 = tpu.memref_squeeze %dma_wait3A_176 : memref<1x64x128xf32, #tpu.memory_space<hbm>> -> memref<64x128xf32, #tpu.memory_space<hbm>>
      tpu.wait_dma2 semaphore(%run_scoped3A : memref<!tpu.dma_semaphore, #tpu.memory_space<semaphore_mem>>) src(%arg9 : memref<64x128xf32, #tpu.memory_space<vmem>>) dst(%dma_wait3A_177 : memref<64x128xf32, #tpu.memory_space<hbm>>)
      tpu.yield
    }) : () -> ()
    %mul3A_134 = arith.constant 640 : i32
    %mul3A_135 = arith.muli %arg1, %mul3A_134 : i32
    %add3A_136 = arith.constant 128 : i32
    %add3A_137 = arith.addi %mul3A_135, %add3A_136 : i32
    "tpu.region"() ({
      %run_scoped3A = tpu.sem_alloc : memref<!tpu.dma_semaphore, #tpu.memory_space<semaphore_mem>>
      %dma_start3A_166 = arith.constant 0 : i32
      %dma_start3A_167 = tpu.memref_slice %arg5[%add3A_137, %dma_start3A_166] : memref<10240x128xf32, #tpu.memory_space<vmem_shared>> -> memref<64x128xf32, #tpu.memory_space<vmem_shared>>
      %dma_start3A_168 = arith.constant 0 : i32
      %dma_start3A_169 = tpu.memref_slice %arg5[%add3A_137, %dma_start3A_168] : memref<10240x128xf32, #tpu.memory_space<vmem_shared>> -> memref<64x128xf32, #tpu.memory_space<vmem_shared>>
      tpu.enqueue_dma source(%dma_start3A_169 : memref<64x128xf32, #tpu.memory_space<vmem_shared>>) target(%arg9 : memref<64x128xf32, #tpu.memory_space<vmem>>) target_semaphore(%run_scoped3A : memref<!tpu.dma_semaphore, #tpu.memory_space<semaphore_mem>>)
      %dma_wait3A_170 = arith.constant 0 : i32
      %dma_wait3A_171 = tpu.memref_slice %arg5[%add3A_137, %dma_wait3A_170] : memref<10240x128xf32, #tpu.memory_space<vmem_shared>> -> memref<64x128xf32, #tpu.memory_space<vmem_shared>>
      %dma_wait3A_172 = arith.constant 0 : i32
      %dma_wait3A_173 = tpu.memref_slice %arg5[%add3A_137, %dma_wait3A_172] : memref<10240x128xf32, #tpu.memory_space<vmem_shared>> -> memref<64x128xf32, #tpu.memory_space<vmem_shared>>
      tpu.wait_dma2 semaphore(%run_scoped3A : memref<!tpu.dma_semaphore, #tpu.memory_space<semaphore_mem>>) src(%dma_wait3A_173 : memref<64x128xf32, #tpu.memory_space<vmem_shared>>) dst(%arg9 : memref<64x128xf32, #tpu.memory_space<vmem>>)
      tpu.yield
    }) : () -> ()
    "tpu.region"() ({
      %run_scoped3A = tpu.sem_alloc : memref<!tpu.dma_semaphore, #tpu.memory_space<semaphore_mem>>
      %dma_start3A_166 = arith.constant 0 : i32
      %dma_start3A_167 = tpu.memref_slice %arg4[%arg0, %add3A_137, %dma_start3A_166] : memref<2x10240x128xf32, #tpu.memory_space<hbm>> -> memref<1x64x128xf32, #tpu.memory_space<hbm>>
      %dma_start3A_168 = tpu.memref_squeeze %dma_start3A_167 : memref<1x64x128xf32, #tpu.memory_space<hbm>> -> memref<64x128xf32, #tpu.memory_space<hbm>>
      %dma_start3A_169 = arith.constant 0 : i32
      %dma_start3A_170 = tpu.memref_slice %arg4[%arg0, %add3A_137, %dma_start3A_169] : memref<2x10240x128xf32, #tpu.memory_space<hbm>> -> memref<1x64x128xf32, #tpu.memory_space<hbm>>
      %dma_start3A_171 = tpu.memref_squeeze %dma_start3A_170 : memref<1x64x128xf32, #tpu.memory_space<hbm>> -> memref<64x128xf32, #tpu.memory_space<hbm>>
      tpu.enqueue_dma source(%arg9 : memref<64x128xf32, #tpu.memory_space<vmem>>) target(%dma_start3A_171 : memref<64x128xf32, #tpu.memory_space<hbm>>) target_semaphore(%run_scoped3A : memref<!tpu.dma_semaphore, #tpu.memory_space<semaphore_mem>>)
      %dma_wait3A_172 = arith.constant 0 : i32
      %dma_wait3A_173 = tpu.memref_slice %arg4[%arg0, %add3A_137, %dma_wait3A_172] : memref<2x10240x128xf32, #tpu.memory_space<hbm>> -> memref<1x64x128xf32, #tpu.memory_space<hbm>>
      %dma_wait3A_174 = tpu.memref_squeeze %dma_wait3A_173 : memref<1x64x128xf32, #tpu.memory_space<hbm>> -> memref<64x128xf32, #tpu.memory_space<hbm>>
      %dma_wait3A_175 = arith.constant 0 : i32
      %dma_wait3A_176 = tpu.memref_slice %arg4[%arg0, %add3A_137, %dma_wait3A_175] : memref<2x10240x128xf32, #tpu.memory_space<hbm>> -> memref<1x64x128xf32, #tpu.memory_space<hbm>>
      %dma_wait3A_177 = tpu.memref_squeeze %dma_wait3A_176 : memref<1x64x128xf32, #tpu.memory_space<hbm>> -> memref<64x128xf32, #tpu.memory_space<hbm>>
      tpu.wait_dma2 semaphore(%run_scoped3A : memref<!tpu.dma_semaphore, #tpu.memory_space<semaphore_mem>>) src(%arg9 : memref<64x128xf32, #tpu.memory_space<vmem>>) dst(%dma_wait3A_177 : memref<64x128xf32, #tpu.memory_space<hbm>>)
      tpu.yield
    }) : () -> ()
    %mul3A_138 = arith.constant 640 : i32
    %mul3A_139 = arith.muli %arg1, %mul3A_138 : i32
    %add3A_140 = arith.constant 192 : i32
    %add3A_141 = arith.addi %mul3A_139, %add3A_140 : i32
    "tpu.region"() ({
      %run_scoped3A = tpu.sem_alloc : memref<!tpu.dma_semaphore, #tpu.memory_space<semaphore_mem>>
      %dma_start3A_166 = arith.constant 0 : i32
      %dma_start3A_167 = tpu.memref_slice %arg5[%add3A_141, %dma_start3A_166] : memref<10240x128xf32, #tpu.memory_space<vmem_shared>> -> memref<64x128xf32, #tpu.memory_space<vmem_shared>>
      %dma_start3A_168 = arith.constant 0 : i32
      %dma_start3A_169 = tpu.memref_slice %arg5[%add3A_141, %dma_start3A_168] : memref<10240x128xf32, #tpu.memory_space<vmem_shared>> -> memref<64x128xf32, #tpu.memory_space<vmem_shared>>
      tpu.enqueue_dma source(%dma_start3A_169 : memref<64x128xf32, #tpu.memory_space<vmem_shared>>) target(%arg9 : memref<64x128xf32, #tpu.memory_space<vmem>>) target_semaphore(%run_scoped3A : memref<!tpu.dma_semaphore, #tpu.memory_space<semaphore_mem>>)
      %dma_wait3A_170 = arith.constant 0 : i32
      %dma_wait3A_171 = tpu.memref_slice %arg5[%add3A_141, %dma_wait3A_170] : memref<10240x128xf32, #tpu.memory_space<vmem_shared>> -> memref<64x128xf32, #tpu.memory_space<vmem_shared>>
      %dma_wait3A_172 = arith.constant 0 : i32
      %dma_wait3A_173 = tpu.memref_slice %arg5[%add3A_141, %dma_wait3A_172] : memref<10240x128xf32, #tpu.memory_space<vmem_shared>> -> memref<64x128xf32, #tpu.memory_space<vmem_shared>>
      tpu.wait_dma2 semaphore(%run_scoped3A : memref<!tpu.dma_semaphore, #tpu.memory_space<semaphore_mem>>) src(%dma_wait3A_173 : memref<64x128xf32, #tpu.memory_space<vmem_shared>>) dst(%arg9 : memref<64x128xf32, #tpu.memory_space<vmem>>)
      tpu.yield
    }) : () -> ()
    "tpu.region"() ({
      %run_scoped3A = tpu.sem_alloc : memref<!tpu.dma_semaphore, #tpu.memory_space<semaphore_mem>>
      %dma_start3A_166 = arith.constant 0 : i32
      %dma_start3A_167 = tpu.memref_slice %arg4[%arg0, %add3A_141, %dma_start3A_166] : memref<2x10240x128xf32, #tpu.memory_space<hbm>> -> memref<1x64x128xf32, #tpu.memory_space<hbm>>
      %dma_start3A_168 = tpu.memref_squeeze %dma_start3A_167 : memref<1x64x128xf32, #tpu.memory_space<hbm>> -> memref<64x128xf32, #tpu.memory_space<hbm>>
      %dma_start3A_169 = arith.constant 0 : i32
      %dma_start3A_170 = tpu.memref_slice %arg4[%arg0, %add3A_141, %dma_start3A_169] : memref<2x10240x128xf32, #tpu.memory_space<hbm>> -> memref<1x64x128xf32, #tpu.memory_space<hbm>>
      %dma_start3A_171 = tpu.memref_squeeze %dma_start3A_170 : memref<1x64x128xf32, #tpu.memory_space<hbm>> -> memref<64x128xf32, #tpu.memory_space<hbm>>
      tpu.enqueue_dma source(%arg9 : memref<64x128xf32, #tpu.memory_space<vmem>>) target(%dma_start3A_171 : memref<64x128xf32, #tpu.memory_space<hbm>>) target_semaphore(%run_scoped3A : memref<!tpu.dma_semaphore, #tpu.memory_space<semaphore_mem>>)
      %dma_wait3A_172 = arith.constant 0 : i32
      %dma_wait3A_173 = tpu.memref_slice %arg4[%arg0, %add3A_141, %dma_wait3A_172] : memref<2x10240x128xf32, #tpu.memory_space<hbm>> -> memref<1x64x128xf32, #tpu.memory_space<hbm>>
      %dma_wait3A_174 = tpu.memref_squeeze %dma_wait3A_173 : memref<1x64x128xf32, #tpu.memory_space<hbm>> -> memref<64x128xf32, #tpu.memory_space<hbm>>
      %dma_wait3A_175 = arith.constant 0 : i32
      %dma_wait3A_176 = tpu.memref_slice %arg4[%arg0, %add3A_141, %dma_wait3A_175] : memref<2x10240x128xf32, #tpu.memory_space<hbm>> -> memref<1x64x128xf32, #tpu.memory_space<hbm>>
      %dma_wait3A_177 = tpu.memref_squeeze %dma_wait3A_176 : memref<1x64x128xf32, #tpu.memory_space<hbm>> -> memref<64x128xf32, #tpu.memory_space<hbm>>
      tpu.wait_dma2 semaphore(%run_scoped3A : memref<!tpu.dma_semaphore, #tpu.memory_space<semaphore_mem>>) src(%arg9 : memref<64x128xf32, #tpu.memory_space<vmem>>) dst(%dma_wait3A_177 : memref<64x128xf32, #tpu.memory_space<hbm>>)
      tpu.yield
    }) : () -> ()
    %mul3A_142 = arith.constant 640 : i32
    %mul3A_143 = arith.muli %arg1, %mul3A_142 : i32
    %add3A_144 = arith.constant 256 : i32
    %add3A_145 = arith.addi %mul3A_143, %add3A_144 : i32
    "tpu.region"() ({
      %run_scoped3A = tpu.sem_alloc : memref<!tpu.dma_semaphore, #tpu.memory_space<semaphore_mem>>
      %dma_start3A_166 = arith.constant 0 : i32
      %dma_start3A_167 = tpu.memref_slice %arg5[%add3A_145, %dma_start3A_166] : memref<10240x128xf32, #tpu.memory_space<vmem_shared>> -> memref<64x128xf32, #tpu.memory_space<vmem_shared>>
      %dma_start3A_168 = arith.constant 0 : i32
      %dma_start3A_169 = tpu.memref_slice %arg5[%add3A_145, %dma_start3A_168] : memref<10240x128xf32, #tpu.memory_space<vmem_shared>> -> memref<64x128xf32, #tpu.memory_space<vmem_shared>>
      tpu.enqueue_dma source(%dma_start3A_169 : memref<64x128xf32, #tpu.memory_space<vmem_shared>>) target(%arg9 : memref<64x128xf32, #tpu.memory_space<vmem>>) target_semaphore(%run_scoped3A : memref<!tpu.dma_semaphore, #tpu.memory_space<semaphore_mem>>)
      %dma_wait3A_170 = arith.constant 0 : i32
      %dma_wait3A_171 = tpu.memref_slice %arg5[%add3A_145, %dma_wait3A_170] : memref<10240x128xf32, #tpu.memory_space<vmem_shared>> -> memref<64x128xf32, #tpu.memory_space<vmem_shared>>
      %dma_wait3A_172 = arith.constant 0 : i32
      %dma_wait3A_173 = tpu.memref_slice %arg5[%add3A_145, %dma_wait3A_172] : memref<10240x128xf32, #tpu.memory_space<vmem_shared>> -> memref<64x128xf32, #tpu.memory_space<vmem_shared>>
      tpu.wait_dma2 semaphore(%run_scoped3A : memref<!tpu.dma_semaphore, #tpu.memory_space<semaphore_mem>>) src(%dma_wait3A_173 : memref<64x128xf32, #tpu.memory_space<vmem_shared>>) dst(%arg9 : memref<64x128xf32, #tpu.memory_space<vmem>>)
      tpu.yield
    }) : () -> ()
    "tpu.region"() ({
      %run_scoped3A = tpu.sem_alloc : memref<!tpu.dma_semaphore, #tpu.memory_space<semaphore_mem>>
      %dma_start3A_166 = arith.constant 0 : i32
      %dma_start3A_167 = tpu.memref_slice %arg4[%arg0, %add3A_145, %dma_start3A_166] : memref<2x10240x128xf32, #tpu.memory_space<hbm>> -> memref<1x64x128xf32, #tpu.memory_space<hbm>>
      %dma_start3A_168 = tpu.memref_squeeze %dma_start3A_167 : memref<1x64x128xf32, #tpu.memory_space<hbm>> -> memref<64x128xf32, #tpu.memory_space<hbm>>
      %dma_start3A_169 = arith.constant 0 : i32
      %dma_start3A_170 = tpu.memref_slice %arg4[%arg0, %add3A_145, %dma_start3A_169] : memref<2x10240x128xf32, #tpu.memory_space<hbm>> -> memref<1x64x128xf32, #tpu.memory_space<hbm>>
      %dma_start3A_171 = tpu.memref_squeeze %dma_start3A_170 : memref<1x64x128xf32, #tpu.memory_space<hbm>> -> memref<64x128xf32, #tpu.memory_space<hbm>>
      tpu.enqueue_dma source(%arg9 : memref<64x128xf32, #tpu.memory_space<vmem>>) target(%dma_start3A_171 : memref<64x128xf32, #tpu.memory_space<hbm>>) target_semaphore(%run_scoped3A : memref<!tpu.dma_semaphore, #tpu.memory_space<semaphore_mem>>)
      %dma_wait3A_172 = arith.constant 0 : i32
      %dma_wait3A_173 = tpu.memref_slice %arg4[%arg0, %add3A_145, %dma_wait3A_172] : memref<2x10240x128xf32, #tpu.memory_space<hbm>> -> memref<1x64x128xf32, #tpu.memory_space<hbm>>
      %dma_wait3A_174 = tpu.memref_squeeze %dma_wait3A_173 : memref<1x64x128xf32, #tpu.memory_space<hbm>> -> memref<64x128xf32, #tpu.memory_space<hbm>>
      %dma_wait3A_175 = arith.constant 0 : i32
      %dma_wait3A_176 = tpu.memref_slice %arg4[%arg0, %add3A_145, %dma_wait3A_175] : memref<2x10240x128xf32, #tpu.memory_space<hbm>> -> memref<1x64x128xf32, #tpu.memory_space<hbm>>
      %dma_wait3A_177 = tpu.memref_squeeze %dma_wait3A_176 : memref<1x64x128xf32, #tpu.memory_space<hbm>> -> memref<64x128xf32, #tpu.memory_space<hbm>>
      tpu.wait_dma2 semaphore(%run_scoped3A : memref<!tpu.dma_semaphore, #tpu.memory_space<semaphore_mem>>) src(%arg9 : memref<64x128xf32, #tpu.memory_space<vmem>>) dst(%dma_wait3A_177 : memref<64x128xf32, #tpu.memory_space<hbm>>)
      tpu.yield
    }) : () -> ()
    %mul3A_146 = arith.constant 640 : i32
    %mul3A_147 = arith.muli %arg1, %mul3A_146 : i32
    %add3A_148 = arith.constant 320 : i32
    %add3A_149 = arith.addi %mul3A_147, %add3A_148 : i32
    "tpu.region"() ({
      %run_scoped3A = tpu.sem_alloc : memref<!tpu.dma_semaphore, #tpu.memory_space<semaphore_mem>>
      %dma_start3A_166 = arith.constant 0 : i32
      %dma_start3A_167 = tpu.memref_slice %arg5[%add3A_149, %dma_start3A_166] : memref<10240x128xf32, #tpu.memory_space<vmem_shared>> -> memref<64x128xf32, #tpu.memory_space<vmem_shared>>
      %dma_start3A_168 = arith.constant 0 : i32
      %dma_start3A_169 = tpu.memref_slice %arg5[%add3A_149, %dma_start3A_168] : memref<10240x128xf32, #tpu.memory_space<vmem_shared>> -> memref<64x128xf32, #tpu.memory_space<vmem_shared>>
      tpu.enqueue_dma source(%dma_start3A_169 : memref<64x128xf32, #tpu.memory_space<vmem_shared>>) target(%arg9 : memref<64x128xf32, #tpu.memory_space<vmem>>) target_semaphore(%run_scoped3A : memref<!tpu.dma_semaphore, #tpu.memory_space<semaphore_mem>>)
      %dma_wait3A_170 = arith.constant 0 : i32
      %dma_wait3A_171 = tpu.memref_slice %arg5[%add3A_149, %dma_wait3A_170] : memref<10240x128xf32, #tpu.memory_space<vmem_shared>> -> memref<64x128xf32, #tpu.memory_space<vmem_shared>>
      %dma_wait3A_172 = arith.constant 0 : i32
      %dma_wait3A_173 = tpu.memref_slice %arg5[%add3A_149, %dma_wait3A_172] : memref<10240x128xf32, #tpu.memory_space<vmem_shared>> -> memref<64x128xf32, #tpu.memory_space<vmem_shared>>
      tpu.wait_dma2 semaphore(%run_scoped3A : memref<!tpu.dma_semaphore, #tpu.memory_space<semaphore_mem>>) src(%dma_wait3A_173 : memref<64x128xf32, #tpu.memory_space<vmem_shared>>) dst(%arg9 : memref<64x128xf32, #tpu.memory_space<vmem>>)
      tpu.yield
    }) : () -> ()
    "tpu.region"() ({
      %run_scoped3A = tpu.sem_alloc : memref<!tpu.dma_semaphore, #tpu.memory_space<semaphore_mem>>
      %dma_start3A_166 = arith.constant 0 : i32
      %dma_start3A_167 = tpu.memref_slice %arg4[%arg0, %add3A_149, %dma_start3A_166] : memref<2x10240x128xf32, #tpu.memory_space<hbm>> -> memref<1x64x128xf32, #tpu.memory_space<hbm>>
      %dma_start3A_168 = tpu.memref_squeeze %dma_start3A_167 : memref<1x64x128xf32, #tpu.memory_space<hbm>> -> memref<64x128xf32, #tpu.memory_space<hbm>>
      %dma_start3A_169 = arith.constant 0 : i32
      %dma_start3A_170 = tpu.memref_slice %arg4[%arg0, %add3A_149, %dma_start3A_169] : memref<2x10240x128xf32, #tpu.memory_space<hbm>> -> memref<1x64x128xf32, #tpu.memory_space<hbm>>
      %dma_start3A_171 = tpu.memref_squeeze %dma_start3A_170 : memref<1x64x128xf32, #tpu.memory_space<hbm>> -> memref<64x128xf32, #tpu.memory_space<hbm>>
      tpu.enqueue_dma source(%arg9 : memref<64x128xf32, #tpu.memory_space<vmem>>) target(%dma_start3A_171 : memref<64x128xf32, #tpu.memory_space<hbm>>) target_semaphore(%run_scoped3A : memref<!tpu.dma_semaphore, #tpu.memory_space<semaphore_mem>>)
      %dma_wait3A_172 = arith.constant 0 : i32
      %dma_wait3A_173 = tpu.memref_slice %arg4[%arg0, %add3A_149, %dma_wait3A_172] : memref<2x10240x128xf32, #tpu.memory_space<hbm>> -> memref<1x64x128xf32, #tpu.memory_space<hbm>>
      %dma_wait3A_174 = tpu.memref_squeeze %dma_wait3A_173 : memref<1x64x128xf32, #tpu.memory_space<hbm>> -> memref<64x128xf32, #tpu.memory_space<hbm>>
      %dma_wait3A_175 = arith.constant 0 : i32
      %dma_wait3A_176 = tpu.memref_slice %arg4[%arg0, %add3A_149, %dma_wait3A_175] : memref<2x10240x128xf32, #tpu.memory_space<hbm>> -> memref<1x64x128xf32, #tpu.memory_space<hbm>>
      %dma_wait3A_177 = tpu.memref_squeeze %dma_wait3A_176 : memref<1x64x128xf32, #tpu.memory_space<hbm>> -> memref<64x128xf32, #tpu.memory_space<hbm>>
      tpu.wait_dma2 semaphore(%run_scoped3A : memref<!tpu.dma_semaphore, #tpu.memory_space<semaphore_mem>>) src(%arg9 : memref<64x128xf32, #tpu.memory_space<vmem>>) dst(%dma_wait3A_177 : memref<64x128xf32, #tpu.memory_space<hbm>>)
      tpu.yield
    }) : () -> ()
    %mul3A_150 = arith.constant 640 : i32
    %mul3A_151 = arith.muli %arg1, %mul3A_150 : i32
    %add3A_152 = arith.constant 384 : i32
    %add3A_153 = arith.addi %mul3A_151, %add3A_152 : i32
    "tpu.region"() ({
      %run_scoped3A = tpu.sem_alloc : memref<!tpu.dma_semaphore, #tpu.memory_space<semaphore_mem>>
      %dma_start3A_166 = arith.constant 0 : i32
      %dma_start3A_167 = tpu.memref_slice %arg5[%add3A_153, %dma_start3A_166] : memref<10240x128xf32, #tpu.memory_space<vmem_shared>> -> memref<64x128xf32, #tpu.memory_space<vmem_shared>>
      %dma_start3A_168 = arith.constant 0 : i32
      %dma_start3A_169 = tpu.memref_slice %arg5[%add3A_153, %dma_start3A_168] : memref<10240x128xf32, #tpu.memory_space<vmem_shared>> -> memref<64x128xf32, #tpu.memory_space<vmem_shared>>
      tpu.enqueue_dma source(%dma_start3A_169 : memref<64x128xf32, #tpu.memory_space<vmem_shared>>) target(%arg9 : memref<64x128xf32, #tpu.memory_space<vmem>>) target_semaphore(%run_scoped3A : memref<!tpu.dma_semaphore, #tpu.memory_space<semaphore_mem>>)
      %dma_wait3A_170 = arith.constant 0 : i32
      %dma_wait3A_171 = tpu.memref_slice %arg5[%add3A_153, %dma_wait3A_170] : memref<10240x128xf32, #tpu.memory_space<vmem_shared>> -> memref<64x128xf32, #tpu.memory_space<vmem_shared>>
      %dma_wait3A_172 = arith.constant 0 : i32
      %dma_wait3A_173 = tpu.memref_slice %arg5[%add3A_153, %dma_wait3A_172] : memref<10240x128xf32, #tpu.memory_space<vmem_shared>> -> memref<64x128xf32, #tpu.memory_space<vmem_shared>>
      tpu.wait_dma2 semaphore(%run_scoped3A : memref<!tpu.dma_semaphore, #tpu.memory_space<semaphore_mem>>) src(%dma_wait3A_173 : memref<64x128xf32, #tpu.memory_space<vmem_shared>>) dst(%arg9 : memref<64x128xf32, #tpu.memory_space<vmem>>)
      tpu.yield
    }) : () -> ()
    "tpu.region"() ({
      %run_scoped3A = tpu.sem_alloc : memref<!tpu.dma_semaphore, #tpu.memory_space<semaphore_mem>>
      %dma_start3A_166 = arith.constant 0 : i32
      %dma_start3A_167 = tpu.memref_slice %arg4[%arg0, %add3A_153, %dma_start3A_166] : memref<2x10240x128xf32, #tpu.memory_space<hbm>> -> memref<1x64x128xf32, #tpu.memory_space<hbm>>
      %dma_start3A_168 = tpu.memref_squeeze %dma_start3A_167 : memref<1x64x128xf32, #tpu.memory_space<hbm>> -> memref<64x128xf32, #tpu.memory_space<hbm>>
      %dma_start3A_169 = arith.constant 0 : i32
      %dma_start3A_170 = tpu.memref_slice %arg4[%arg0, %add3A_153, %dma_start3A_169] : memref<2x10240x128xf32, #tpu.memory_space<hbm>> -> memref<1x64x128xf32, #tpu.memory_space<hbm>>
      %dma_start3A_171 = tpu.memref_squeeze %dma_start3A_170 : memref<1x64x128xf32, #tpu.memory_space<hbm>> -> memref<64x128xf32, #tpu.memory_space<hbm>>
      tpu.enqueue_dma source(%arg9 : memref<64x128xf32, #tpu.memory_space<vmem>>) target(%dma_start3A_171 : memref<64x128xf32, #tpu.memory_space<hbm>>) target_semaphore(%run_scoped3A : memref<!tpu.dma_semaphore, #tpu.memory_space<semaphore_mem>>)
      %dma_wait3A_172 = arith.constant 0 : i32
      %dma_wait3A_173 = tpu.memref_slice %arg4[%arg0, %add3A_153, %dma_wait3A_172] : memref<2x10240x128xf32, #tpu.memory_space<hbm>> -> memref<1x64x128xf32, #tpu.memory_space<hbm>>
      %dma_wait3A_174 = tpu.memref_squeeze %dma_wait3A_173 : memref<1x64x128xf32, #tpu.memory_space<hbm>> -> memref<64x128xf32, #tpu.memory_space<hbm>>
      %dma_wait3A_175 = arith.constant 0 : i32
      %dma_wait3A_176 = tpu.memref_slice %arg4[%arg0, %add3A_153, %dma_wait3A_175] : memref<2x10240x128xf32, #tpu.memory_space<hbm>> -> memref<1x64x128xf32, #tpu.memory_space<hbm>>
      %dma_wait3A_177 = tpu.memref_squeeze %dma_wait3A_176 : memref<1x64x128xf32, #tpu.memory_space<hbm>> -> memref<64x128xf32, #tpu.memory_space<hbm>>
      tpu.wait_dma2 semaphore(%run_scoped3A : memref<!tpu.dma_semaphore, #tpu.memory_space<semaphore_mem>>) src(%arg9 : memref<64x128xf32, #tpu.memory_space<vmem>>) dst(%dma_wait3A_177 : memref<64x128xf32, #tpu.memory_space<hbm>>)
      tpu.yield
    }) : () -> ()
    %mul3A_154 = arith.constant 640 : i32
    %mul3A_155 = arith.muli %arg1, %mul3A_154 : i32
    %add3A_156 = arith.constant 448 : i32
    %add3A_157 = arith.addi %mul3A_155, %add3A_156 : i32
    "tpu.region"() ({
      %run_scoped3A = tpu.sem_alloc : memref<!tpu.dma_semaphore, #tpu.memory_space<semaphore_mem>>
      %dma_start3A_166 = arith.constant 0 : i32
      %dma_start3A_167 = tpu.memref_slice %arg5[%add3A_157, %dma_start3A_166] : memref<10240x128xf32, #tpu.memory_space<vmem_shared>> -> memref<64x128xf32, #tpu.memory_space<vmem_shared>>
      %dma_start3A_168 = arith.constant 0 : i32
      %dma_start3A_169 = tpu.memref_slice %arg5[%add3A_157, %dma_start3A_168] : memref<10240x128xf32, #tpu.memory_space<vmem_shared>> -> memref<64x128xf32, #tpu.memory_space<vmem_shared>>
      tpu.enqueue_dma source(%dma_start3A_169 : memref<64x128xf32, #tpu.memory_space<vmem_shared>>) target(%arg9 : memref<64x128xf32, #tpu.memory_space<vmem>>) target_semaphore(%run_scoped3A : memref<!tpu.dma_semaphore, #tpu.memory_space<semaphore_mem>>)
      %dma_wait3A_170 = arith.constant 0 : i32
      %dma_wait3A_171 = tpu.memref_slice %arg5[%add3A_157, %dma_wait3A_170] : memref<10240x128xf32, #tpu.memory_space<vmem_shared>> -> memref<64x128xf32, #tpu.memory_space<vmem_shared>>
      %dma_wait3A_172 = arith.constant 0 : i32
      %dma_wait3A_173 = tpu.memref_slice %arg5[%add3A_157, %dma_wait3A_172] : memref<10240x128xf32, #tpu.memory_space<vmem_shared>> -> memref<64x128xf32, #tpu.memory_space<vmem_shared>>
      tpu.wait_dma2 semaphore(%run_scoped3A : memref<!tpu.dma_semaphore, #tpu.memory_space<semaphore_mem>>) src(%dma_wait3A_173 : memref<64x128xf32, #tpu.memory_space<vmem_shared>>) dst(%arg9 : memref<64x128xf32, #tpu.memory_space<vmem>>)
      tpu.yield
    }) : () -> ()
    "tpu.region"() ({
      %run_scoped3A = tpu.sem_alloc : memref<!tpu.dma_semaphore, #tpu.memory_space<semaphore_mem>>
      %dma_start3A_166 = arith.constant 0 : i32
      %dma_start3A_167 = tpu.memref_slice %arg4[%arg0, %add3A_157, %dma_start3A_166] : memref<2x10240x128xf32, #tpu.memory_space<hbm>> -> memref<1x64x128xf32, #tpu.memory_space<hbm>>
      %dma_start3A_168 = tpu.memref_squeeze %dma_start3A_167 : memref<1x64x128xf32, #tpu.memory_space<hbm>> -> memref<64x128xf32, #tpu.memory_space<hbm>>
      %dma_start3A_169 = arith.constant 0 : i32
      %dma_start3A_170 = tpu.memref_slice %arg4[%arg0, %add3A_157, %dma_start3A_169] : memref<2x10240x128xf32, #tpu.memory_space<hbm>> -> memref<1x64x128xf32, #tpu.memory_space<hbm>>
      %dma_start3A_171 = tpu.memref_squeeze %dma_start3A_170 : memref<1x64x128xf32, #tpu.memory_space<hbm>> -> memref<64x128xf32, #tpu.memory_space<hbm>>
      tpu.enqueue_dma source(%arg9 : memref<64x128xf32, #tpu.memory_space<vmem>>) target(%dma_start3A_171 : memref<64x128xf32, #tpu.memory_space<hbm>>) target_semaphore(%run_scoped3A : memref<!tpu.dma_semaphore, #tpu.memory_space<semaphore_mem>>)
      %dma_wait3A_172 = arith.constant 0 : i32
      %dma_wait3A_173 = tpu.memref_slice %arg4[%arg0, %add3A_157, %dma_wait3A_172] : memref<2x10240x128xf32, #tpu.memory_space<hbm>> -> memref<1x64x128xf32, #tpu.memory_space<hbm>>
      %dma_wait3A_174 = tpu.memref_squeeze %dma_wait3A_173 : memref<1x64x128xf32, #tpu.memory_space<hbm>> -> memref<64x128xf32, #tpu.memory_space<hbm>>
      %dma_wait3A_175 = arith.constant 0 : i32
      %dma_wait3A_176 = tpu.memref_slice %arg4[%arg0, %add3A_157, %dma_wait3A_175] : memref<2x10240x128xf32, #tpu.memory_space<hbm>> -> memref<1x64x128xf32, #tpu.memory_space<hbm>>
      %dma_wait3A_177 = tpu.memref_squeeze %dma_wait3A_176 : memref<1x64x128xf32, #tpu.memory_space<hbm>> -> memref<64x128xf32, #tpu.memory_space<hbm>>
      tpu.wait_dma2 semaphore(%run_scoped3A : memref<!tpu.dma_semaphore, #tpu.memory_space<semaphore_mem>>) src(%arg9 : memref<64x128xf32, #tpu.memory_space<vmem>>) dst(%dma_wait3A_177 : memref<64x128xf32, #tpu.memory_space<hbm>>)
      tpu.yield
    }) : () -> ()
    %mul3A_158 = arith.constant 640 : i32
    %mul3A_159 = arith.muli %arg1, %mul3A_158 : i32
    %add3A_160 = arith.constant 512 : i32
    %add3A_161 = arith.addi %mul3A_159, %add3A_160 : i32
    "tpu.region"() ({
      %run_scoped3A = tpu.sem_alloc : memref<!tpu.dma_semaphore, #tpu.memory_space<semaphore_mem>>
      %dma_start3A_166 = arith.constant 0 : i32
      %dma_start3A_167 = tpu.memref_slice %arg5[%add3A_161, %dma_start3A_166] : memref<10240x128xf32, #tpu.memory_space<vmem_shared>> -> memref<64x128xf32, #tpu.memory_space<vmem_shared>>
      %dma_start3A_168 = arith.constant 0 : i32
      %dma_start3A_169 = tpu.memref_slice %arg5[%add3A_161, %dma_start3A_168] : memref<10240x128xf32, #tpu.memory_space<vmem_shared>> -> memref<64x128xf32, #tpu.memory_space<vmem_shared>>
      tpu.enqueue_dma source(%dma_start3A_169 : memref<64x128xf32, #tpu.memory_space<vmem_shared>>) target(%arg9 : memref<64x128xf32, #tpu.memory_space<vmem>>) target_semaphore(%run_scoped3A : memref<!tpu.dma_semaphore, #tpu.memory_space<semaphore_mem>>)
      %dma_wait3A_170 = arith.constant 0 : i32
      %dma_wait3A_171 = tpu.memref_slice %arg5[%add3A_161, %dma_wait3A_170] : memref<10240x128xf32, #tpu.memory_space<vmem_shared>> -> memref<64x128xf32, #tpu.memory_space<vmem_shared>>
      %dma_wait3A_172 = arith.constant 0 : i32
      %dma_wait3A_173 = tpu.memref_slice %arg5[%add3A_161, %dma_wait3A_172] : memref<10240x128xf32, #tpu.memory_space<vmem_shared>> -> memref<64x128xf32, #tpu.memory_space<vmem_shared>>
      tpu.wait_dma2 semaphore(%run_scoped3A : memref<!tpu.dma_semaphore, #tpu.memory_space<semaphore_mem>>) src(%dma_wait3A_173 : memref<64x128xf32, #tpu.memory_space<vmem_shared>>) dst(%arg9 : memref<64x128xf32, #tpu.memory_space<vmem>>)
      tpu.yield
    }) : () -> ()
    "tpu.region"() ({
      %run_scoped3A = tpu.sem_alloc : memref<!tpu.dma_semaphore, #tpu.memory_space<semaphore_mem>>
      %dma_start3A_166 = arith.constant 0 : i32
      %dma_start3A_167 = tpu.memref_slice %arg4[%arg0, %add3A_161, %dma_start3A_166] : memref<2x10240x128xf32, #tpu.memory_space<hbm>> -> memref<1x64x128xf32, #tpu.memory_space<hbm>>
      %dma_start3A_168 = tpu.memref_squeeze %dma_start3A_167 : memref<1x64x128xf32, #tpu.memory_space<hbm>> -> memref<64x128xf32, #tpu.memory_space<hbm>>
      %dma_start3A_169 = arith.constant 0 : i32
      %dma_start3A_170 = tpu.memref_slice %arg4[%arg0, %add3A_161, %dma_start3A_169] : memref<2x10240x128xf32, #tpu.memory_space<hbm>> -> memref<1x64x128xf32, #tpu.memory_space<hbm>>
      %dma_start3A_171 = tpu.memref_squeeze %dma_start3A_170 : memref<1x64x128xf32, #tpu.memory_space<hbm>> -> memref<64x128xf32, #tpu.memory_space<hbm>>
      tpu.enqueue_dma source(%arg9 : memref<64x128xf32, #tpu.memory_space<vmem>>) target(%dma_start3A_171 : memref<64x128xf32, #tpu.memory_space<hbm>>) target_semaphore(%run_scoped3A : memref<!tpu.dma_semaphore, #tpu.memory_space<semaphore_mem>>)
      %dma_wait3A_172 = arith.constant 0 : i32
      %dma_wait3A_173 = tpu.memref_slice %arg4[%arg0, %add3A_161, %dma_wait3A_172] : memref<2x10240x128xf32, #tpu.memory_space<hbm>> -> memref<1x64x128xf32, #tpu.memory_space<hbm>>
      %dma_wait3A_174 = tpu.memref_squeeze %dma_wait3A_173 : memref<1x64x128xf32, #tpu.memory_space<hbm>> -> memref<64x128xf32, #tpu.memory_space<hbm>>
      %dma_wait3A_175 = arith.constant 0 : i32
      %dma_wait3A_176 = tpu.memref_slice %arg4[%arg0, %add3A_161, %dma_wait3A_175] : memref<2x10240x128xf32, #tpu.memory_space<hbm>> -> memref<1x64x128xf32, #tpu.memory_space<hbm>>
      %dma_wait3A_177 = tpu.memref_squeeze %dma_wait3A_176 : memref<1x64x128xf32, #tpu.memory_space<hbm>> -> memref<64x128xf32, #tpu.memory_space<hbm>>
      tpu.wait_dma2 semaphore(%run_scoped3A : memref<!tpu.dma_semaphore, #tpu.memory_space<semaphore_mem>>) src(%arg9 : memref<64x128xf32, #tpu.memory_space<vmem>>) dst(%dma_wait3A_177 : memref<64x128xf32, #tpu.memory_space<hbm>>)
      tpu.yield
    }) : () -> ()
    %mul3A_162 = arith.constant 640 : i32
    %mul3A_163 = arith.muli %arg1, %mul3A_162 : i32
    %add3A_164 = arith.constant 576 : i32
    %add3A_165 = arith.addi %mul3A_163, %add3A_164 : i32
    "tpu.region"() ({
      %run_scoped3A = tpu.sem_alloc : memref<!tpu.dma_semaphore, #tpu.memory_space<semaphore_mem>>
      %dma_start3A_166 = arith.constant 0 : i32
      %dma_start3A_167 = tpu.memref_slice %arg5[%add3A_165, %dma_start3A_166] : memref<10240x128xf32, #tpu.memory_space<vmem_shared>> -> memref<64x128xf32, #tpu.memory_space<vmem_shared>>
      %dma_start3A_168 = arith.constant 0 : i32
      %dma_start3A_169 = tpu.memref_slice %arg5[%add3A_165, %dma_start3A_168] : memref<10240x128xf32, #tpu.memory_space<vmem_shared>> -> memref<64x128xf32, #tpu.memory_space<vmem_shared>>
      tpu.enqueue_dma source(%dma_start3A_169 : memref<64x128xf32, #tpu.memory_space<vmem_shared>>) target(%arg9 : memref<64x128xf32, #tpu.memory_space<vmem>>) target_semaphore(%run_scoped3A : memref<!tpu.dma_semaphore, #tpu.memory_space<semaphore_mem>>)
      %dma_wait3A_170 = arith.constant 0 : i32
      %dma_wait3A_171 = tpu.memref_slice %arg5[%add3A_165, %dma_wait3A_170] : memref<10240x128xf32, #tpu.memory_space<vmem_shared>> -> memref<64x128xf32, #tpu.memory_space<vmem_shared>>
      %dma_wait3A_172 = arith.constant 0 : i32
      %dma_wait3A_173 = tpu.memref_slice %arg5[%add3A_165, %dma_wait3A_172] : memref<10240x128xf32, #tpu.memory_space<vmem_shared>> -> memref<64x128xf32, #tpu.memory_space<vmem_shared>>
      tpu.wait_dma2 semaphore(%run_scoped3A : memref<!tpu.dma_semaphore, #tpu.memory_space<semaphore_mem>>) src(%dma_wait3A_173 : memref<64x128xf32, #tpu.memory_space<vmem_shared>>) dst(%arg9 : memref<64x128xf32, #tpu.memory_space<vmem>>)
      tpu.yield
    }) : () -> ()
    "tpu.region"() ({
      %run_scoped3A = tpu.sem_alloc : memref<!tpu.dma_semaphore, #tpu.memory_space<semaphore_mem>>
      %dma_start3A_166 = arith.constant 0 : i32
      %dma_start3A_167 = tpu.memref_slice %arg4[%arg0, %add3A_165, %dma_start3A_166] : memref<2x10240x128xf32, #tpu.memory_space<hbm>> -> memref<1x64x128xf32, #tpu.memory_space<hbm>>
      %dma_start3A_168 = tpu.memref_squeeze %dma_start3A_167 : memref<1x64x128xf32, #tpu.memory_space<hbm>> -> memref<64x128xf32, #tpu.memory_space<hbm>>
      %dma_start3A_169 = arith.constant 0 : i32
      %dma_start3A_170 = tpu.memref_slice %arg4[%arg0, %add3A_165, %dma_start3A_169] : memref<2x10240x128xf32, #tpu.memory_space<hbm>> -> memref<1x64x128xf32, #tpu.memory_space<hbm>>
      %dma_start3A_171 = tpu.memref_squeeze %dma_start3A_170 : memref<1x64x128xf32, #tpu.memory_space<hbm>> -> memref<64x128xf32, #tpu.memory_space<hbm>>
      tpu.enqueue_dma source(%arg9 : memref<64x128xf32, #tpu.memory_space<vmem>>) target(%dma_start3A_171 : memref<64x128xf32, #tpu.memory_space<hbm>>) target_semaphore(%run_scoped3A : memref<!tpu.dma_semaphore, #tpu.memory_space<semaphore_mem>>)
      %dma_wait3A_172 = arith.constant 0 : i32
      %dma_wait3A_173 = tpu.memref_slice %arg4[%arg0, %add3A_165, %dma_wait3A_172] : memref<2x10240x128xf32, #tpu.memory_space<hbm>> -> memref<1x64x128xf32, #tpu.memory_space<hbm>>
      %dma_wait3A_174 = tpu.memref_squeeze %dma_wait3A_173 : memref<1x64x128xf32, #tpu.memory_space<hbm>> -> memref<64x128xf32, #tpu.memory_space<hbm>>
      %dma_wait3A_175 = arith.constant 0 : i32
      %dma_wait3A_176 = tpu.memref_slice %arg4[%arg0, %add3A_165, %dma_wait3A_175] : memref<2x10240x128xf32, #tpu.memory_space<hbm>> -> memref<1x64x128xf32, #tpu.memory_space<hbm>>
      %dma_wait3A_177 = tpu.memref_squeeze %dma_wait3A_176 : memref<1x64x128xf32, #tpu.memory_space<hbm>> -> memref<64x128xf32, #tpu.memory_space<hbm>>
      tpu.wait_dma2 semaphore(%run_scoped3A : memref<!tpu.dma_semaphore, #tpu.memory_space<semaphore_mem>>) src(%arg9 : memref<64x128xf32, #tpu.memory_space<vmem>>) dst(%dma_wait3A_177 : memref<64x128xf32, #tpu.memory_space<hbm>>)
      tpu.yield
    }) : () -> ()
    return
  }
}

#map = affine_map<(d0, d1) -> (0, 0)>
#map1 = affine_map<(d0, d1) -> (0, 0, 0)>
module attributes {stable_mosaic.version = 14 : i64} {
  func.func @_gather_body(%arg0: i32, %arg1: i32, %arg2: memref<10000x128xi32, #tpu.memory_space<hbm>>, %arg3: memref<10000x128xf32, #tpu.memory_space<hbm>>, %arg4: memref<32x125x80xi32, #tpu.memory_space<hbm>>, %arg5: memref<32x125x80xi32, #tpu.memory_space<hbm>>, %arg6: memref<320000x128xi32, #tpu.memory_space<hbm>>, %arg7: memref<320000x128xf32, #tpu.memory_space<hbm>>, %arg8: memref<125x80xi32, #tpu.memory_space<vmem>>, %arg9: memref<125x80xi32, #tpu.memory_space<vmem>>, %arg10: memref<80x128xi32, #tpu.memory_space<vmem>>, %arg11: memref<80x128xi32, #tpu.memory_space<vmem>>, %arg12: memref<80x128xf32, #tpu.memory_space<vmem>>, %arg13: memref<80x128xf32, #tpu.memory_space<vmem>>, %arg14: memref<!tpu.dma_semaphore, #tpu.memory_space<semaphore_mem>>, %arg15: memref<!tpu.dma_semaphore, #tpu.memory_space<semaphore_mem>>, %arg16: memref<!tpu.dma_semaphore, #tpu.memory_space<semaphore_mem>>, %arg17: memref<!tpu.dma_semaphore, #tpu.memory_space<semaphore_mem>>, %arg18: memref<!tpu.dma_semaphore, #tpu.memory_space<semaphore_mem>>, %arg19: memref<!tpu.dma_semaphore, #tpu.memory_space<semaphore_mem>>) attributes {dimension_semantics = [#tpu.dimension_semantics<core_parallel>, #tpu.dimension_semantics<subcore_parallel>], iteration_bounds = array<i64: 2, 16>, scalar_prefetch = 0 : i64, scratch_operands = 12 : i64, tpu.core_type = #tpu.core_type<sc_vector_subcore>, window_params = [{transform_indices = #map}, {transform_indices = #map}, {transform_indices = #map1}, {transform_indices = #map1}, {transform_indices = #map}, {transform_indices = #map}]} {
    %mul3A = arith.constant 2 : i32
    %mul3A_0 = arith.muli %arg1, %mul3A : i32
    %add3A = arith.addi %mul3A_0, %arg0 : i32
    %mul3A_1 = arith.constant 10000 : i32
    %mul3A_2 = arith.muli %add3A, %mul3A_1 : i32
    "tpu.region"() ({
      %run_scoped3A = tpu.sem_alloc : memref<!tpu.dma_semaphore, #tpu.memory_space<semaphore_mem>>
      %dma_start3A_144 = arith.constant 0 : i32
      %dma_start3A_145 = arith.constant 0 : i32
      %dma_start3A_146 = tpu.memref_slice %arg4[%add3A, %dma_start3A_144, %dma_start3A_145] : memref<32x125x80xi32, #tpu.memory_space<hbm>> -> memref<1x125x80xi32, #tpu.memory_space<hbm>>
      %dma_start3A_147 = tpu.memref_squeeze %dma_start3A_146 : memref<1x125x80xi32, #tpu.memory_space<hbm>> -> memref<125x80xi32, #tpu.memory_space<hbm>>
      %dma_start3A_148 = arith.constant 0 : i32
      %dma_start3A_149 = arith.constant 0 : i32
      %dma_start3A_150 = tpu.memref_slice %arg4[%add3A, %dma_start3A_148, %dma_start3A_149] : memref<32x125x80xi32, #tpu.memory_space<hbm>> -> memref<1x125x80xi32, #tpu.memory_space<hbm>>
      %dma_start3A_151 = tpu.memref_squeeze %dma_start3A_150 : memref<1x125x80xi32, #tpu.memory_space<hbm>> -> memref<125x80xi32, #tpu.memory_space<hbm>>
      tpu.enqueue_dma source(%dma_start3A_151 : memref<125x80xi32, #tpu.memory_space<hbm>>) target(%arg8 : memref<125x80xi32, #tpu.memory_space<vmem>>) target_semaphore(%run_scoped3A : memref<!tpu.dma_semaphore, #tpu.memory_space<semaphore_mem>>)
      %dma_wait3A_152 = arith.constant 0 : i32
      %dma_wait3A_153 = arith.constant 0 : i32
      %dma_wait3A_154 = tpu.memref_slice %arg4[%add3A, %dma_wait3A_152, %dma_wait3A_153] : memref<32x125x80xi32, #tpu.memory_space<hbm>> -> memref<1x125x80xi32, #tpu.memory_space<hbm>>
      %dma_wait3A_155 = tpu.memref_squeeze %dma_wait3A_154 : memref<1x125x80xi32, #tpu.memory_space<hbm>> -> memref<125x80xi32, #tpu.memory_space<hbm>>
      %dma_wait3A_156 = arith.constant 0 : i32
      %dma_wait3A_157 = arith.constant 0 : i32
      %dma_wait3A_158 = tpu.memref_slice %arg4[%add3A, %dma_wait3A_156, %dma_wait3A_157] : memref<32x125x80xi32, #tpu.memory_space<hbm>> -> memref<1x125x80xi32, #tpu.memory_space<hbm>>
      %dma_wait3A_159 = tpu.memref_squeeze %dma_wait3A_158 : memref<1x125x80xi32, #tpu.memory_space<hbm>> -> memref<125x80xi32, #tpu.memory_space<hbm>>
      tpu.wait_dma2 semaphore(%run_scoped3A : memref<!tpu.dma_semaphore, #tpu.memory_space<semaphore_mem>>) src(%dma_wait3A_159 : memref<125x80xi32, #tpu.memory_space<hbm>>) dst(%arg8 : memref<125x80xi32, #tpu.memory_space<vmem>>)
      tpu.yield
    }) : () -> ()
    "tpu.region"() ({
      %run_scoped3A = tpu.sem_alloc : memref<!tpu.dma_semaphore, #tpu.memory_space<semaphore_mem>>
      %dma_start3A_144 = arith.constant 0 : i32
      %dma_start3A_145 = arith.constant 0 : i32
      %dma_start3A_146 = tpu.memref_slice %arg5[%add3A, %dma_start3A_144, %dma_start3A_145] : memref<32x125x80xi32, #tpu.memory_space<hbm>> -> memref<1x125x80xi32, #tpu.memory_space<hbm>>
      %dma_start3A_147 = tpu.memref_squeeze %dma_start3A_146 : memref<1x125x80xi32, #tpu.memory_space<hbm>> -> memref<125x80xi32, #tpu.memory_space<hbm>>
      %dma_start3A_148 = arith.constant 0 : i32
      %dma_start3A_149 = arith.constant 0 : i32
      %dma_start3A_150 = tpu.memref_slice %arg5[%add3A, %dma_start3A_148, %dma_start3A_149] : memref<32x125x80xi32, #tpu.memory_space<hbm>> -> memref<1x125x80xi32, #tpu.memory_space<hbm>>
      %dma_start3A_151 = tpu.memref_squeeze %dma_start3A_150 : memref<1x125x80xi32, #tpu.memory_space<hbm>> -> memref<125x80xi32, #tpu.memory_space<hbm>>
      tpu.enqueue_dma source(%dma_start3A_151 : memref<125x80xi32, #tpu.memory_space<hbm>>) target(%arg9 : memref<125x80xi32, #tpu.memory_space<vmem>>) target_semaphore(%run_scoped3A : memref<!tpu.dma_semaphore, #tpu.memory_space<semaphore_mem>>)
      %dma_wait3A_152 = arith.constant 0 : i32
      %dma_wait3A_153 = arith.constant 0 : i32
      %dma_wait3A_154 = tpu.memref_slice %arg5[%add3A, %dma_wait3A_152, %dma_wait3A_153] : memref<32x125x80xi32, #tpu.memory_space<hbm>> -> memref<1x125x80xi32, #tpu.memory_space<hbm>>
      %dma_wait3A_155 = tpu.memref_squeeze %dma_wait3A_154 : memref<1x125x80xi32, #tpu.memory_space<hbm>> -> memref<125x80xi32, #tpu.memory_space<hbm>>
      %dma_wait3A_156 = arith.constant 0 : i32
      %dma_wait3A_157 = arith.constant 0 : i32
      %dma_wait3A_158 = tpu.memref_slice %arg5[%add3A, %dma_wait3A_156, %dma_wait3A_157] : memref<32x125x80xi32, #tpu.memory_space<hbm>> -> memref<1x125x80xi32, #tpu.memory_space<hbm>>
      %dma_wait3A_159 = tpu.memref_squeeze %dma_wait3A_158 : memref<1x125x80xi32, #tpu.memory_space<hbm>> -> memref<125x80xi32, #tpu.memory_space<hbm>>
      tpu.wait_dma2 semaphore(%run_scoped3A : memref<!tpu.dma_semaphore, #tpu.memory_space<semaphore_mem>>) src(%dma_wait3A_159 : memref<125x80xi32, #tpu.memory_space<hbm>>) dst(%arg9 : memref<125x80xi32, #tpu.memory_space<vmem>>)
      tpu.yield
    }) : () -> ()
    %dma_start3A = arith.constant 0 : i32
    %dma_start3A_3 = arith.constant 0 : i32
    %dma_start3A_4 = tpu.memref_slice %arg8[%dma_start3A, %dma_start3A_3] : memref<125x80xi32, #tpu.memory_space<vmem>> -> memref<1x80xi32, #tpu.memory_space<vmem>>
    %dma_start3A_5 = tpu.memref_squeeze %dma_start3A_4 : memref<1x80xi32, #tpu.memory_space<vmem>> -> memref<80xi32, #tpu.memory_space<vmem>>
    %dma_start3A_6 = arith.constant 0 : i32
    %dma_start3A_7 = arith.constant 0 : i32
    %dma_start3A_8 = tpu.memref_slice %arg2[%dma_start3A_6, %dma_start3A_7] : memref<10000x128xi32, #tpu.memory_space<hbm>> -> memref<10000x128xi32, #tpu.memory_space<hbm>>
    tpu.enqueue_indirect_dma source(%dma_start3A_8 : memref<10000x128xi32, #tpu.memory_space<hbm>>) target(%arg10 : memref<80x128xi32, #tpu.memory_space<vmem>>) offsets(%dma_start3A_5 : memref<80xi32, #tpu.memory_space<vmem>>) semaphore(%arg14 : memref<!tpu.dma_semaphore, #tpu.memory_space<semaphore_mem>>)
    %dma_start3A_9 = arith.constant 0 : i32
    %dma_start3A_10 = arith.constant 0 : i32
    %dma_start3A_11 = tpu.memref_slice %arg9[%dma_start3A_9, %dma_start3A_10] : memref<125x80xi32, #tpu.memory_space<vmem>> -> memref<1x80xi32, #tpu.memory_space<vmem>>
    %dma_start3A_12 = tpu.memref_squeeze %dma_start3A_11 : memref<1x80xi32, #tpu.memory_space<vmem>> -> memref<80xi32, #tpu.memory_space<vmem>>
    %dma_start3A_13 = arith.constant 0 : i32
    %dma_start3A_14 = arith.constant 0 : i32
    %dma_start3A_15 = tpu.memref_slice %arg3[%dma_start3A_13, %dma_start3A_14] : memref<10000x128xf32, #tpu.memory_space<hbm>> -> memref<10000x128xf32, #tpu.memory_space<hbm>>
    tpu.enqueue_indirect_dma source(%dma_start3A_15 : memref<10000x128xf32, #tpu.memory_space<hbm>>) target(%arg12 : memref<80x128xf32, #tpu.memory_space<vmem>>) offsets(%dma_start3A_12 : memref<80xi32, #tpu.memory_space<vmem>>) semaphore(%arg14 : memref<!tpu.dma_semaphore, #tpu.memory_space<semaphore_mem>>)
    %dma_start3A_16 = arith.constant 1 : i32
    %dma_start3A_17 = arith.constant 0 : i32
    %dma_start3A_18 = tpu.memref_slice %arg8[%dma_start3A_16, %dma_start3A_17] : memref<125x80xi32, #tpu.memory_space<vmem>> -> memref<1x80xi32, #tpu.memory_space<vmem>>
    %dma_start3A_19 = tpu.memref_squeeze %dma_start3A_18 : memref<1x80xi32, #tpu.memory_space<vmem>> -> memref<80xi32, #tpu.memory_space<vmem>>
    %dma_start3A_20 = arith.constant 0 : i32
    %dma_start3A_21 = arith.constant 0 : i32
    %dma_start3A_22 = tpu.memref_slice %arg2[%dma_start3A_20, %dma_start3A_21] : memref<10000x128xi32, #tpu.memory_space<hbm>> -> memref<10000x128xi32, #tpu.memory_space<hbm>>
    tpu.enqueue_indirect_dma source(%dma_start3A_22 : memref<10000x128xi32, #tpu.memory_space<hbm>>) target(%arg11 : memref<80x128xi32, #tpu.memory_space<vmem>>) offsets(%dma_start3A_19 : memref<80xi32, #tpu.memory_space<vmem>>) semaphore(%arg15 : memref<!tpu.dma_semaphore, #tpu.memory_space<semaphore_mem>>)
    %dma_start3A_23 = arith.constant 1 : i32
    %dma_start3A_24 = arith.constant 0 : i32
    %dma_start3A_25 = tpu.memref_slice %arg9[%dma_start3A_23, %dma_start3A_24] : memref<125x80xi32, #tpu.memory_space<vmem>> -> memref<1x80xi32, #tpu.memory_space<vmem>>
    %dma_start3A_26 = tpu.memref_squeeze %dma_start3A_25 : memref<1x80xi32, #tpu.memory_space<vmem>> -> memref<80xi32, #tpu.memory_space<vmem>>
    %dma_start3A_27 = arith.constant 0 : i32
    %dma_start3A_28 = arith.constant 0 : i32
    %dma_start3A_29 = tpu.memref_slice %arg3[%dma_start3A_27, %dma_start3A_28] : memref<10000x128xf32, #tpu.memory_space<hbm>> -> memref<10000x128xf32, #tpu.memory_space<hbm>>
    tpu.enqueue_indirect_dma source(%dma_start3A_29 : memref<10000x128xf32, #tpu.memory_space<hbm>>) target(%arg13 : memref<80x128xf32, #tpu.memory_space<vmem>>) offsets(%dma_start3A_26 : memref<80xi32, #tpu.memory_space<vmem>>) semaphore(%arg15 : memref<!tpu.dma_semaphore, #tpu.memory_space<semaphore_mem>>)
    %scan3A = arith.constant 0 : i32
    %scan3A_30 = arith.constant 0 : i32
    %scan3A_31 = arith.constant 61 : i32
    %scan3A_32 = arith.addi %scan3A_30, %scan3A_31 : i32
    %scan3A_33 = arith.constant 1 : i32
    scf.for %scan3A_144 = %scan3A_30 to %scan3A_32 step %scan3A_33  : i32 {
      %mul3A_145 = arith.constant 2 : i32
      %mul3A_146 = arith.muli %mul3A_145, %scan3A_144 : i32
      %mul3A_147 = arith.constant 80 : i32
      %mul3A_148 = arith.muli %mul3A_146, %mul3A_147 : i32
      %add3A_149 = arith.addi %mul3A_2, %mul3A_148 : i32
      %dma_wait3A_150 = arith.constant 0 : i32
      %dma_wait3A_151 = tpu.memref_slice %arg8[%mul3A_146, %dma_wait3A_150] : memref<125x80xi32, #tpu.memory_space<vmem>> -> memref<1x80xi32, #tpu.memory_space<vmem>>
      %dma_wait3A_152 = tpu.memref_squeeze %dma_wait3A_151 : memref<1x80xi32, #tpu.memory_space<vmem>> -> memref<80xi32, #tpu.memory_space<vmem>>
      %dma_wait3A_153 = arith.constant 0 : i32
      %dma_wait3A_154 = arith.constant 0 : i32
      %dma_wait3A_155 = tpu.memref_slice %arg2[%dma_wait3A_153, %dma_wait3A_154] : memref<10000x128xi32, #tpu.memory_space<hbm>> -> memref<10000x128xi32, #tpu.memory_space<hbm>>
      tpu.wait_indirect_dma semaphore(%arg14 : memref<!tpu.dma_semaphore, #tpu.memory_space<semaphore_mem>>) src(%dma_wait3A_155 : memref<10000x128xi32, #tpu.memory_space<hbm>>) dst(%arg10 : memref<80x128xi32, #tpu.memory_space<vmem>>)
      %dma_wait3A_156 = arith.constant 0 : i32
      %dma_wait3A_157 = tpu.memref_slice %arg9[%mul3A_146, %dma_wait3A_156] : memref<125x80xi32, #tpu.memory_space<vmem>> -> memref<1x80xi32, #tpu.memory_space<vmem>>
      %dma_wait3A_158 = tpu.memref_squeeze %dma_wait3A_157 : memref<1x80xi32, #tpu.memory_space<vmem>> -> memref<80xi32, #tpu.memory_space<vmem>>
      %dma_wait3A_159 = arith.constant 0 : i32
      %dma_wait3A_160 = arith.constant 0 : i32
      %dma_wait3A_161 = tpu.memref_slice %arg3[%dma_wait3A_159, %dma_wait3A_160] : memref<10000x128xf32, #tpu.memory_space<hbm>> -> memref<10000x128xf32, #tpu.memory_space<hbm>>
      tpu.wait_indirect_dma semaphore(%arg14 : memref<!tpu.dma_semaphore, #tpu.memory_space<semaphore_mem>>) src(%dma_wait3A_161 : memref<10000x128xf32, #tpu.memory_space<hbm>>) dst(%arg12 : memref<80x128xf32, #tpu.memory_space<vmem>>)
      %dma_start3A_162 = arith.constant 0 : i32
      %dma_start3A_163 = tpu.memref_slice %arg6[%add3A_149, %dma_start3A_162] : memref<320000x128xi32, #tpu.memory_space<hbm>> -> memref<80x128xi32, #tpu.memory_space<hbm>>
      %dma_start3A_164 = arith.constant 0 : i32
      %dma_start3A_165 = tpu.memref_slice %arg6[%add3A_149, %dma_start3A_164] : memref<320000x128xi32, #tpu.memory_space<hbm>> -> memref<80x128xi32, #tpu.memory_space<hbm>>
      tpu.enqueue_dma source(%arg10 : memref<80x128xi32, #tpu.memory_space<vmem>>) target(%dma_start3A_165 : memref<80x128xi32, #tpu.memory_space<hbm>>) target_semaphore(%arg16 : memref<!tpu.dma_semaphore, #tpu.memory_space<semaphore_mem>>)
      %dma_start3A_166 = arith.constant 0 : i32
      %dma_start3A_167 = tpu.memref_slice %arg7[%add3A_149, %dma_start3A_166] : memref<320000x128xf32, #tpu.memory_space<hbm>> -> memref<80x128xf32, #tpu.memory_space<hbm>>
      %dma_start3A_168 = arith.constant 0 : i32
      %dma_start3A_169 = tpu.memref_slice %arg7[%add3A_149, %dma_start3A_168] : memref<320000x128xf32, #tpu.memory_space<hbm>> -> memref<80x128xf32, #tpu.memory_space<hbm>>
      tpu.enqueue_dma source(%arg12 : memref<80x128xf32, #tpu.memory_space<vmem>>) target(%dma_start3A_169 : memref<80x128xf32, #tpu.memory_space<hbm>>) target_semaphore(%arg18 : memref<!tpu.dma_semaphore, #tpu.memory_space<semaphore_mem>>)
      %mul3A_170 = arith.constant 2 : i32
      %mul3A_171 = arith.muli %mul3A_170, %scan3A_144 : i32
      %add3A_172 = arith.constant 2 : i32
      %add3A_173 = arith.addi %mul3A_171, %add3A_172 : i32
      %dma_wait3A_174 = arith.constant 0 : i32
      %dma_wait3A_175 = tpu.memref_slice %arg6[%mul3A_2, %dma_wait3A_174] : memref<320000x128xi32, #tpu.memory_space<hbm>> -> memref<80x128xi32, #tpu.memory_space<hbm>>
      %dma_wait3A_176 = arith.constant 0 : i32
      %dma_wait3A_177 = tpu.memref_slice %arg6[%mul3A_2, %dma_wait3A_176] : memref<320000x128xi32, #tpu.memory_space<hbm>> -> memref<80x128xi32, #tpu.memory_space<hbm>>
      tpu.wait_dma2 semaphore(%arg16 : memref<!tpu.dma_semaphore, #tpu.memory_space<semaphore_mem>>) src(%arg10 : memref<80x128xi32, #tpu.memory_space<vmem>>) dst(%dma_wait3A_177 : memref<80x128xi32, #tpu.memory_space<hbm>>)
      %dma_wait3A_178 = arith.constant 0 : i32
      %dma_wait3A_179 = tpu.memref_slice %arg7[%mul3A_2, %dma_wait3A_178] : memref<320000x128xf32, #tpu.memory_space<hbm>> -> memref<80x128xf32, #tpu.memory_space<hbm>>
      %dma_wait3A_180 = arith.constant 0 : i32
      %dma_wait3A_181 = tpu.memref_slice %arg7[%mul3A_2, %dma_wait3A_180] : memref<320000x128xf32, #tpu.memory_space<hbm>> -> memref<80x128xf32, #tpu.memory_space<hbm>>
      tpu.wait_dma2 semaphore(%arg18 : memref<!tpu.dma_semaphore, #tpu.memory_space<semaphore_mem>>) src(%arg12 : memref<80x128xf32, #tpu.memory_space<vmem>>) dst(%dma_wait3A_181 : memref<80x128xf32, #tpu.memory_space<hbm>>)
      %dma_start3A_182 = arith.constant 0 : i32
      %dma_start3A_183 = tpu.memref_slice %arg8[%add3A_173, %dma_start3A_182] : memref<125x80xi32, #tpu.memory_space<vmem>> -> memref<1x80xi32, #tpu.memory_space<vmem>>
      %dma_start3A_184 = tpu.memref_squeeze %dma_start3A_183 : memref<1x80xi32, #tpu.memory_space<vmem>> -> memref<80xi32, #tpu.memory_space<vmem>>
      %dma_start3A_185 = arith.constant 0 : i32
      %dma_start3A_186 = arith.constant 0 : i32
      %dma_start3A_187 = tpu.memref_slice %arg2[%dma_start3A_185, %dma_start3A_186] : memref<10000x128xi32, #tpu.memory_space<hbm>> -> memref<10000x128xi32, #tpu.memory_space<hbm>>
      tpu.enqueue_indirect_dma source(%dma_start3A_187 : memref<10000x128xi32, #tpu.memory_space<hbm>>) target(%arg10 : memref<80x128xi32, #tpu.memory_space<vmem>>) offsets(%dma_start3A_184 : memref<80xi32, #tpu.memory_space<vmem>>) semaphore(%arg14 : memref<!tpu.dma_semaphore, #tpu.memory_space<semaphore_mem>>)
      %dma_start3A_188 = arith.constant 0 : i32
      %dma_start3A_189 = tpu.memref_slice %arg9[%add3A_173, %dma_start3A_188] : memref<125x80xi32, #tpu.memory_space<vmem>> -> memref<1x80xi32, #tpu.memory_space<vmem>>
      %dma_start3A_190 = tpu.memref_squeeze %dma_start3A_189 : memref<1x80xi32, #tpu.memory_space<vmem>> -> memref<80xi32, #tpu.memory_space<vmem>>
      %dma_start3A_191 = arith.constant 0 : i32
      %dma_start3A_192 = arith.constant 0 : i32
      %dma_start3A_193 = tpu.memref_slice %arg3[%dma_start3A_191, %dma_start3A_192] : memref<10000x128xf32, #tpu.memory_space<hbm>> -> memref<10000x128xf32, #tpu.memory_space<hbm>>
      tpu.enqueue_indirect_dma source(%dma_start3A_193 : memref<10000x128xf32, #tpu.memory_space<hbm>>) target(%arg12 : memref<80x128xf32, #tpu.memory_space<vmem>>) offsets(%dma_start3A_190 : memref<80xi32, #tpu.memory_space<vmem>>) semaphore(%arg14 : memref<!tpu.dma_semaphore, #tpu.memory_space<semaphore_mem>>)
      %mul3A_194 = arith.constant 2 : i32
      %mul3A_195 = arith.muli %mul3A_194, %scan3A_144 : i32
      %add3A_196 = arith.constant 1 : i32
      %add3A_197 = arith.addi %mul3A_195, %add3A_196 : i32
      %mul3A_198 = arith.constant 80 : i32
      %mul3A_199 = arith.muli %add3A_197, %mul3A_198 : i32
      %add3A_200 = arith.addi %mul3A_2, %mul3A_199 : i32
      %dma_wait3A_201 = arith.constant 0 : i32
      %dma_wait3A_202 = tpu.memref_slice %arg8[%add3A_197, %dma_wait3A_201] : memref<125x80xi32, #tpu.memory_space<vmem>> -> memref<1x80xi32, #tpu.memory_space<vmem>>
      %dma_wait3A_203 = tpu.memref_squeeze %dma_wait3A_202 : memref<1x80xi32, #tpu.memory_space<vmem>> -> memref<80xi32, #tpu.memory_space<vmem>>
      %dma_wait3A_204 = arith.constant 0 : i32
      %dma_wait3A_205 = arith.constant 0 : i32
      %dma_wait3A_206 = tpu.memref_slice %arg2[%dma_wait3A_204, %dma_wait3A_205] : memref<10000x128xi32, #tpu.memory_space<hbm>> -> memref<10000x128xi32, #tpu.memory_space<hbm>>
      tpu.wait_indirect_dma semaphore(%arg15 : memref<!tpu.dma_semaphore, #tpu.memory_space<semaphore_mem>>) src(%dma_wait3A_206 : memref<10000x128xi32, #tpu.memory_space<hbm>>) dst(%arg11 : memref<80x128xi32, #tpu.memory_space<vmem>>)
      %dma_wait3A_207 = arith.constant 0 : i32
      %dma_wait3A_208 = tpu.memref_slice %arg9[%add3A_197, %dma_wait3A_207] : memref<125x80xi32, #tpu.memory_space<vmem>> -> memref<1x80xi32, #tpu.memory_space<vmem>>
      %dma_wait3A_209 = tpu.memref_squeeze %dma_wait3A_208 : memref<1x80xi32, #tpu.memory_space<vmem>> -> memref<80xi32, #tpu.memory_space<vmem>>
      %dma_wait3A_210 = arith.constant 0 : i32
      %dma_wait3A_211 = arith.constant 0 : i32
      %dma_wait3A_212 = tpu.memref_slice %arg3[%dma_wait3A_210, %dma_wait3A_211] : memref<10000x128xf32, #tpu.memory_space<hbm>> -> memref<10000x128xf32, #tpu.memory_space<hbm>>
      tpu.wait_indirect_dma semaphore(%arg15 : memref<!tpu.dma_semaphore, #tpu.memory_space<semaphore_mem>>) src(%dma_wait3A_212 : memref<10000x128xf32, #tpu.memory_space<hbm>>) dst(%arg13 : memref<80x128xf32, #tpu.memory_space<vmem>>)
      %dma_start3A_213 = arith.constant 0 : i32
      %dma_start3A_214 = tpu.memref_slice %arg6[%add3A_200, %dma_start3A_213] : memref<320000x128xi32, #tpu.memory_space<hbm>> -> memref<80x128xi32, #tpu.memory_space<hbm>>
      %dma_start3A_215 = arith.constant 0 : i32
      %dma_start3A_216 = tpu.memref_slice %arg6[%add3A_200, %dma_start3A_215] : memref<320000x128xi32, #tpu.memory_space<hbm>> -> memref<80x128xi32, #tpu.memory_space<hbm>>
      tpu.enqueue_dma source(%arg11 : memref<80x128xi32, #tpu.memory_space<vmem>>) target(%dma_start3A_216 : memref<80x128xi32, #tpu.memory_space<hbm>>) target_semaphore(%arg17 : memref<!tpu.dma_semaphore, #tpu.memory_space<semaphore_mem>>)
      %dma_start3A_217 = arith.constant 0 : i32
      %dma_start3A_218 = tpu.memref_slice %arg7[%add3A_200, %dma_start3A_217] : memref<320000x128xf32, #tpu.memory_space<hbm>> -> memref<80x128xf32, #tpu.memory_space<hbm>>
      %dma_start3A_219 = arith.constant 0 : i32
      %dma_start3A_220 = tpu.memref_slice %arg7[%add3A_200, %dma_start3A_219] : memref<320000x128xf32, #tpu.memory_space<hbm>> -> memref<80x128xf32, #tpu.memory_space<hbm>>
      tpu.enqueue_dma source(%arg13 : memref<80x128xf32, #tpu.memory_space<vmem>>) target(%dma_start3A_220 : memref<80x128xf32, #tpu.memory_space<hbm>>) target_semaphore(%arg19 : memref<!tpu.dma_semaphore, #tpu.memory_space<semaphore_mem>>)
      %mul3A_221 = arith.constant 2 : i32
      %mul3A_222 = arith.muli %mul3A_221, %scan3A_144 : i32
      %add3A_223 = arith.constant 3 : i32
      %add3A_224 = arith.addi %mul3A_222, %add3A_223 : i32
      %dma_wait3A_225 = arith.constant 0 : i32
      %dma_wait3A_226 = tpu.memref_slice %arg6[%mul3A_2, %dma_wait3A_225] : memref<320000x128xi32, #tpu.memory_space<hbm>> -> memref<80x128xi32, #tpu.memory_space<hbm>>
      %dma_wait3A_227 = arith.constant 0 : i32
      %dma_wait3A_228 = tpu.memref_slice %arg6[%mul3A_2, %dma_wait3A_227] : memref<320000x128xi32, #tpu.memory_space<hbm>> -> memref<80x128xi32, #tpu.memory_space<hbm>>
      tpu.wait_dma2 semaphore(%arg17 : memref<!tpu.dma_semaphore, #tpu.memory_space<semaphore_mem>>) src(%arg11 : memref<80x128xi32, #tpu.memory_space<vmem>>) dst(%dma_wait3A_228 : memref<80x128xi32, #tpu.memory_space<hbm>>)
      %dma_wait3A_229 = arith.constant 0 : i32
      %dma_wait3A_230 = tpu.memref_slice %arg7[%mul3A_2, %dma_wait3A_229] : memref<320000x128xf32, #tpu.memory_space<hbm>> -> memref<80x128xf32, #tpu.memory_space<hbm>>
      %dma_wait3A_231 = arith.constant 0 : i32
      %dma_wait3A_232 = tpu.memref_slice %arg7[%mul3A_2, %dma_wait3A_231] : memref<320000x128xf32, #tpu.memory_space<hbm>> -> memref<80x128xf32, #tpu.memory_space<hbm>>
      tpu.wait_dma2 semaphore(%arg19 : memref<!tpu.dma_semaphore, #tpu.memory_space<semaphore_mem>>) src(%arg13 : memref<80x128xf32, #tpu.memory_space<vmem>>) dst(%dma_wait3A_232 : memref<80x128xf32, #tpu.memory_space<hbm>>)
      %dma_start3A_233 = arith.constant 0 : i32
      %dma_start3A_234 = tpu.memref_slice %arg8[%add3A_224, %dma_start3A_233] : memref<125x80xi32, #tpu.memory_space<vmem>> -> memref<1x80xi32, #tpu.memory_space<vmem>>
      %dma_start3A_235 = tpu.memref_squeeze %dma_start3A_234 : memref<1x80xi32, #tpu.memory_space<vmem>> -> memref<80xi32, #tpu.memory_space<vmem>>
      %dma_start3A_236 = arith.constant 0 : i32
      %dma_start3A_237 = arith.constant 0 : i32
      %dma_start3A_238 = tpu.memref_slice %arg2[%dma_start3A_236, %dma_start3A_237] : memref<10000x128xi32, #tpu.memory_space<hbm>> -> memref<10000x128xi32, #tpu.memory_space<hbm>>
      tpu.enqueue_indirect_dma source(%dma_start3A_238 : memref<10000x128xi32, #tpu.memory_space<hbm>>) target(%arg11 : memref<80x128xi32, #tpu.memory_space<vmem>>) offsets(%dma_start3A_235 : memref<80xi32, #tpu.memory_space<vmem>>) semaphore(%arg15 : memref<!tpu.dma_semaphore, #tpu.memory_space<semaphore_mem>>)
      %dma_start3A_239 = arith.constant 0 : i32
      %dma_start3A_240 = tpu.memref_slice %arg9[%add3A_224, %dma_start3A_239] : memref<125x80xi32, #tpu.memory_space<vmem>> -> memref<1x80xi32, #tpu.memory_space<vmem>>
      %dma_start3A_241 = tpu.memref_squeeze %dma_start3A_240 : memref<1x80xi32, #tpu.memory_space<vmem>> -> memref<80xi32, #tpu.memory_space<vmem>>
      %dma_start3A_242 = arith.constant 0 : i32
      %dma_start3A_243 = arith.constant 0 : i32
      %dma_start3A_244 = tpu.memref_slice %arg3[%dma_start3A_242, %dma_start3A_243] : memref<10000x128xf32, #tpu.memory_space<hbm>> -> memref<10000x128xf32, #tpu.memory_space<hbm>>
      tpu.enqueue_indirect_dma source(%dma_start3A_244 : memref<10000x128xf32, #tpu.memory_space<hbm>>) target(%arg13 : memref<80x128xf32, #tpu.memory_space<vmem>>) offsets(%dma_start3A_241 : memref<80xi32, #tpu.memory_space<vmem>>) semaphore(%arg15 : memref<!tpu.dma_semaphore, #tpu.memory_space<semaphore_mem>>)
    }
    %scan3A_34 = arith.constant 61 : i32
    %add3A_35 = arith.constant 9760 : i32
    %add3A_36 = arith.addi %mul3A_2, %add3A_35 : i32
    %dma_wait3A = arith.constant 122 : i32
    %dma_wait3A_37 = arith.constant 0 : i32
    %dma_wait3A_38 = tpu.memref_slice %arg8[%dma_wait3A, %dma_wait3A_37] : memref<125x80xi32, #tpu.memory_space<vmem>> -> memref<1x80xi32, #tpu.memory_space<vmem>>
    %dma_wait3A_39 = tpu.memref_squeeze %dma_wait3A_38 : memref<1x80xi32, #tpu.memory_space<vmem>> -> memref<80xi32, #tpu.memory_space<vmem>>
    %dma_wait3A_40 = arith.constant 0 : i32
    %dma_wait3A_41 = arith.constant 0 : i32
    %dma_wait3A_42 = tpu.memref_slice %arg2[%dma_wait3A_40, %dma_wait3A_41] : memref<10000x128xi32, #tpu.memory_space<hbm>> -> memref<10000x128xi32, #tpu.memory_space<hbm>>
    tpu.wait_indirect_dma semaphore(%arg14 : memref<!tpu.dma_semaphore, #tpu.memory_space<semaphore_mem>>) src(%dma_wait3A_42 : memref<10000x128xi32, #tpu.memory_space<hbm>>) dst(%arg10 : memref<80x128xi32, #tpu.memory_space<vmem>>)
    %dma_wait3A_43 = arith.constant 122 : i32
    %dma_wait3A_44 = arith.constant 0 : i32
    %dma_wait3A_45 = tpu.memref_slice %arg9[%dma_wait3A_43, %dma_wait3A_44] : memref<125x80xi32, #tpu.memory_space<vmem>> -> memref<1x80xi32, #tpu.memory_space<vmem>>
    %dma_wait3A_46 = tpu.memref_squeeze %dma_wait3A_45 : memref<1x80xi32, #tpu.memory_space<vmem>> -> memref<80xi32, #tpu.memory_space<vmem>>
    %dma_wait3A_47 = arith.constant 0 : i32
    %dma_wait3A_48 = arith.constant 0 : i32
    %dma_wait3A_49 = tpu.memref_slice %arg3[%dma_wait3A_47, %dma_wait3A_48] : memref<10000x128xf32, #tpu.memory_space<hbm>> -> memref<10000x128xf32, #tpu.memory_space<hbm>>
    tpu.wait_indirect_dma semaphore(%arg14 : memref<!tpu.dma_semaphore, #tpu.memory_space<semaphore_mem>>) src(%dma_wait3A_49 : memref<10000x128xf32, #tpu.memory_space<hbm>>) dst(%arg12 : memref<80x128xf32, #tpu.memory_space<vmem>>)
    %dma_start3A_50 = arith.constant 0 : i32
    %dma_start3A_51 = tpu.memref_slice %arg6[%add3A_36, %dma_start3A_50] : memref<320000x128xi32, #tpu.memory_space<hbm>> -> memref<80x128xi32, #tpu.memory_space<hbm>>
    %dma_start3A_52 = arith.constant 0 : i32
    %dma_start3A_53 = tpu.memref_slice %arg6[%add3A_36, %dma_start3A_52] : memref<320000x128xi32, #tpu.memory_space<hbm>> -> memref<80x128xi32, #tpu.memory_space<hbm>>
    tpu.enqueue_dma source(%arg10 : memref<80x128xi32, #tpu.memory_space<vmem>>) target(%dma_start3A_53 : memref<80x128xi32, #tpu.memory_space<hbm>>) target_semaphore(%arg16 : memref<!tpu.dma_semaphore, #tpu.memory_space<semaphore_mem>>)
    %dma_start3A_54 = arith.constant 0 : i32
    %dma_start3A_55 = tpu.memref_slice %arg7[%add3A_36, %dma_start3A_54] : memref<320000x128xf32, #tpu.memory_space<hbm>> -> memref<80x128xf32, #tpu.memory_space<hbm>>
    %dma_start3A_56 = arith.constant 0 : i32
    %dma_start3A_57 = tpu.memref_slice %arg7[%add3A_36, %dma_start3A_56] : memref<320000x128xf32, #tpu.memory_space<hbm>> -> memref<80x128xf32, #tpu.memory_space<hbm>>
    tpu.enqueue_dma source(%arg12 : memref<80x128xf32, #tpu.memory_space<vmem>>) target(%dma_start3A_57 : memref<80x128xf32, #tpu.memory_space<hbm>>) target_semaphore(%arg18 : memref<!tpu.dma_semaphore, #tpu.memory_space<semaphore_mem>>)
    %dma_wait3A_58 = arith.constant 0 : i32
    %dma_wait3A_59 = tpu.memref_slice %arg6[%mul3A_2, %dma_wait3A_58] : memref<320000x128xi32, #tpu.memory_space<hbm>> -> memref<80x128xi32, #tpu.memory_space<hbm>>
    %dma_wait3A_60 = arith.constant 0 : i32
    %dma_wait3A_61 = tpu.memref_slice %arg6[%mul3A_2, %dma_wait3A_60] : memref<320000x128xi32, #tpu.memory_space<hbm>> -> memref<80x128xi32, #tpu.memory_space<hbm>>
    tpu.wait_dma2 semaphore(%arg16 : memref<!tpu.dma_semaphore, #tpu.memory_space<semaphore_mem>>) src(%arg10 : memref<80x128xi32, #tpu.memory_space<vmem>>) dst(%dma_wait3A_61 : memref<80x128xi32, #tpu.memory_space<hbm>>)
    %dma_wait3A_62 = arith.constant 0 : i32
    %dma_wait3A_63 = tpu.memref_slice %arg7[%mul3A_2, %dma_wait3A_62] : memref<320000x128xf32, #tpu.memory_space<hbm>> -> memref<80x128xf32, #tpu.memory_space<hbm>>
    %dma_wait3A_64 = arith.constant 0 : i32
    %dma_wait3A_65 = tpu.memref_slice %arg7[%mul3A_2, %dma_wait3A_64] : memref<320000x128xf32, #tpu.memory_space<hbm>> -> memref<80x128xf32, #tpu.memory_space<hbm>>
    tpu.wait_dma2 semaphore(%arg18 : memref<!tpu.dma_semaphore, #tpu.memory_space<semaphore_mem>>) src(%arg12 : memref<80x128xf32, #tpu.memory_space<vmem>>) dst(%dma_wait3A_65 : memref<80x128xf32, #tpu.memory_space<hbm>>)
    %dma_start3A_66 = arith.constant 124 : i32
    %dma_start3A_67 = arith.constant 0 : i32
    %dma_start3A_68 = tpu.memref_slice %arg8[%dma_start3A_66, %dma_start3A_67] : memref<125x80xi32, #tpu.memory_space<vmem>> -> memref<1x80xi32, #tpu.memory_space<vmem>>
    %dma_start3A_69 = tpu.memref_squeeze %dma_start3A_68 : memref<1x80xi32, #tpu.memory_space<vmem>> -> memref<80xi32, #tpu.memory_space<vmem>>
    %dma_start3A_70 = arith.constant 0 : i32
    %dma_start3A_71 = arith.constant 0 : i32
    %dma_start3A_72 = tpu.memref_slice %arg2[%dma_start3A_70, %dma_start3A_71] : memref<10000x128xi32, #tpu.memory_space<hbm>> -> memref<10000x128xi32, #tpu.memory_space<hbm>>
    tpu.enqueue_indirect_dma source(%dma_start3A_72 : memref<10000x128xi32, #tpu.memory_space<hbm>>) target(%arg10 : memref<80x128xi32, #tpu.memory_space<vmem>>) offsets(%dma_start3A_69 : memref<80xi32, #tpu.memory_space<vmem>>) semaphore(%arg14 : memref<!tpu.dma_semaphore, #tpu.memory_space<semaphore_mem>>)
    %dma_start3A_73 = arith.constant 124 : i32
    %dma_start3A_74 = arith.constant 0 : i32
    %dma_start3A_75 = tpu.memref_slice %arg9[%dma_start3A_73, %dma_start3A_74] : memref<125x80xi32, #tpu.memory_space<vmem>> -> memref<1x80xi32, #tpu.memory_space<vmem>>
    %dma_start3A_76 = tpu.memref_squeeze %dma_start3A_75 : memref<1x80xi32, #tpu.memory_space<vmem>> -> memref<80xi32, #tpu.memory_space<vmem>>
    %dma_start3A_77 = arith.constant 0 : i32
    %dma_start3A_78 = arith.constant 0 : i32
    %dma_start3A_79 = tpu.memref_slice %arg3[%dma_start3A_77, %dma_start3A_78] : memref<10000x128xf32, #tpu.memory_space<hbm>> -> memref<10000x128xf32, #tpu.memory_space<hbm>>
    tpu.enqueue_indirect_dma source(%dma_start3A_79 : memref<10000x128xf32, #tpu.memory_space<hbm>>) target(%arg12 : memref<80x128xf32, #tpu.memory_space<vmem>>) offsets(%dma_start3A_76 : memref<80xi32, #tpu.memory_space<vmem>>) semaphore(%arg14 : memref<!tpu.dma_semaphore, #tpu.memory_space<semaphore_mem>>)
    %add3A_80 = arith.constant 9840 : i32
    %add3A_81 = arith.addi %mul3A_2, %add3A_80 : i32
    %dma_wait3A_82 = arith.constant 123 : i32
    %dma_wait3A_83 = arith.constant 0 : i32
    %dma_wait3A_84 = tpu.memref_slice %arg8[%dma_wait3A_82, %dma_wait3A_83] : memref<125x80xi32, #tpu.memory_space<vmem>> -> memref<1x80xi32, #tpu.memory_space<vmem>>
    %dma_wait3A_85 = tpu.memref_squeeze %dma_wait3A_84 : memref<1x80xi32, #tpu.memory_space<vmem>> -> memref<80xi32, #tpu.memory_space<vmem>>
    %dma_wait3A_86 = arith.constant 0 : i32
    %dma_wait3A_87 = arith.constant 0 : i32
    %dma_wait3A_88 = tpu.memref_slice %arg2[%dma_wait3A_86, %dma_wait3A_87] : memref<10000x128xi32, #tpu.memory_space<hbm>> -> memref<10000x128xi32, #tpu.memory_space<hbm>>
    tpu.wait_indirect_dma semaphore(%arg15 : memref<!tpu.dma_semaphore, #tpu.memory_space<semaphore_mem>>) src(%dma_wait3A_88 : memref<10000x128xi32, #tpu.memory_space<hbm>>) dst(%arg11 : memref<80x128xi32, #tpu.memory_space<vmem>>)
    %dma_wait3A_89 = arith.constant 123 : i32
    %dma_wait3A_90 = arith.constant 0 : i32
    %dma_wait3A_91 = tpu.memref_slice %arg9[%dma_wait3A_89, %dma_wait3A_90] : memref<125x80xi32, #tpu.memory_space<vmem>> -> memref<1x80xi32, #tpu.memory_space<vmem>>
    %dma_wait3A_92 = tpu.memref_squeeze %dma_wait3A_91 : memref<1x80xi32, #tpu.memory_space<vmem>> -> memref<80xi32, #tpu.memory_space<vmem>>
    %dma_wait3A_93 = arith.constant 0 : i32
    %dma_wait3A_94 = arith.constant 0 : i32
    %dma_wait3A_95 = tpu.memref_slice %arg3[%dma_wait3A_93, %dma_wait3A_94] : memref<10000x128xf32, #tpu.memory_space<hbm>> -> memref<10000x128xf32, #tpu.memory_space<hbm>>
    tpu.wait_indirect_dma semaphore(%arg15 : memref<!tpu.dma_semaphore, #tpu.memory_space<semaphore_mem>>) src(%dma_wait3A_95 : memref<10000x128xf32, #tpu.memory_space<hbm>>) dst(%arg13 : memref<80x128xf32, #tpu.memory_space<vmem>>)
    %dma_start3A_96 = arith.constant 0 : i32
    %dma_start3A_97 = tpu.memref_slice %arg6[%add3A_81, %dma_start3A_96] : memref<320000x128xi32, #tpu.memory_space<hbm>> -> memref<80x128xi32, #tpu.memory_space<hbm>>
    %dma_start3A_98 = arith.constant 0 : i32
    %dma_start3A_99 = tpu.memref_slice %arg6[%add3A_81, %dma_start3A_98] : memref<320000x128xi32, #tpu.memory_space<hbm>> -> memref<80x128xi32, #tpu.memory_space<hbm>>
    tpu.enqueue_dma source(%arg11 : memref<80x128xi32, #tpu.memory_space<vmem>>) target(%dma_start3A_99 : memref<80x128xi32, #tpu.memory_space<hbm>>) target_semaphore(%arg17 : memref<!tpu.dma_semaphore, #tpu.memory_space<semaphore_mem>>)
    %dma_start3A_100 = arith.constant 0 : i32
    %dma_start3A_101 = tpu.memref_slice %arg7[%add3A_81, %dma_start3A_100] : memref<320000x128xf32, #tpu.memory_space<hbm>> -> memref<80x128xf32, #tpu.memory_space<hbm>>
    %dma_start3A_102 = arith.constant 0 : i32
    %dma_start3A_103 = tpu.memref_slice %arg7[%add3A_81, %dma_start3A_102] : memref<320000x128xf32, #tpu.memory_space<hbm>> -> memref<80x128xf32, #tpu.memory_space<hbm>>
    tpu.enqueue_dma source(%arg13 : memref<80x128xf32, #tpu.memory_space<vmem>>) target(%dma_start3A_103 : memref<80x128xf32, #tpu.memory_space<hbm>>) target_semaphore(%arg19 : memref<!tpu.dma_semaphore, #tpu.memory_space<semaphore_mem>>)
    %add3A_104 = arith.constant 9920 : i32
    %add3A_105 = arith.addi %mul3A_2, %add3A_104 : i32
    %dma_wait3A_106 = arith.constant 124 : i32
    %dma_wait3A_107 = arith.constant 0 : i32
    %dma_wait3A_108 = tpu.memref_slice %arg8[%dma_wait3A_106, %dma_wait3A_107] : memref<125x80xi32, #tpu.memory_space<vmem>> -> memref<1x80xi32, #tpu.memory_space<vmem>>
    %dma_wait3A_109 = tpu.memref_squeeze %dma_wait3A_108 : memref<1x80xi32, #tpu.memory_space<vmem>> -> memref<80xi32, #tpu.memory_space<vmem>>
    %dma_wait3A_110 = arith.constant 0 : i32
    %dma_wait3A_111 = arith.constant 0 : i32
    %dma_wait3A_112 = tpu.memref_slice %arg2[%dma_wait3A_110, %dma_wait3A_111] : memref<10000x128xi32, #tpu.memory_space<hbm>> -> memref<10000x128xi32, #tpu.memory_space<hbm>>
    tpu.wait_indirect_dma semaphore(%arg14 : memref<!tpu.dma_semaphore, #tpu.memory_space<semaphore_mem>>) src(%dma_wait3A_112 : memref<10000x128xi32, #tpu.memory_space<hbm>>) dst(%arg10 : memref<80x128xi32, #tpu.memory_space<vmem>>)
    %dma_wait3A_113 = arith.constant 124 : i32
    %dma_wait3A_114 = arith.constant 0 : i32
    %dma_wait3A_115 = tpu.memref_slice %arg9[%dma_wait3A_113, %dma_wait3A_114] : memref<125x80xi32, #tpu.memory_space<vmem>> -> memref<1x80xi32, #tpu.memory_space<vmem>>
    %dma_wait3A_116 = tpu.memref_squeeze %dma_wait3A_115 : memref<1x80xi32, #tpu.memory_space<vmem>> -> memref<80xi32, #tpu.memory_space<vmem>>
    %dma_wait3A_117 = arith.constant 0 : i32
    %dma_wait3A_118 = arith.constant 0 : i32
    %dma_wait3A_119 = tpu.memref_slice %arg3[%dma_wait3A_117, %dma_wait3A_118] : memref<10000x128xf32, #tpu.memory_space<hbm>> -> memref<10000x128xf32, #tpu.memory_space<hbm>>
    tpu.wait_indirect_dma semaphore(%arg14 : memref<!tpu.dma_semaphore, #tpu.memory_space<semaphore_mem>>) src(%dma_wait3A_119 : memref<10000x128xf32, #tpu.memory_space<hbm>>) dst(%arg12 : memref<80x128xf32, #tpu.memory_space<vmem>>)
    %dma_start3A_120 = arith.constant 0 : i32
    %dma_start3A_121 = tpu.memref_slice %arg6[%add3A_105, %dma_start3A_120] : memref<320000x128xi32, #tpu.memory_space<hbm>> -> memref<80x128xi32, #tpu.memory_space<hbm>>
    %dma_start3A_122 = arith.constant 0 : i32
    %dma_start3A_123 = tpu.memref_slice %arg6[%add3A_105, %dma_start3A_122] : memref<320000x128xi32, #tpu.memory_space<hbm>> -> memref<80x128xi32, #tpu.memory_space<hbm>>
    tpu.enqueue_dma source(%arg10 : memref<80x128xi32, #tpu.memory_space<vmem>>) target(%dma_start3A_123 : memref<80x128xi32, #tpu.memory_space<hbm>>) target_semaphore(%arg16 : memref<!tpu.dma_semaphore, #tpu.memory_space<semaphore_mem>>)
    %dma_start3A_124 = arith.constant 0 : i32
    %dma_start3A_125 = tpu.memref_slice %arg7[%add3A_105, %dma_start3A_124] : memref<320000x128xf32, #tpu.memory_space<hbm>> -> memref<80x128xf32, #tpu.memory_space<hbm>>
    %dma_start3A_126 = arith.constant 0 : i32
    %dma_start3A_127 = tpu.memref_slice %arg7[%add3A_105, %dma_start3A_126] : memref<320000x128xf32, #tpu.memory_space<hbm>> -> memref<80x128xf32, #tpu.memory_space<hbm>>
    tpu.enqueue_dma source(%arg12 : memref<80x128xf32, #tpu.memory_space<vmem>>) target(%dma_start3A_127 : memref<80x128xf32, #tpu.memory_space<hbm>>) target_semaphore(%arg18 : memref<!tpu.dma_semaphore, #tpu.memory_space<semaphore_mem>>)
    %dma_wait3A_128 = arith.constant 0 : i32
    %dma_wait3A_129 = tpu.memref_slice %arg6[%mul3A_2, %dma_wait3A_128] : memref<320000x128xi32, #tpu.memory_space<hbm>> -> memref<80x128xi32, #tpu.memory_space<hbm>>
    %dma_wait3A_130 = arith.constant 0 : i32
    %dma_wait3A_131 = tpu.memref_slice %arg6[%mul3A_2, %dma_wait3A_130] : memref<320000x128xi32, #tpu.memory_space<hbm>> -> memref<80x128xi32, #tpu.memory_space<hbm>>
    tpu.wait_dma2 semaphore(%arg16 : memref<!tpu.dma_semaphore, #tpu.memory_space<semaphore_mem>>) src(%arg10 : memref<80x128xi32, #tpu.memory_space<vmem>>) dst(%dma_wait3A_131 : memref<80x128xi32, #tpu.memory_space<hbm>>)
    %dma_wait3A_132 = arith.constant 0 : i32
    %dma_wait3A_133 = tpu.memref_slice %arg7[%mul3A_2, %dma_wait3A_132] : memref<320000x128xf32, #tpu.memory_space<hbm>> -> memref<80x128xf32, #tpu.memory_space<hbm>>
    %dma_wait3A_134 = arith.constant 0 : i32
    %dma_wait3A_135 = tpu.memref_slice %arg7[%mul3A_2, %dma_wait3A_134] : memref<320000x128xf32, #tpu.memory_space<hbm>> -> memref<80x128xf32, #tpu.memory_space<hbm>>
    tpu.wait_dma2 semaphore(%arg18 : memref<!tpu.dma_semaphore, #tpu.memory_space<semaphore_mem>>) src(%arg12 : memref<80x128xf32, #tpu.memory_space<vmem>>) dst(%dma_wait3A_135 : memref<80x128xf32, #tpu.memory_space<hbm>>)
    %dma_wait3A_136 = arith.constant 0 : i32
    %dma_wait3A_137 = tpu.memref_slice %arg6[%mul3A_2, %dma_wait3A_136] : memref<320000x128xi32, #tpu.memory_space<hbm>> -> memref<80x128xi32, #tpu.memory_space<hbm>>
    %dma_wait3A_138 = arith.constant 0 : i32
    %dma_wait3A_139 = tpu.memref_slice %arg6[%mul3A_2, %dma_wait3A_138] : memref<320000x128xi32, #tpu.memory_space<hbm>> -> memref<80x128xi32, #tpu.memory_space<hbm>>
    tpu.wait_dma2 semaphore(%arg17 : memref<!tpu.dma_semaphore, #tpu.memory_space<semaphore_mem>>) src(%arg11 : memref<80x128xi32, #tpu.memory_space<vmem>>) dst(%dma_wait3A_139 : memref<80x128xi32, #tpu.memory_space<hbm>>)
    %dma_wait3A_140 = arith.constant 0 : i32
    %dma_wait3A_141 = tpu.memref_slice %arg7[%mul3A_2, %dma_wait3A_140] : memref<320000x128xf32, #tpu.memory_space<hbm>> -> memref<80x128xf32, #tpu.memory_space<hbm>>
    %dma_wait3A_142 = arith.constant 0 : i32
    %dma_wait3A_143 = tpu.memref_slice %arg7[%mul3A_2, %dma_wait3A_142] : memref<320000x128xf32, #tpu.memory_space<hbm>> -> memref<80x128xf32, #tpu.memory_space<hbm>>
    tpu.wait_dma2 semaphore(%arg19 : memref<!tpu.dma_semaphore, #tpu.memory_space<semaphore_mem>>) src(%arg13 : memref<80x128xf32, #tpu.memory_space<vmem>>) dst(%dma_wait3A_143 : memref<80x128xf32, #tpu.memory_space<hbm>>)
    return
  }
}

#map = affine_map<(d0, d1) -> (0, 0)>
#map1 = affine_map<(d0, d1) -> (0, 0, 0)>
module attributes {stable_mosaic.version = 14 : i64} {
  func.func @_gather_body(%arg0: i32, %arg1: i32, %arg2: memref<10000x128xf32, #tpu.memory_space<hbm>>, %arg3: memref<10000x128xf32, #tpu.memory_space<hbm>>, %arg4: memref<32x125x80xi32, #tpu.memory_space<hbm>>, %arg5: memref<32x125x80xi32, #tpu.memory_space<hbm>>, %arg6: memref<320000x128xf32, #tpu.memory_space<hbm>>, %arg7: memref<320000x128xf32, #tpu.memory_space<hbm>>, %arg8: memref<125x80xi32, #tpu.memory_space<vmem>>, %arg9: memref<125x80xi32, #tpu.memory_space<vmem>>, %arg10: memref<80x128xf32, #tpu.memory_space<vmem>>, %arg11: memref<80x128xf32, #tpu.memory_space<vmem>>, %arg12: memref<80x128xf32, #tpu.memory_space<vmem>>, %arg13: memref<80x128xf32, #tpu.memory_space<vmem>>, %arg14: memref<!tpu.dma_semaphore, #tpu.memory_space<semaphore_mem>>, %arg15: memref<!tpu.dma_semaphore, #tpu.memory_space<semaphore_mem>>, %arg16: memref<!tpu.dma_semaphore, #tpu.memory_space<semaphore_mem>>, %arg17: memref<!tpu.dma_semaphore, #tpu.memory_space<semaphore_mem>>, %arg18: memref<!tpu.dma_semaphore, #tpu.memory_space<semaphore_mem>>, %arg19: memref<!tpu.dma_semaphore, #tpu.memory_space<semaphore_mem>>) attributes {dimension_semantics = [#tpu.dimension_semantics<core_parallel>, #tpu.dimension_semantics<subcore_parallel>], iteration_bounds = array<i64: 2, 16>, scalar_prefetch = 0 : i64, scratch_operands = 12 : i64, tpu.core_type = #tpu.core_type<sc_vector_subcore>, window_params = [{transform_indices = #map}, {transform_indices = #map}, {transform_indices = #map1}, {transform_indices = #map1}, {transform_indices = #map}, {transform_indices = #map}]} {
    %mul3A = arith.constant 2 : i32
    %mul3A_0 = arith.muli %arg1, %mul3A : i32
    %add3A = arith.addi %mul3A_0, %arg0 : i32
    %mul3A_1 = arith.constant 10000 : i32
    %mul3A_2 = arith.muli %add3A, %mul3A_1 : i32
    "tpu.region"() ({
      %run_scoped3A = tpu.sem_alloc : memref<!tpu.dma_semaphore, #tpu.memory_space<semaphore_mem>>
      %dma_start3A_144 = arith.constant 0 : i32
      %dma_start3A_145 = arith.constant 0 : i32
      %dma_start3A_146 = tpu.memref_slice %arg4[%add3A, %dma_start3A_144, %dma_start3A_145] : memref<32x125x80xi32, #tpu.memory_space<hbm>> -> memref<1x125x80xi32, #tpu.memory_space<hbm>>
      %dma_start3A_147 = tpu.memref_squeeze %dma_start3A_146 : memref<1x125x80xi32, #tpu.memory_space<hbm>> -> memref<125x80xi32, #tpu.memory_space<hbm>>
      %dma_start3A_148 = arith.constant 0 : i32
      %dma_start3A_149 = arith.constant 0 : i32
      %dma_start3A_150 = tpu.memref_slice %arg4[%add3A, %dma_start3A_148, %dma_start3A_149] : memref<32x125x80xi32, #tpu.memory_space<hbm>> -> memref<1x125x80xi32, #tpu.memory_space<hbm>>
      %dma_start3A_151 = tpu.memref_squeeze %dma_start3A_150 : memref<1x125x80xi32, #tpu.memory_space<hbm>> -> memref<125x80xi32, #tpu.memory_space<hbm>>
      tpu.enqueue_dma source(%dma_start3A_151 : memref<125x80xi32, #tpu.memory_space<hbm>>) target(%arg8 : memref<125x80xi32, #tpu.memory_space<vmem>>) target_semaphore(%run_scoped3A : memref<!tpu.dma_semaphore, #tpu.memory_space<semaphore_mem>>)
      %dma_wait3A_152 = arith.constant 0 : i32
      %dma_wait3A_153 = arith.constant 0 : i32
      %dma_wait3A_154 = tpu.memref_slice %arg4[%add3A, %dma_wait3A_152, %dma_wait3A_153] : memref<32x125x80xi32, #tpu.memory_space<hbm>> -> memref<1x125x80xi32, #tpu.memory_space<hbm>>
      %dma_wait3A_155 = tpu.memref_squeeze %dma_wait3A_154 : memref<1x125x80xi32, #tpu.memory_space<hbm>> -> memref<125x80xi32, #tpu.memory_space<hbm>>
      %dma_wait3A_156 = arith.constant 0 : i32
      %dma_wait3A_157 = arith.constant 0 : i32
      %dma_wait3A_158 = tpu.memref_slice %arg4[%add3A, %dma_wait3A_156, %dma_wait3A_157] : memref<32x125x80xi32, #tpu.memory_space<hbm>> -> memref<1x125x80xi32, #tpu.memory_space<hbm>>
      %dma_wait3A_159 = tpu.memref_squeeze %dma_wait3A_158 : memref<1x125x80xi32, #tpu.memory_space<hbm>> -> memref<125x80xi32, #tpu.memory_space<hbm>>
      tpu.wait_dma2 semaphore(%run_scoped3A : memref<!tpu.dma_semaphore, #tpu.memory_space<semaphore_mem>>) src(%dma_wait3A_159 : memref<125x80xi32, #tpu.memory_space<hbm>>) dst(%arg8 : memref<125x80xi32, #tpu.memory_space<vmem>>)
      tpu.yield
    }) : () -> ()
    "tpu.region"() ({
      %run_scoped3A = tpu.sem_alloc : memref<!tpu.dma_semaphore, #tpu.memory_space<semaphore_mem>>
      %dma_start3A_144 = arith.constant 0 : i32
      %dma_start3A_145 = arith.constant 0 : i32
      %dma_start3A_146 = tpu.memref_slice %arg5[%add3A, %dma_start3A_144, %dma_start3A_145] : memref<32x125x80xi32, #tpu.memory_space<hbm>> -> memref<1x125x80xi32, #tpu.memory_space<hbm>>
      %dma_start3A_147 = tpu.memref_squeeze %dma_start3A_146 : memref<1x125x80xi32, #tpu.memory_space<hbm>> -> memref<125x80xi32, #tpu.memory_space<hbm>>
      %dma_start3A_148 = arith.constant 0 : i32
      %dma_start3A_149 = arith.constant 0 : i32
      %dma_start3A_150 = tpu.memref_slice %arg5[%add3A, %dma_start3A_148, %dma_start3A_149] : memref<32x125x80xi32, #tpu.memory_space<hbm>> -> memref<1x125x80xi32, #tpu.memory_space<hbm>>
      %dma_start3A_151 = tpu.memref_squeeze %dma_start3A_150 : memref<1x125x80xi32, #tpu.memory_space<hbm>> -> memref<125x80xi32, #tpu.memory_space<hbm>>
      tpu.enqueue_dma source(%dma_start3A_151 : memref<125x80xi32, #tpu.memory_space<hbm>>) target(%arg9 : memref<125x80xi32, #tpu.memory_space<vmem>>) target_semaphore(%run_scoped3A : memref<!tpu.dma_semaphore, #tpu.memory_space<semaphore_mem>>)
      %dma_wait3A_152 = arith.constant 0 : i32
      %dma_wait3A_153 = arith.constant 0 : i32
      %dma_wait3A_154 = tpu.memref_slice %arg5[%add3A, %dma_wait3A_152, %dma_wait3A_153] : memref<32x125x80xi32, #tpu.memory_space<hbm>> -> memref<1x125x80xi32, #tpu.memory_space<hbm>>
      %dma_wait3A_155 = tpu.memref_squeeze %dma_wait3A_154 : memref<1x125x80xi32, #tpu.memory_space<hbm>> -> memref<125x80xi32, #tpu.memory_space<hbm>>
      %dma_wait3A_156 = arith.constant 0 : i32
      %dma_wait3A_157 = arith.constant 0 : i32
      %dma_wait3A_158 = tpu.memref_slice %arg5[%add3A, %dma_wait3A_156, %dma_wait3A_157] : memref<32x125x80xi32, #tpu.memory_space<hbm>> -> memref<1x125x80xi32, #tpu.memory_space<hbm>>
      %dma_wait3A_159 = tpu.memref_squeeze %dma_wait3A_158 : memref<1x125x80xi32, #tpu.memory_space<hbm>> -> memref<125x80xi32, #tpu.memory_space<hbm>>
      tpu.wait_dma2 semaphore(%run_scoped3A : memref<!tpu.dma_semaphore, #tpu.memory_space<semaphore_mem>>) src(%dma_wait3A_159 : memref<125x80xi32, #tpu.memory_space<hbm>>) dst(%arg9 : memref<125x80xi32, #tpu.memory_space<vmem>>)
      tpu.yield
    }) : () -> ()
    %dma_start3A = arith.constant 0 : i32
    %dma_start3A_3 = arith.constant 0 : i32
    %dma_start3A_4 = tpu.memref_slice %arg8[%dma_start3A, %dma_start3A_3] : memref<125x80xi32, #tpu.memory_space<vmem>> -> memref<1x80xi32, #tpu.memory_space<vmem>>
    %dma_start3A_5 = tpu.memref_squeeze %dma_start3A_4 : memref<1x80xi32, #tpu.memory_space<vmem>> -> memref<80xi32, #tpu.memory_space<vmem>>
    %dma_start3A_6 = arith.constant 0 : i32
    %dma_start3A_7 = arith.constant 0 : i32
    %dma_start3A_8 = tpu.memref_slice %arg2[%dma_start3A_6, %dma_start3A_7] : memref<10000x128xf32, #tpu.memory_space<hbm>> -> memref<10000x128xf32, #tpu.memory_space<hbm>>
    tpu.enqueue_indirect_dma source(%dma_start3A_8 : memref<10000x128xf32, #tpu.memory_space<hbm>>) target(%arg10 : memref<80x128xf32, #tpu.memory_space<vmem>>) offsets(%dma_start3A_5 : memref<80xi32, #tpu.memory_space<vmem>>) semaphore(%arg14 : memref<!tpu.dma_semaphore, #tpu.memory_space<semaphore_mem>>)
    %dma_start3A_9 = arith.constant 0 : i32
    %dma_start3A_10 = arith.constant 0 : i32
    %dma_start3A_11 = tpu.memref_slice %arg9[%dma_start3A_9, %dma_start3A_10] : memref<125x80xi32, #tpu.memory_space<vmem>> -> memref<1x80xi32, #tpu.memory_space<vmem>>
    %dma_start3A_12 = tpu.memref_squeeze %dma_start3A_11 : memref<1x80xi32, #tpu.memory_space<vmem>> -> memref<80xi32, #tpu.memory_space<vmem>>
    %dma_start3A_13 = arith.constant 0 : i32
    %dma_start3A_14 = arith.constant 0 : i32
    %dma_start3A_15 = tpu.memref_slice %arg3[%dma_start3A_13, %dma_start3A_14] : memref<10000x128xf32, #tpu.memory_space<hbm>> -> memref<10000x128xf32, #tpu.memory_space<hbm>>
    tpu.enqueue_indirect_dma source(%dma_start3A_15 : memref<10000x128xf32, #tpu.memory_space<hbm>>) target(%arg12 : memref<80x128xf32, #tpu.memory_space<vmem>>) offsets(%dma_start3A_12 : memref<80xi32, #tpu.memory_space<vmem>>) semaphore(%arg14 : memref<!tpu.dma_semaphore, #tpu.memory_space<semaphore_mem>>)
    %dma_start3A_16 = arith.constant 1 : i32
    %dma_start3A_17 = arith.constant 0 : i32
    %dma_start3A_18 = tpu.memref_slice %arg8[%dma_start3A_16, %dma_start3A_17] : memref<125x80xi32, #tpu.memory_space<vmem>> -> memref<1x80xi32, #tpu.memory_space<vmem>>
    %dma_start3A_19 = tpu.memref_squeeze %dma_start3A_18 : memref<1x80xi32, #tpu.memory_space<vmem>> -> memref<80xi32, #tpu.memory_space<vmem>>
    %dma_start3A_20 = arith.constant 0 : i32
    %dma_start3A_21 = arith.constant 0 : i32
    %dma_start3A_22 = tpu.memref_slice %arg2[%dma_start3A_20, %dma_start3A_21] : memref<10000x128xf32, #tpu.memory_space<hbm>> -> memref<10000x128xf32, #tpu.memory_space<hbm>>
    tpu.enqueue_indirect_dma source(%dma_start3A_22 : memref<10000x128xf32, #tpu.memory_space<hbm>>) target(%arg11 : memref<80x128xf32, #tpu.memory_space<vmem>>) offsets(%dma_start3A_19 : memref<80xi32, #tpu.memory_space<vmem>>) semaphore(%arg15 : memref<!tpu.dma_semaphore, #tpu.memory_space<semaphore_mem>>)
    %dma_start3A_23 = arith.constant 1 : i32
    %dma_start3A_24 = arith.constant 0 : i32
    %dma_start3A_25 = tpu.memref_slice %arg9[%dma_start3A_23, %dma_start3A_24] : memref<125x80xi32, #tpu.memory_space<vmem>> -> memref<1x80xi32, #tpu.memory_space<vmem>>
    %dma_start3A_26 = tpu.memref_squeeze %dma_start3A_25 : memref<1x80xi32, #tpu.memory_space<vmem>> -> memref<80xi32, #tpu.memory_space<vmem>>
    %dma_start3A_27 = arith.constant 0 : i32
    %dma_start3A_28 = arith.constant 0 : i32
    %dma_start3A_29 = tpu.memref_slice %arg3[%dma_start3A_27, %dma_start3A_28] : memref<10000x128xf32, #tpu.memory_space<hbm>> -> memref<10000x128xf32, #tpu.memory_space<hbm>>
    tpu.enqueue_indirect_dma source(%dma_start3A_29 : memref<10000x128xf32, #tpu.memory_space<hbm>>) target(%arg13 : memref<80x128xf32, #tpu.memory_space<vmem>>) offsets(%dma_start3A_26 : memref<80xi32, #tpu.memory_space<vmem>>) semaphore(%arg15 : memref<!tpu.dma_semaphore, #tpu.memory_space<semaphore_mem>>)
    %scan3A = arith.constant 0 : i32
    %scan3A_30 = arith.constant 0 : i32
    %scan3A_31 = arith.constant 61 : i32
    %scan3A_32 = arith.addi %scan3A_30, %scan3A_31 : i32
    %scan3A_33 = arith.constant 1 : i32
    scf.for %scan3A_144 = %scan3A_30 to %scan3A_32 step %scan3A_33  : i32 {
      %mul3A_145 = arith.constant 2 : i32
      %mul3A_146 = arith.muli %mul3A_145, %scan3A_144 : i32
      %mul3A_147 = arith.constant 80 : i32
      %mul3A_148 = arith.muli %mul3A_146, %mul3A_147 : i32
      %add3A_149 = arith.addi %mul3A_2, %mul3A_148 : i32
      %dma_wait3A_150 = arith.constant 0 : i32
      %dma_wait3A_151 = tpu.memref_slice %arg8[%mul3A_146, %dma_wait3A_150] : memref<125x80xi32, #tpu.memory_space<vmem>> -> memref<1x80xi32, #tpu.memory_space<vmem>>
      %dma_wait3A_152 = tpu.memref_squeeze %dma_wait3A_151 : memref<1x80xi32, #tpu.memory_space<vmem>> -> memref<80xi32, #tpu.memory_space<vmem>>
      %dma_wait3A_153 = arith.constant 0 : i32
      %dma_wait3A_154 = arith.constant 0 : i32
      %dma_wait3A_155 = tpu.memref_slice %arg2[%dma_wait3A_153, %dma_wait3A_154] : memref<10000x128xf32, #tpu.memory_space<hbm>> -> memref<10000x128xf32, #tpu.memory_space<hbm>>
      tpu.wait_indirect_dma semaphore(%arg14 : memref<!tpu.dma_semaphore, #tpu.memory_space<semaphore_mem>>) src(%dma_wait3A_155 : memref<10000x128xf32, #tpu.memory_space<hbm>>) dst(%arg10 : memref<80x128xf32, #tpu.memory_space<vmem>>)
      %dma_wait3A_156 = arith.constant 0 : i32
      %dma_wait3A_157 = tpu.memref_slice %arg9[%mul3A_146, %dma_wait3A_156] : memref<125x80xi32, #tpu.memory_space<vmem>> -> memref<1x80xi32, #tpu.memory_space<vmem>>
      %dma_wait3A_158 = tpu.memref_squeeze %dma_wait3A_157 : memref<1x80xi32, #tpu.memory_space<vmem>> -> memref<80xi32, #tpu.memory_space<vmem>>
      %dma_wait3A_159 = arith.constant 0 : i32
      %dma_wait3A_160 = arith.constant 0 : i32
      %dma_wait3A_161 = tpu.memref_slice %arg3[%dma_wait3A_159, %dma_wait3A_160] : memref<10000x128xf32, #tpu.memory_space<hbm>> -> memref<10000x128xf32, #tpu.memory_space<hbm>>
      tpu.wait_indirect_dma semaphore(%arg14 : memref<!tpu.dma_semaphore, #tpu.memory_space<semaphore_mem>>) src(%dma_wait3A_161 : memref<10000x128xf32, #tpu.memory_space<hbm>>) dst(%arg12 : memref<80x128xf32, #tpu.memory_space<vmem>>)
      %dma_start3A_162 = arith.constant 0 : i32
      %dma_start3A_163 = tpu.memref_slice %arg6[%add3A_149, %dma_start3A_162] : memref<320000x128xf32, #tpu.memory_space<hbm>> -> memref<80x128xf32, #tpu.memory_space<hbm>>
      %dma_start3A_164 = arith.constant 0 : i32
      %dma_start3A_165 = tpu.memref_slice %arg6[%add3A_149, %dma_start3A_164] : memref<320000x128xf32, #tpu.memory_space<hbm>> -> memref<80x128xf32, #tpu.memory_space<hbm>>
      tpu.enqueue_dma source(%arg10 : memref<80x128xf32, #tpu.memory_space<vmem>>) target(%dma_start3A_165 : memref<80x128xf32, #tpu.memory_space<hbm>>) target_semaphore(%arg16 : memref<!tpu.dma_semaphore, #tpu.memory_space<semaphore_mem>>)
      %dma_start3A_166 = arith.constant 0 : i32
      %dma_start3A_167 = tpu.memref_slice %arg7[%add3A_149, %dma_start3A_166] : memref<320000x128xf32, #tpu.memory_space<hbm>> -> memref<80x128xf32, #tpu.memory_space<hbm>>
      %dma_start3A_168 = arith.constant 0 : i32
      %dma_start3A_169 = tpu.memref_slice %arg7[%add3A_149, %dma_start3A_168] : memref<320000x128xf32, #tpu.memory_space<hbm>> -> memref<80x128xf32, #tpu.memory_space<hbm>>
      tpu.enqueue_dma source(%arg12 : memref<80x128xf32, #tpu.memory_space<vmem>>) target(%dma_start3A_169 : memref<80x128xf32, #tpu.memory_space<hbm>>) target_semaphore(%arg18 : memref<!tpu.dma_semaphore, #tpu.memory_space<semaphore_mem>>)
      %mul3A_170 = arith.constant 2 : i32
      %mul3A_171 = arith.muli %mul3A_170, %scan3A_144 : i32
      %add3A_172 = arith.constant 2 : i32
      %add3A_173 = arith.addi %mul3A_171, %add3A_172 : i32
      %dma_wait3A_174 = arith.constant 0 : i32
      %dma_wait3A_175 = tpu.memref_slice %arg6[%mul3A_2, %dma_wait3A_174] : memref<320000x128xf32, #tpu.memory_space<hbm>> -> memref<80x128xf32, #tpu.memory_space<hbm>>
      %dma_wait3A_176 = arith.constant 0 : i32
      %dma_wait3A_177 = tpu.memref_slice %arg6[%mul3A_2, %dma_wait3A_176] : memref<320000x128xf32, #tpu.memory_space<hbm>> -> memref<80x128xf32, #tpu.memory_space<hbm>>
      tpu.wait_dma2 semaphore(%arg16 : memref<!tpu.dma_semaphore, #tpu.memory_space<semaphore_mem>>) src(%arg10 : memref<80x128xf32, #tpu.memory_space<vmem>>) dst(%dma_wait3A_177 : memref<80x128xf32, #tpu.memory_space<hbm>>)
      %dma_wait3A_178 = arith.constant 0 : i32
      %dma_wait3A_179 = tpu.memref_slice %arg7[%mul3A_2, %dma_wait3A_178] : memref<320000x128xf32, #tpu.memory_space<hbm>> -> memref<80x128xf32, #tpu.memory_space<hbm>>
      %dma_wait3A_180 = arith.constant 0 : i32
      %dma_wait3A_181 = tpu.memref_slice %arg7[%mul3A_2, %dma_wait3A_180] : memref<320000x128xf32, #tpu.memory_space<hbm>> -> memref<80x128xf32, #tpu.memory_space<hbm>>
      tpu.wait_dma2 semaphore(%arg18 : memref<!tpu.dma_semaphore, #tpu.memory_space<semaphore_mem>>) src(%arg12 : memref<80x128xf32, #tpu.memory_space<vmem>>) dst(%dma_wait3A_181 : memref<80x128xf32, #tpu.memory_space<hbm>>)
      %dma_start3A_182 = arith.constant 0 : i32
      %dma_start3A_183 = tpu.memref_slice %arg8[%add3A_173, %dma_start3A_182] : memref<125x80xi32, #tpu.memory_space<vmem>> -> memref<1x80xi32, #tpu.memory_space<vmem>>
      %dma_start3A_184 = tpu.memref_squeeze %dma_start3A_183 : memref<1x80xi32, #tpu.memory_space<vmem>> -> memref<80xi32, #tpu.memory_space<vmem>>
      %dma_start3A_185 = arith.constant 0 : i32
      %dma_start3A_186 = arith.constant 0 : i32
      %dma_start3A_187 = tpu.memref_slice %arg2[%dma_start3A_185, %dma_start3A_186] : memref<10000x128xf32, #tpu.memory_space<hbm>> -> memref<10000x128xf32, #tpu.memory_space<hbm>>
      tpu.enqueue_indirect_dma source(%dma_start3A_187 : memref<10000x128xf32, #tpu.memory_space<hbm>>) target(%arg10 : memref<80x128xf32, #tpu.memory_space<vmem>>) offsets(%dma_start3A_184 : memref<80xi32, #tpu.memory_space<vmem>>) semaphore(%arg14 : memref<!tpu.dma_semaphore, #tpu.memory_space<semaphore_mem>>)
      %dma_start3A_188 = arith.constant 0 : i32
      %dma_start3A_189 = tpu.memref_slice %arg9[%add3A_173, %dma_start3A_188] : memref<125x80xi32, #tpu.memory_space<vmem>> -> memref<1x80xi32, #tpu.memory_space<vmem>>
      %dma_start3A_190 = tpu.memref_squeeze %dma_start3A_189 : memref<1x80xi32, #tpu.memory_space<vmem>> -> memref<80xi32, #tpu.memory_space<vmem>>
      %dma_start3A_191 = arith.constant 0 : i32
      %dma_start3A_192 = arith.constant 0 : i32
      %dma_start3A_193 = tpu.memref_slice %arg3[%dma_start3A_191, %dma_start3A_192] : memref<10000x128xf32, #tpu.memory_space<hbm>> -> memref<10000x128xf32, #tpu.memory_space<hbm>>
      tpu.enqueue_indirect_dma source(%dma_start3A_193 : memref<10000x128xf32, #tpu.memory_space<hbm>>) target(%arg12 : memref<80x128xf32, #tpu.memory_space<vmem>>) offsets(%dma_start3A_190 : memref<80xi32, #tpu.memory_space<vmem>>) semaphore(%arg14 : memref<!tpu.dma_semaphore, #tpu.memory_space<semaphore_mem>>)
      %mul3A_194 = arith.constant 2 : i32
      %mul3A_195 = arith.muli %mul3A_194, %scan3A_144 : i32
      %add3A_196 = arith.constant 1 : i32
      %add3A_197 = arith.addi %mul3A_195, %add3A_196 : i32
      %mul3A_198 = arith.constant 80 : i32
      %mul3A_199 = arith.muli %add3A_197, %mul3A_198 : i32
      %add3A_200 = arith.addi %mul3A_2, %mul3A_199 : i32
      %dma_wait3A_201 = arith.constant 0 : i32
      %dma_wait3A_202 = tpu.memref_slice %arg8[%add3A_197, %dma_wait3A_201] : memref<125x80xi32, #tpu.memory_space<vmem>> -> memref<1x80xi32, #tpu.memory_space<vmem>>
      %dma_wait3A_203 = tpu.memref_squeeze %dma_wait3A_202 : memref<1x80xi32, #tpu.memory_space<vmem>> -> memref<80xi32, #tpu.memory_space<vmem>>
      %dma_wait3A_204 = arith.constant 0 : i32
      %dma_wait3A_205 = arith.constant 0 : i32
      %dma_wait3A_206 = tpu.memref_slice %arg2[%dma_wait3A_204, %dma_wait3A_205] : memref<10000x128xf32, #tpu.memory_space<hbm>> -> memref<10000x128xf32, #tpu.memory_space<hbm>>
      tpu.wait_indirect_dma semaphore(%arg15 : memref<!tpu.dma_semaphore, #tpu.memory_space<semaphore_mem>>) src(%dma_wait3A_206 : memref<10000x128xf32, #tpu.memory_space<hbm>>) dst(%arg11 : memref<80x128xf32, #tpu.memory_space<vmem>>)
      %dma_wait3A_207 = arith.constant 0 : i32
      %dma_wait3A_208 = tpu.memref_slice %arg9[%add3A_197, %dma_wait3A_207] : memref<125x80xi32, #tpu.memory_space<vmem>> -> memref<1x80xi32, #tpu.memory_space<vmem>>
      %dma_wait3A_209 = tpu.memref_squeeze %dma_wait3A_208 : memref<1x80xi32, #tpu.memory_space<vmem>> -> memref<80xi32, #tpu.memory_space<vmem>>
      %dma_wait3A_210 = arith.constant 0 : i32
      %dma_wait3A_211 = arith.constant 0 : i32
      %dma_wait3A_212 = tpu.memref_slice %arg3[%dma_wait3A_210, %dma_wait3A_211] : memref<10000x128xf32, #tpu.memory_space<hbm>> -> memref<10000x128xf32, #tpu.memory_space<hbm>>
      tpu.wait_indirect_dma semaphore(%arg15 : memref<!tpu.dma_semaphore, #tpu.memory_space<semaphore_mem>>) src(%dma_wait3A_212 : memref<10000x128xf32, #tpu.memory_space<hbm>>) dst(%arg13 : memref<80x128xf32, #tpu.memory_space<vmem>>)
      %dma_start3A_213 = arith.constant 0 : i32
      %dma_start3A_214 = tpu.memref_slice %arg6[%add3A_200, %dma_start3A_213] : memref<320000x128xf32, #tpu.memory_space<hbm>> -> memref<80x128xf32, #tpu.memory_space<hbm>>
      %dma_start3A_215 = arith.constant 0 : i32
      %dma_start3A_216 = tpu.memref_slice %arg6[%add3A_200, %dma_start3A_215] : memref<320000x128xf32, #tpu.memory_space<hbm>> -> memref<80x128xf32, #tpu.memory_space<hbm>>
      tpu.enqueue_dma source(%arg11 : memref<80x128xf32, #tpu.memory_space<vmem>>) target(%dma_start3A_216 : memref<80x128xf32, #tpu.memory_space<hbm>>) target_semaphore(%arg17 : memref<!tpu.dma_semaphore, #tpu.memory_space<semaphore_mem>>)
      %dma_start3A_217 = arith.constant 0 : i32
      %dma_start3A_218 = tpu.memref_slice %arg7[%add3A_200, %dma_start3A_217] : memref<320000x128xf32, #tpu.memory_space<hbm>> -> memref<80x128xf32, #tpu.memory_space<hbm>>
      %dma_start3A_219 = arith.constant 0 : i32
      %dma_start3A_220 = tpu.memref_slice %arg7[%add3A_200, %dma_start3A_219] : memref<320000x128xf32, #tpu.memory_space<hbm>> -> memref<80x128xf32, #tpu.memory_space<hbm>>
      tpu.enqueue_dma source(%arg13 : memref<80x128xf32, #tpu.memory_space<vmem>>) target(%dma_start3A_220 : memref<80x128xf32, #tpu.memory_space<hbm>>) target_semaphore(%arg19 : memref<!tpu.dma_semaphore, #tpu.memory_space<semaphore_mem>>)
      %mul3A_221 = arith.constant 2 : i32
      %mul3A_222 = arith.muli %mul3A_221, %scan3A_144 : i32
      %add3A_223 = arith.constant 3 : i32
      %add3A_224 = arith.addi %mul3A_222, %add3A_223 : i32
      %dma_wait3A_225 = arith.constant 0 : i32
      %dma_wait3A_226 = tpu.memref_slice %arg6[%mul3A_2, %dma_wait3A_225] : memref<320000x128xf32, #tpu.memory_space<hbm>> -> memref<80x128xf32, #tpu.memory_space<hbm>>
      %dma_wait3A_227 = arith.constant 0 : i32
      %dma_wait3A_228 = tpu.memref_slice %arg6[%mul3A_2, %dma_wait3A_227] : memref<320000x128xf32, #tpu.memory_space<hbm>> -> memref<80x128xf32, #tpu.memory_space<hbm>>
      tpu.wait_dma2 semaphore(%arg17 : memref<!tpu.dma_semaphore, #tpu.memory_space<semaphore_mem>>) src(%arg11 : memref<80x128xf32, #tpu.memory_space<vmem>>) dst(%dma_wait3A_228 : memref<80x128xf32, #tpu.memory_space<hbm>>)
      %dma_wait3A_229 = arith.constant 0 : i32
      %dma_wait3A_230 = tpu.memref_slice %arg7[%mul3A_2, %dma_wait3A_229] : memref<320000x128xf32, #tpu.memory_space<hbm>> -> memref<80x128xf32, #tpu.memory_space<hbm>>
      %dma_wait3A_231 = arith.constant 0 : i32
      %dma_wait3A_232 = tpu.memref_slice %arg7[%mul3A_2, %dma_wait3A_231] : memref<320000x128xf32, #tpu.memory_space<hbm>> -> memref<80x128xf32, #tpu.memory_space<hbm>>
      tpu.wait_dma2 semaphore(%arg19 : memref<!tpu.dma_semaphore, #tpu.memory_space<semaphore_mem>>) src(%arg13 : memref<80x128xf32, #tpu.memory_space<vmem>>) dst(%dma_wait3A_232 : memref<80x128xf32, #tpu.memory_space<hbm>>)
      %dma_start3A_233 = arith.constant 0 : i32
      %dma_start3A_234 = tpu.memref_slice %arg8[%add3A_224, %dma_start3A_233] : memref<125x80xi32, #tpu.memory_space<vmem>> -> memref<1x80xi32, #tpu.memory_space<vmem>>
      %dma_start3A_235 = tpu.memref_squeeze %dma_start3A_234 : memref<1x80xi32, #tpu.memory_space<vmem>> -> memref<80xi32, #tpu.memory_space<vmem>>
      %dma_start3A_236 = arith.constant 0 : i32
      %dma_start3A_237 = arith.constant 0 : i32
      %dma_start3A_238 = tpu.memref_slice %arg2[%dma_start3A_236, %dma_start3A_237] : memref<10000x128xf32, #tpu.memory_space<hbm>> -> memref<10000x128xf32, #tpu.memory_space<hbm>>
      tpu.enqueue_indirect_dma source(%dma_start3A_238 : memref<10000x128xf32, #tpu.memory_space<hbm>>) target(%arg11 : memref<80x128xf32, #tpu.memory_space<vmem>>) offsets(%dma_start3A_235 : memref<80xi32, #tpu.memory_space<vmem>>) semaphore(%arg15 : memref<!tpu.dma_semaphore, #tpu.memory_space<semaphore_mem>>)
      %dma_start3A_239 = arith.constant 0 : i32
      %dma_start3A_240 = tpu.memref_slice %arg9[%add3A_224, %dma_start3A_239] : memref<125x80xi32, #tpu.memory_space<vmem>> -> memref<1x80xi32, #tpu.memory_space<vmem>>
      %dma_start3A_241 = tpu.memref_squeeze %dma_start3A_240 : memref<1x80xi32, #tpu.memory_space<vmem>> -> memref<80xi32, #tpu.memory_space<vmem>>
      %dma_start3A_242 = arith.constant 0 : i32
      %dma_start3A_243 = arith.constant 0 : i32
      %dma_start3A_244 = tpu.memref_slice %arg3[%dma_start3A_242, %dma_start3A_243] : memref<10000x128xf32, #tpu.memory_space<hbm>> -> memref<10000x128xf32, #tpu.memory_space<hbm>>
      tpu.enqueue_indirect_dma source(%dma_start3A_244 : memref<10000x128xf32, #tpu.memory_space<hbm>>) target(%arg13 : memref<80x128xf32, #tpu.memory_space<vmem>>) offsets(%dma_start3A_241 : memref<80xi32, #tpu.memory_space<vmem>>) semaphore(%arg15 : memref<!tpu.dma_semaphore, #tpu.memory_space<semaphore_mem>>)
    }
    %scan3A_34 = arith.constant 61 : i32
    %add3A_35 = arith.constant 9760 : i32
    %add3A_36 = arith.addi %mul3A_2, %add3A_35 : i32
    %dma_wait3A = arith.constant 122 : i32
    %dma_wait3A_37 = arith.constant 0 : i32
    %dma_wait3A_38 = tpu.memref_slice %arg8[%dma_wait3A, %dma_wait3A_37] : memref<125x80xi32, #tpu.memory_space<vmem>> -> memref<1x80xi32, #tpu.memory_space<vmem>>
    %dma_wait3A_39 = tpu.memref_squeeze %dma_wait3A_38 : memref<1x80xi32, #tpu.memory_space<vmem>> -> memref<80xi32, #tpu.memory_space<vmem>>
    %dma_wait3A_40 = arith.constant 0 : i32
    %dma_wait3A_41 = arith.constant 0 : i32
    %dma_wait3A_42 = tpu.memref_slice %arg2[%dma_wait3A_40, %dma_wait3A_41] : memref<10000x128xf32, #tpu.memory_space<hbm>> -> memref<10000x128xf32, #tpu.memory_space<hbm>>
    tpu.wait_indirect_dma semaphore(%arg14 : memref<!tpu.dma_semaphore, #tpu.memory_space<semaphore_mem>>) src(%dma_wait3A_42 : memref<10000x128xf32, #tpu.memory_space<hbm>>) dst(%arg10 : memref<80x128xf32, #tpu.memory_space<vmem>>)
    %dma_wait3A_43 = arith.constant 122 : i32
    %dma_wait3A_44 = arith.constant 0 : i32
    %dma_wait3A_45 = tpu.memref_slice %arg9[%dma_wait3A_43, %dma_wait3A_44] : memref<125x80xi32, #tpu.memory_space<vmem>> -> memref<1x80xi32, #tpu.memory_space<vmem>>
    %dma_wait3A_46 = tpu.memref_squeeze %dma_wait3A_45 : memref<1x80xi32, #tpu.memory_space<vmem>> -> memref<80xi32, #tpu.memory_space<vmem>>
    %dma_wait3A_47 = arith.constant 0 : i32
    %dma_wait3A_48 = arith.constant 0 : i32
    %dma_wait3A_49 = tpu.memref_slice %arg3[%dma_wait3A_47, %dma_wait3A_48] : memref<10000x128xf32, #tpu.memory_space<hbm>> -> memref<10000x128xf32, #tpu.memory_space<hbm>>
    tpu.wait_indirect_dma semaphore(%arg14 : memref<!tpu.dma_semaphore, #tpu.memory_space<semaphore_mem>>) src(%dma_wait3A_49 : memref<10000x128xf32, #tpu.memory_space<hbm>>) dst(%arg12 : memref<80x128xf32, #tpu.memory_space<vmem>>)
    %dma_start3A_50 = arith.constant 0 : i32
    %dma_start3A_51 = tpu.memref_slice %arg6[%add3A_36, %dma_start3A_50] : memref<320000x128xf32, #tpu.memory_space<hbm>> -> memref<80x128xf32, #tpu.memory_space<hbm>>
    %dma_start3A_52 = arith.constant 0 : i32
    %dma_start3A_53 = tpu.memref_slice %arg6[%add3A_36, %dma_start3A_52] : memref<320000x128xf32, #tpu.memory_space<hbm>> -> memref<80x128xf32, #tpu.memory_space<hbm>>
    tpu.enqueue_dma source(%arg10 : memref<80x128xf32, #tpu.memory_space<vmem>>) target(%dma_start3A_53 : memref<80x128xf32, #tpu.memory_space<hbm>>) target_semaphore(%arg16 : memref<!tpu.dma_semaphore, #tpu.memory_space<semaphore_mem>>)
    %dma_start3A_54 = arith.constant 0 : i32
    %dma_start3A_55 = tpu.memref_slice %arg7[%add3A_36, %dma_start3A_54] : memref<320000x128xf32, #tpu.memory_space<hbm>> -> memref<80x128xf32, #tpu.memory_space<hbm>>
    %dma_start3A_56 = arith.constant 0 : i32
    %dma_start3A_57 = tpu.memref_slice %arg7[%add3A_36, %dma_start3A_56] : memref<320000x128xf32, #tpu.memory_space<hbm>> -> memref<80x128xf32, #tpu.memory_space<hbm>>
    tpu.enqueue_dma source(%arg12 : memref<80x128xf32, #tpu.memory_space<vmem>>) target(%dma_start3A_57 : memref<80x128xf32, #tpu.memory_space<hbm>>) target_semaphore(%arg18 : memref<!tpu.dma_semaphore, #tpu.memory_space<semaphore_mem>>)
    %dma_wait3A_58 = arith.constant 0 : i32
    %dma_wait3A_59 = tpu.memref_slice %arg6[%mul3A_2, %dma_wait3A_58] : memref<320000x128xf32, #tpu.memory_space<hbm>> -> memref<80x128xf32, #tpu.memory_space<hbm>>
    %dma_wait3A_60 = arith.constant 0 : i32
    %dma_wait3A_61 = tpu.memref_slice %arg6[%mul3A_2, %dma_wait3A_60] : memref<320000x128xf32, #tpu.memory_space<hbm>> -> memref<80x128xf32, #tpu.memory_space<hbm>>
    tpu.wait_dma2 semaphore(%arg16 : memref<!tpu.dma_semaphore, #tpu.memory_space<semaphore_mem>>) src(%arg10 : memref<80x128xf32, #tpu.memory_space<vmem>>) dst(%dma_wait3A_61 : memref<80x128xf32, #tpu.memory_space<hbm>>)
    %dma_wait3A_62 = arith.constant 0 : i32
    %dma_wait3A_63 = tpu.memref_slice %arg7[%mul3A_2, %dma_wait3A_62] : memref<320000x128xf32, #tpu.memory_space<hbm>> -> memref<80x128xf32, #tpu.memory_space<hbm>>
    %dma_wait3A_64 = arith.constant 0 : i32
    %dma_wait3A_65 = tpu.memref_slice %arg7[%mul3A_2, %dma_wait3A_64] : memref<320000x128xf32, #tpu.memory_space<hbm>> -> memref<80x128xf32, #tpu.memory_space<hbm>>
    tpu.wait_dma2 semaphore(%arg18 : memref<!tpu.dma_semaphore, #tpu.memory_space<semaphore_mem>>) src(%arg12 : memref<80x128xf32, #tpu.memory_space<vmem>>) dst(%dma_wait3A_65 : memref<80x128xf32, #tpu.memory_space<hbm>>)
    %dma_start3A_66 = arith.constant 124 : i32
    %dma_start3A_67 = arith.constant 0 : i32
    %dma_start3A_68 = tpu.memref_slice %arg8[%dma_start3A_66, %dma_start3A_67] : memref<125x80xi32, #tpu.memory_space<vmem>> -> memref<1x80xi32, #tpu.memory_space<vmem>>
    %dma_start3A_69 = tpu.memref_squeeze %dma_start3A_68 : memref<1x80xi32, #tpu.memory_space<vmem>> -> memref<80xi32, #tpu.memory_space<vmem>>
    %dma_start3A_70 = arith.constant 0 : i32
    %dma_start3A_71 = arith.constant 0 : i32
    %dma_start3A_72 = tpu.memref_slice %arg2[%dma_start3A_70, %dma_start3A_71] : memref<10000x128xf32, #tpu.memory_space<hbm>> -> memref<10000x128xf32, #tpu.memory_space<hbm>>
    tpu.enqueue_indirect_dma source(%dma_start3A_72 : memref<10000x128xf32, #tpu.memory_space<hbm>>) target(%arg10 : memref<80x128xf32, #tpu.memory_space<vmem>>) offsets(%dma_start3A_69 : memref<80xi32, #tpu.memory_space<vmem>>) semaphore(%arg14 : memref<!tpu.dma_semaphore, #tpu.memory_space<semaphore_mem>>)
    %dma_start3A_73 = arith.constant 124 : i32
    %dma_start3A_74 = arith.constant 0 : i32
    %dma_start3A_75 = tpu.memref_slice %arg9[%dma_start3A_73, %dma_start3A_74] : memref<125x80xi32, #tpu.memory_space<vmem>> -> memref<1x80xi32, #tpu.memory_space<vmem>>
    %dma_start3A_76 = tpu.memref_squeeze %dma_start3A_75 : memref<1x80xi32, #tpu.memory_space<vmem>> -> memref<80xi32, #tpu.memory_space<vmem>>
    %dma_start3A_77 = arith.constant 0 : i32
    %dma_start3A_78 = arith.constant 0 : i32
    %dma_start3A_79 = tpu.memref_slice %arg3[%dma_start3A_77, %dma_start3A_78] : memref<10000x128xf32, #tpu.memory_space<hbm>> -> memref<10000x128xf32, #tpu.memory_space<hbm>>
    tpu.enqueue_indirect_dma source(%dma_start3A_79 : memref<10000x128xf32, #tpu.memory_space<hbm>>) target(%arg12 : memref<80x128xf32, #tpu.memory_space<vmem>>) offsets(%dma_start3A_76 : memref<80xi32, #tpu.memory_space<vmem>>) semaphore(%arg14 : memref<!tpu.dma_semaphore, #tpu.memory_space<semaphore_mem>>)
    %add3A_80 = arith.constant 9840 : i32
    %add3A_81 = arith.addi %mul3A_2, %add3A_80 : i32
    %dma_wait3A_82 = arith.constant 123 : i32
    %dma_wait3A_83 = arith.constant 0 : i32
    %dma_wait3A_84 = tpu.memref_slice %arg8[%dma_wait3A_82, %dma_wait3A_83] : memref<125x80xi32, #tpu.memory_space<vmem>> -> memref<1x80xi32, #tpu.memory_space<vmem>>
    %dma_wait3A_85 = tpu.memref_squeeze %dma_wait3A_84 : memref<1x80xi32, #tpu.memory_space<vmem>> -> memref<80xi32, #tpu.memory_space<vmem>>
    %dma_wait3A_86 = arith.constant 0 : i32
    %dma_wait3A_87 = arith.constant 0 : i32
    %dma_wait3A_88 = tpu.memref_slice %arg2[%dma_wait3A_86, %dma_wait3A_87] : memref<10000x128xf32, #tpu.memory_space<hbm>> -> memref<10000x128xf32, #tpu.memory_space<hbm>>
    tpu.wait_indirect_dma semaphore(%arg15 : memref<!tpu.dma_semaphore, #tpu.memory_space<semaphore_mem>>) src(%dma_wait3A_88 : memref<10000x128xf32, #tpu.memory_space<hbm>>) dst(%arg11 : memref<80x128xf32, #tpu.memory_space<vmem>>)
    %dma_wait3A_89 = arith.constant 123 : i32
    %dma_wait3A_90 = arith.constant 0 : i32
    %dma_wait3A_91 = tpu.memref_slice %arg9[%dma_wait3A_89, %dma_wait3A_90] : memref<125x80xi32, #tpu.memory_space<vmem>> -> memref<1x80xi32, #tpu.memory_space<vmem>>
    %dma_wait3A_92 = tpu.memref_squeeze %dma_wait3A_91 : memref<1x80xi32, #tpu.memory_space<vmem>> -> memref<80xi32, #tpu.memory_space<vmem>>
    %dma_wait3A_93 = arith.constant 0 : i32
    %dma_wait3A_94 = arith.constant 0 : i32
    %dma_wait3A_95 = tpu.memref_slice %arg3[%dma_wait3A_93, %dma_wait3A_94] : memref<10000x128xf32, #tpu.memory_space<hbm>> -> memref<10000x128xf32, #tpu.memory_space<hbm>>
    tpu.wait_indirect_dma semaphore(%arg15 : memref<!tpu.dma_semaphore, #tpu.memory_space<semaphore_mem>>) src(%dma_wait3A_95 : memref<10000x128xf32, #tpu.memory_space<hbm>>) dst(%arg13 : memref<80x128xf32, #tpu.memory_space<vmem>>)
    %dma_start3A_96 = arith.constant 0 : i32
    %dma_start3A_97 = tpu.memref_slice %arg6[%add3A_81, %dma_start3A_96] : memref<320000x128xf32, #tpu.memory_space<hbm>> -> memref<80x128xf32, #tpu.memory_space<hbm>>
    %dma_start3A_98 = arith.constant 0 : i32
    %dma_start3A_99 = tpu.memref_slice %arg6[%add3A_81, %dma_start3A_98] : memref<320000x128xf32, #tpu.memory_space<hbm>> -> memref<80x128xf32, #tpu.memory_space<hbm>>
    tpu.enqueue_dma source(%arg11 : memref<80x128xf32, #tpu.memory_space<vmem>>) target(%dma_start3A_99 : memref<80x128xf32, #tpu.memory_space<hbm>>) target_semaphore(%arg17 : memref<!tpu.dma_semaphore, #tpu.memory_space<semaphore_mem>>)
    %dma_start3A_100 = arith.constant 0 : i32
    %dma_start3A_101 = tpu.memref_slice %arg7[%add3A_81, %dma_start3A_100] : memref<320000x128xf32, #tpu.memory_space<hbm>> -> memref<80x128xf32, #tpu.memory_space<hbm>>
    %dma_start3A_102 = arith.constant 0 : i32
    %dma_start3A_103 = tpu.memref_slice %arg7[%add3A_81, %dma_start3A_102] : memref<320000x128xf32, #tpu.memory_space<hbm>> -> memref<80x128xf32, #tpu.memory_space<hbm>>
    tpu.enqueue_dma source(%arg13 : memref<80x128xf32, #tpu.memory_space<vmem>>) target(%dma_start3A_103 : memref<80x128xf32, #tpu.memory_space<hbm>>) target_semaphore(%arg19 : memref<!tpu.dma_semaphore, #tpu.memory_space<semaphore_mem>>)
    %add3A_104 = arith.constant 9920 : i32
    %add3A_105 = arith.addi %mul3A_2, %add3A_104 : i32
    %dma_wait3A_106 = arith.constant 124 : i32
    %dma_wait3A_107 = arith.constant 0 : i32
    %dma_wait3A_108 = tpu.memref_slice %arg8[%dma_wait3A_106, %dma_wait3A_107] : memref<125x80xi32, #tpu.memory_space<vmem>> -> memref<1x80xi32, #tpu.memory_space<vmem>>
    %dma_wait3A_109 = tpu.memref_squeeze %dma_wait3A_108 : memref<1x80xi32, #tpu.memory_space<vmem>> -> memref<80xi32, #tpu.memory_space<vmem>>
    %dma_wait3A_110 = arith.constant 0 : i32
    %dma_wait3A_111 = arith.constant 0 : i32
    %dma_wait3A_112 = tpu.memref_slice %arg2[%dma_wait3A_110, %dma_wait3A_111] : memref<10000x128xf32, #tpu.memory_space<hbm>> -> memref<10000x128xf32, #tpu.memory_space<hbm>>
    tpu.wait_indirect_dma semaphore(%arg14 : memref<!tpu.dma_semaphore, #tpu.memory_space<semaphore_mem>>) src(%dma_wait3A_112 : memref<10000x128xf32, #tpu.memory_space<hbm>>) dst(%arg10 : memref<80x128xf32, #tpu.memory_space<vmem>>)
    %dma_wait3A_113 = arith.constant 124 : i32
    %dma_wait3A_114 = arith.constant 0 : i32
    %dma_wait3A_115 = tpu.memref_slice %arg9[%dma_wait3A_113, %dma_wait3A_114] : memref<125x80xi32, #tpu.memory_space<vmem>> -> memref<1x80xi32, #tpu.memory_space<vmem>>
    %dma_wait3A_116 = tpu.memref_squeeze %dma_wait3A_115 : memref<1x80xi32, #tpu.memory_space<vmem>> -> memref<80xi32, #tpu.memory_space<vmem>>
    %dma_wait3A_117 = arith.constant 0 : i32
    %dma_wait3A_118 = arith.constant 0 : i32
    %dma_wait3A_119 = tpu.memref_slice %arg3[%dma_wait3A_117, %dma_wait3A_118] : memref<10000x128xf32, #tpu.memory_space<hbm>> -> memref<10000x128xf32, #tpu.memory_space<hbm>>
    tpu.wait_indirect_dma semaphore(%arg14 : memref<!tpu.dma_semaphore, #tpu.memory_space<semaphore_mem>>) src(%dma_wait3A_119 : memref<10000x128xf32, #tpu.memory_space<hbm>>) dst(%arg12 : memref<80x128xf32, #tpu.memory_space<vmem>>)
    %dma_start3A_120 = arith.constant 0 : i32
    %dma_start3A_121 = tpu.memref_slice %arg6[%add3A_105, %dma_start3A_120] : memref<320000x128xf32, #tpu.memory_space<hbm>> -> memref<80x128xf32, #tpu.memory_space<hbm>>
    %dma_start3A_122 = arith.constant 0 : i32
    %dma_start3A_123 = tpu.memref_slice %arg6[%add3A_105, %dma_start3A_122] : memref<320000x128xf32, #tpu.memory_space<hbm>> -> memref<80x128xf32, #tpu.memory_space<hbm>>
    tpu.enqueue_dma source(%arg10 : memref<80x128xf32, #tpu.memory_space<vmem>>) target(%dma_start3A_123 : memref<80x128xf32, #tpu.memory_space<hbm>>) target_semaphore(%arg16 : memref<!tpu.dma_semaphore, #tpu.memory_space<semaphore_mem>>)
    %dma_start3A_124 = arith.constant 0 : i32
    %dma_start3A_125 = tpu.memref_slice %arg7[%add3A_105, %dma_start3A_124] : memref<320000x128xf32, #tpu.memory_space<hbm>> -> memref<80x128xf32, #tpu.memory_space<hbm>>
    %dma_start3A_126 = arith.constant 0 : i32
    %dma_start3A_127 = tpu.memref_slice %arg7[%add3A_105, %dma_start3A_126] : memref<320000x128xf32, #tpu.memory_space<hbm>> -> memref<80x128xf32, #tpu.memory_space<hbm>>
    tpu.enqueue_dma source(%arg12 : memref<80x128xf32, #tpu.memory_space<vmem>>) target(%dma_start3A_127 : memref<80x128xf32, #tpu.memory_space<hbm>>) target_semaphore(%arg18 : memref<!tpu.dma_semaphore, #tpu.memory_space<semaphore_mem>>)
    %dma_wait3A_128 = arith.constant 0 : i32
    %dma_wait3A_129 = tpu.memref_slice %arg6[%mul3A_2, %dma_wait3A_128] : memref<320000x128xf32, #tpu.memory_space<hbm>> -> memref<80x128xf32, #tpu.memory_space<hbm>>
    %dma_wait3A_130 = arith.constant 0 : i32
    %dma_wait3A_131 = tpu.memref_slice %arg6[%mul3A_2, %dma_wait3A_130] : memref<320000x128xf32, #tpu.memory_space<hbm>> -> memref<80x128xf32, #tpu.memory_space<hbm>>
    tpu.wait_dma2 semaphore(%arg16 : memref<!tpu.dma_semaphore, #tpu.memory_space<semaphore_mem>>) src(%arg10 : memref<80x128xf32, #tpu.memory_space<vmem>>) dst(%dma_wait3A_131 : memref<80x128xf32, #tpu.memory_space<hbm>>)
    %dma_wait3A_132 = arith.constant 0 : i32
    %dma_wait3A_133 = tpu.memref_slice %arg7[%mul3A_2, %dma_wait3A_132] : memref<320000x128xf32, #tpu.memory_space<hbm>> -> memref<80x128xf32, #tpu.memory_space<hbm>>
    %dma_wait3A_134 = arith.constant 0 : i32
    %dma_wait3A_135 = tpu.memref_slice %arg7[%mul3A_2, %dma_wait3A_134] : memref<320000x128xf32, #tpu.memory_space<hbm>> -> memref<80x128xf32, #tpu.memory_space<hbm>>
    tpu.wait_dma2 semaphore(%arg18 : memref<!tpu.dma_semaphore, #tpu.memory_space<semaphore_mem>>) src(%arg12 : memref<80x128xf32, #tpu.memory_space<vmem>>) dst(%dma_wait3A_135 : memref<80x128xf32, #tpu.memory_space<hbm>>)
    %dma_wait3A_136 = arith.constant 0 : i32
    %dma_wait3A_137 = tpu.memref_slice %arg6[%mul3A_2, %dma_wait3A_136] : memref<320000x128xf32, #tpu.memory_space<hbm>> -> memref<80x128xf32, #tpu.memory_space<hbm>>
    %dma_wait3A_138 = arith.constant 0 : i32
    %dma_wait3A_139 = tpu.memref_slice %arg6[%mul3A_2, %dma_wait3A_138] : memref<320000x128xf32, #tpu.memory_space<hbm>> -> memref<80x128xf32, #tpu.memory_space<hbm>>
    tpu.wait_dma2 semaphore(%arg17 : memref<!tpu.dma_semaphore, #tpu.memory_space<semaphore_mem>>) src(%arg11 : memref<80x128xf32, #tpu.memory_space<vmem>>) dst(%dma_wait3A_139 : memref<80x128xf32, #tpu.memory_space<hbm>>)
    %dma_wait3A_140 = arith.constant 0 : i32
    %dma_wait3A_141 = tpu.memref_slice %arg7[%mul3A_2, %dma_wait3A_140] : memref<320000x128xf32, #tpu.memory_space<hbm>> -> memref<80x128xf32, #tpu.memory_space<hbm>>
    %dma_wait3A_142 = arith.constant 0 : i32
    %dma_wait3A_143 = tpu.memref_slice %arg7[%mul3A_2, %dma_wait3A_142] : memref<320000x128xf32, #tpu.memory_space<hbm>> -> memref<80x128xf32, #tpu.memory_space<hbm>>
    tpu.wait_dma2 semaphore(%arg19 : memref<!tpu.dma_semaphore, #tpu.memory_space<semaphore_mem>>) src(%arg13 : memref<80x128xf32, #tpu.memory_space<vmem>>) dst(%dma_wait3A_143 : memref<80x128xf32, #tpu.memory_space<hbm>>)
    return
  }
}

module attributes {stable_mosaic.version = 14 : i64} {
  func.func @_np0_body(%arg0: memref<10000x128xf32, #tpu.memory_space<vmem>>, %arg1: memref<128x128xf32, #tpu.memory_space<vmem>>, %arg2: memref<1x128xf32, #tpu.memory_space<vmem>>, %arg3: memref<128x128xf32, #tpu.memory_space<vmem>>, %arg4: memref<128x128xf32, #tpu.memory_space<vmem>>, %arg5: memref<128x128xf32, #tpu.memory_space<vmem>>, %arg6: memref<10000x128xi32, #tpu.memory_space<vmem>>, %arg7: memref<10000x128xf32, #tpu.memory_space<vmem>>) attributes {dimension_semantics = [], scalar_prefetch = 0 : i64, scratch_operands = 0 : i64, tpu.core_type = #tpu.core_type<tc>} {
    %get3A = arith.constant 0 : index
    %get3A_0 = arith.constant 0 : index
    %get3A_1 = vector.load %arg0[%get3A, %get3A_0] : memref<10000x128xf32, #tpu.memory_space<vmem>>, vector<10000x128xf32>
    %get3A_2 = arith.constant 0 : index
    %get3A_3 = arith.constant 0 : index
    %get3A_4 = vector.load %arg1[%get3A_2, %get3A_3] : memref<128x128xf32, #tpu.memory_space<vmem>>, vector<128x128xf32>
    %dot_general3A = arith.constant dense<0.000000e+00> : vector<10000x128xf32>
    %dot_general3A_5 = tpu.matmul %get3A_1, %get3A_4, %dot_general3A {dimension_numbers = #tpu.dot_dimension_numbers<[1], [0], [0], [1], [0, 0, 1, 1], [], []>, transpose_lhs_hint = false} : vector<10000x128xf32>, vector<128x128xf32>, vector<10000x128xf32> -> vector<10000x128xf32>
    %get3A_6 = arith.constant 0 : index
    %get3A_7 = arith.constant 0 : index
    %get3A_8 = vector.load %arg2[%get3A_6, %get3A_7] : memref<1x128xf32, #tpu.memory_space<vmem>>, vector<1x128xf32>
    %add3A = vector.broadcast %get3A_8 : vector<1x128xf32> to vector<10000x128xf32>
    %add3A_9 = arith.addf %dot_general3A_5, %add3A : vector<10000x128xf32>
    %max3A = arith.constant 0.000000e+00 : f32
    %max3A_10 = vector.broadcast %max3A : f32 to vector<10000x128xf32>
    %max3A_11 = arith.maximumf %add3A_9, %max3A_10 : vector<10000x128xf32>
    %get3A_12 = arith.constant 0 : index
    %get3A_13 = arith.constant 0 : index
    %get3A_14 = vector.load %arg3[%get3A_12, %get3A_13] : memref<128x128xf32, #tpu.memory_space<vmem>>, vector<128x128xf32>
    %dot_general3A_15 = arith.constant dense<0.000000e+00> : vector<10000x128xf32>
    %dot_general3A_16 = tpu.matmul %max3A_11, %get3A_14, %dot_general3A_15 {dimension_numbers = #tpu.dot_dimension_numbers<[1], [0], [0], [1], [0, 0, 1, 1], [], []>, transpose_lhs_hint = false} : vector<10000x128xf32>, vector<128x128xf32>, vector<10000x128xf32> -> vector<10000x128xf32>
    %bitcast_convert_type3A = tpu.bitcast %dot_general3A_16 : vector<10000x128xf32> -> vector<10000x128xi32>
    %add3A_17 = arith.constant 32768 : i32
    %add3A_18 = vector.broadcast %add3A_17 : i32 to vector<10000x128xi32>
    %add3A_19 = arith.addi %bitcast_convert_type3A, %add3A_18 : vector<10000x128xi32>
    %slice3A = vector.extract_strided_slice %add3A_19 {offsets = [0, 0], sizes = [10000, 64], strides = [1, 1]} : vector<10000x128xi32> to vector<10000x64xi32>
    %shift_right_arithmetic3A = arith.constant 16 : i32
    %shift_right_arithmetic3A_20 = vector.broadcast %shift_right_arithmetic3A : i32 to vector<10000x64xi32>
    %shift_right_arithmetic3A_21 = arith.shrsi %slice3A, %shift_right_arithmetic3A_20 : vector<10000x64xi32>
    %and3A = arith.constant 65535 : i32
    %and3A_22 = vector.broadcast %and3A : i32 to vector<10000x64xi32>
    %and3A_23 = arith.andi %shift_right_arithmetic3A_21, %and3A_22 : vector<10000x64xi32>
    %slice3A_24 = vector.extract_strided_slice %add3A_19 {offsets = [0, 64], sizes = [10000, 64], strides = [1, 1]} : vector<10000x128xi32> to vector<10000x64xi32>
    %and3A_25 = arith.constant -65536 : i32
    %and3A_26 = vector.broadcast %and3A_25 : i32 to vector<10000x64xi32>
    %and3A_27 = arith.andi %slice3A_24, %and3A_26 : vector<10000x64xi32>
    %or3A = arith.ori %and3A_27, %and3A_23 : vector<10000x64xi32>
    %get3A_28 = arith.constant 0 : index
    %get3A_29 = arith.constant 0 : index
    %get3A_30 = vector.load %arg5[%get3A_28, %get3A_29] : memref<128x128xf32, #tpu.memory_space<vmem>>, vector<128x128xf32>
    %dot_general3A_31 = arith.constant dense<0.000000e+00> : vector<10000x128xf32>
    %dot_general3A_32 = tpu.matmul %max3A_11, %get3A_30, %dot_general3A_31 {dimension_numbers = #tpu.dot_dimension_numbers<[1], [0], [0], [1], [0, 0, 1, 1], [], []>, transpose_lhs_hint = false} : vector<10000x128xf32>, vector<128x128xf32>, vector<10000x128xf32> -> vector<10000x128xf32>
    %bitcast_convert_type3A_33 = tpu.bitcast %dot_general3A_32 : vector<10000x128xf32> -> vector<10000x128xi32>
    %add3A_34 = arith.constant 32768 : i32
    %add3A_35 = vector.broadcast %add3A_34 : i32 to vector<10000x128xi32>
    %add3A_36 = arith.addi %bitcast_convert_type3A_33, %add3A_35 : vector<10000x128xi32>
    %slice3A_37 = vector.extract_strided_slice %add3A_36 {offsets = [0, 0], sizes = [10000, 64], strides = [1, 1]} : vector<10000x128xi32> to vector<10000x64xi32>
    %shift_right_arithmetic3A_38 = arith.constant 16 : i32
    %shift_right_arithmetic3A_39 = vector.broadcast %shift_right_arithmetic3A_38 : i32 to vector<10000x64xi32>
    %shift_right_arithmetic3A_40 = arith.shrsi %slice3A_37, %shift_right_arithmetic3A_39 : vector<10000x64xi32>
    %and3A_41 = arith.constant 65535 : i32
    %and3A_42 = vector.broadcast %and3A_41 : i32 to vector<10000x64xi32>
    %and3A_43 = arith.andi %shift_right_arithmetic3A_40, %and3A_42 : vector<10000x64xi32>
    %slice3A_44 = vector.extract_strided_slice %add3A_36 {offsets = [0, 64], sizes = [10000, 64], strides = [1, 1]} : vector<10000x128xi32> to vector<10000x64xi32>
    %and3A_45 = arith.constant -65536 : i32
    %and3A_46 = vector.broadcast %and3A_45 : i32 to vector<10000x64xi32>
    %and3A_47 = arith.andi %slice3A_44, %and3A_46 : vector<10000x64xi32>
    %or3A_48 = arith.ori %and3A_47, %and3A_43 : vector<10000x64xi32>
    %concatenate3A = tpu.concatenate %or3A, %or3A_48 in 1 : vector<10000x64xi32>, vector<10000x64xi32> -> vector<10000x128xi32>
    %swap3A = arith.constant 0 : index
    %swap3A_49 = arith.constant 0 : index
    %swap3A_50 = vector.load %arg6[%swap3A, %swap3A_49] : memref<10000x128xi32, #tpu.memory_space<vmem>>, vector<10000x128xi32>
    tpu.vector_store %arg6[%swap3A, %swap3A_49], %concatenate3A {strides = array<i32>} : memref<10000x128xi32, #tpu.memory_space<vmem>>, vector<10000x128xi32>,
    %get3A_51 = arith.constant 0 : index
    %get3A_52 = arith.constant 0 : index
    %get3A_53 = vector.load %arg4[%get3A_51, %get3A_52] : memref<128x128xf32, #tpu.memory_space<vmem>>, vector<128x128xf32>
    %dot_general3A_54 = arith.constant dense<0.000000e+00> : vector<10000x128xf32>
    %dot_general3A_55 = tpu.matmul %max3A_11, %get3A_53, %dot_general3A_54 {dimension_numbers = #tpu.dot_dimension_numbers<[1], [0], [0], [1], [0, 0, 1, 1], [], []>, transpose_lhs_hint = false} : vector<10000x128xf32>, vector<128x128xf32>, vector<10000x128xf32> -> vector<10000x128xf32>
    %swap3A_56 = arith.constant 0 : index
    %swap3A_57 = arith.constant 0 : index
    %swap3A_58 = vector.load %arg7[%swap3A_56, %swap3A_57] : memref<10000x128xf32, #tpu.memory_space<vmem>>, vector<10000x128xf32>
    tpu.vector_store %arg7[%swap3A_56, %swap3A_57], %dot_general3A_55 {strides = array<i32>} : memref<10000x128xf32, #tpu.memory_space<vmem>>, vector<10000x128xf32>,
    return
  }
}

module attributes {stable_mosaic.version = 14 : i64} {
  func.func @_e0_body(%arg0: i32, %arg1: memref<2560x128xi32, #tpu.memory_space<vmem>>, %arg2: memref<2560x128xf32, #tpu.memory_space<vmem>>, %arg3: memref<2560x16xf32, #tpu.memory_space<vmem>>, %arg4: memref<16x128xf32, #tpu.memory_space<vmem>>, %arg5: memref<1x128xf32, #tpu.memory_space<vmem>>, %arg6: memref<128x128xf32, #tpu.memory_space<vmem>>, %arg7: memref<1x128xf32, #tpu.memory_space<vmem>>, %arg8: memref<128x128xf32, #tpu.memory_space<vmem>>, %arg9: memref<1x128xf32, #tpu.memory_space<vmem>>, %arg10: memref<128x1xf32, #tpu.memory_space<vmem>>, %arg11: memref<1x1xf32, #tpu.memory_space<vmem>>, %arg12: memref<2560x64xi32, #tpu.memory_space<vmem>>, %arg13: memref<2560x128xf32, #tpu.memory_space<vmem>>, %arg14: memref<2560x1xf32, #tpu.memory_space<vmem>>) attributes {dimension_semantics = [#tpu.dimension_semantics<arbitrary>], iteration_bounds = array<i64: 125>, scalar_prefetch = 0 : i64, scratch_operands = 0 : i64, tpu.core_type = #tpu.core_type<tc>, window_params = [{transform_indices = @transform_0, window_bounds = array<i64: 2560, 128>}, {transform_indices = @transform_1, window_bounds = array<i64: 2560, 128>}, {transform_indices = @transform_2, window_bounds = array<i64: 2560, 16>}, {pipeline_mode = #tpu.pipeline_mode<synchronous>, transform_indices = @transform_3, window_bounds = array<i64: 16, 128>}, {pipeline_mode = #tpu.pipeline_mode<synchronous>, transform_indices = @transform_4, window_bounds = array<i64: 1, 128>}, {pipeline_mode = #tpu.pipeline_mode<synchronous>, transform_indices = @transform_5, window_bounds = array<i64: 128, 128>}, {pipeline_mode = #tpu.pipeline_mode<synchronous>, transform_indices = @transform_6, window_bounds = array<i64: 1, 128>}, {pipeline_mode = #tpu.pipeline_mode<synchronous>, transform_indices = @transform_7, window_bounds = array<i64: 128, 128>}, {pipeline_mode = #tpu.pipeline_mode<synchronous>, transform_indices = @transform_8, window_bounds = array<i64: 1, 128>}, {pipeline_mode = #tpu.pipeline_mode<synchronous>, transform_indices = @transform_9, window_bounds = array<i64: 128, 1>}, {pipeline_mode = #tpu.pipeline_mode<synchronous>, transform_indices = @transform_10, window_bounds = array<i64: 1, 1>}, {transform_indices = @transform_11, window_bounds = array<i64: 2560, 64>}, {transform_indices = @transform_12, window_bounds = array<i64: 2560, 128>}, {transform_indices = @transform_13, window_bounds = array<i64: 2560, 1>}]} {
    %get3A = arith.constant 0 : index
    %get3A_0 = arith.constant 0 : index
    %get3A_1 = vector.load %arg3[%get3A, %get3A_0] : memref<2560x16xf32, #tpu.memory_space<vmem>>, vector<2560x16xf32>
    %get3A_2 = arith.constant 0 : index
    %get3A_3 = arith.constant 0 : index
    %get3A_4 = vector.load %arg4[%get3A_2, %get3A_3] : memref<16x128xf32, #tpu.memory_space<vmem>>, vector<16x128xf32>
    %dot_general3A = arith.constant dense<0.000000e+00> : vector<2560x128xf32>
    %dot_general3A_5 = tpu.matmul %get3A_1, %get3A_4, %dot_general3A {dimension_numbers = #tpu.dot_dimension_numbers<[1], [0], [0], [1], [0, 0, 1, 1], [], []>, transpose_lhs_hint = false} : vector<2560x16xf32>, vector<16x128xf32>, vector<2560x128xf32> -> vector<2560x128xf32>
    %get3A_6 = arith.constant 0 : index
    %get3A_7 = arith.constant 0 : index
    %get3A_8 = vector.load %arg5[%get3A_6, %get3A_7] : memref<1x128xf32, #tpu.memory_space<vmem>>, vector<1x128xf32>
    %add3A = vector.broadcast %get3A_8 : vector<1x128xf32> to vector<2560x128xf32>
    %add3A_9 = arith.addf %dot_general3A_5, %add3A : vector<2560x128xf32>
    %max3A = arith.constant 0.000000e+00 : f32
    %max3A_10 = vector.broadcast %max3A : f32 to vector<2560x128xf32>
    %max3A_11 = arith.maximumf %add3A_9, %max3A_10 : vector<2560x128xf32>
    %get3A_12 = arith.constant 0 : index
    %get3A_13 = arith.constant 0 : index
    %get3A_14 = vector.load %arg1[%get3A_12, %get3A_13] : memref<2560x128xi32, #tpu.memory_space<vmem>>, vector<2560x64xi32>
    %shift_left3A = arith.constant 16 : i32
    %shift_left3A_15 = vector.broadcast %shift_left3A : i32 to vector<2560x64xi32>
    %shift_left3A_16 = arith.shli %get3A_14, %shift_left3A_15 : vector<2560x64xi32>
    %bitcast_convert_type3A = tpu.bitcast %shift_left3A_16 : vector<2560x64xi32> -> vector<2560x64xf32>
    %and3A = arith.constant -65536 : i32
    %and3A_17 = vector.broadcast %and3A : i32 to vector<2560x64xi32>
    %and3A_18 = arith.andi %get3A_14, %and3A_17 : vector<2560x64xi32>
    %bitcast_convert_type3A_19 = tpu.bitcast %and3A_18 : vector<2560x64xi32> -> vector<2560x64xf32>
    %concatenate3A = tpu.concatenate %bitcast_convert_type3A, %bitcast_convert_type3A_19 in 1 : vector<2560x64xf32>, vector<2560x64xf32> -> vector<2560x128xf32>
    %get3A_20 = arith.constant 0 : index
    %get3A_21 = arith.constant 64 : index
    %get3A_22 = vector.load %arg1[%get3A_20, %get3A_21] : memref<2560x128xi32, #tpu.memory_space<vmem>>, vector<2560x64xi32>
    %shift_left3A_23 = arith.constant 16 : i32
    %shift_left3A_24 = vector.broadcast %shift_left3A_23 : i32 to vector<2560x64xi32>
    %shift_left3A_25 = arith.shli %get3A_22, %shift_left3A_24 : vector<2560x64xi32>
    %bitcast_convert_type3A_26 = tpu.bitcast %shift_left3A_25 : vector<2560x64xi32> -> vector<2560x64xf32>
    %and3A_27 = arith.constant -65536 : i32
    %and3A_28 = vector.broadcast %and3A_27 : i32 to vector<2560x64xi32>
    %and3A_29 = arith.andi %get3A_22, %and3A_28 : vector<2560x64xi32>
    %bitcast_convert_type3A_30 = tpu.bitcast %and3A_29 : vector<2560x64xi32> -> vector<2560x64xf32>
    %concatenate3A_31 = tpu.concatenate %bitcast_convert_type3A_26, %bitcast_convert_type3A_30 in 1 : vector<2560x64xf32>, vector<2560x64xf32> -> vector<2560x128xf32>
    %get3A_32 = arith.constant 0 : index
    %get3A_33 = arith.constant 0 : index
    %get3A_34 = vector.load %arg2[%get3A_32, %get3A_33] : memref<2560x128xf32, #tpu.memory_space<vmem>>, vector<2560x128xf32>
    %add3A_35 = arith.addf %concatenate3A, %get3A_34 : vector<2560x128xf32>
    %get3A_36 = arith.constant 0 : index
    %get3A_37 = arith.constant 0 : index
    %get3A_38 = vector.load %arg6[%get3A_36, %get3A_37] : memref<128x128xf32, #tpu.memory_space<vmem>>, vector<128x128xf32>
    %dot_general3A_39 = arith.constant dense<0.000000e+00> : vector<2560x128xf32>
    %dot_general3A_40 = tpu.matmul %max3A_11, %get3A_38, %dot_general3A_39 {dimension_numbers = #tpu.dot_dimension_numbers<[1], [0], [0], [1], [0, 0, 1, 1], [], []>, transpose_lhs_hint = false} : vector<2560x128xf32>, vector<128x128xf32>, vector<2560x128xf32> -> vector<2560x128xf32>
    %add3A_41 = arith.addf %add3A_35, %dot_general3A_40 : vector<2560x128xf32>
    %get3A_42 = arith.constant 0 : index
    %get3A_43 = arith.constant 0 : index
    %get3A_44 = vector.load %arg7[%get3A_42, %get3A_43] : memref<1x128xf32, #tpu.memory_space<vmem>>, vector<1x128xf32>
    %add3A_45 = vector.broadcast %get3A_44 : vector<1x128xf32> to vector<2560x128xf32>
    %add3A_46 = arith.addf %add3A_41, %add3A_45 : vector<2560x128xf32>
    %max3A_47 = arith.constant 0.000000e+00 : f32
    %max3A_48 = vector.broadcast %max3A_47 : f32 to vector<2560x128xf32>
    %max3A_49 = arith.maximumf %add3A_46, %max3A_48 : vector<2560x128xf32>
    %mul3A = arith.constant 0.999994993 : f32
    %mul3A_50 = vector.broadcast %mul3A : f32 to vector<2560x128xf32>
    %mul3A_51 = arith.mulf %mul3A_50, %max3A_49 : vector<2560x128xf32>
    %bitcast_convert_type3A_52 = tpu.bitcast %mul3A_51 : vector<2560x128xf32> -> vector<2560x128xi32>
    %add3A_53 = arith.constant 32768 : i32
    %add3A_54 = vector.broadcast %add3A_53 : i32 to vector<2560x128xi32>
    %add3A_55 = arith.addi %bitcast_convert_type3A_52, %add3A_54 : vector<2560x128xi32>
    %slice3A = vector.extract_strided_slice %add3A_55 {offsets = [0, 0], sizes = [2560, 64], strides = [1, 1]} : vector<2560x128xi32> to vector<2560x64xi32>
    %shift_right_arithmetic3A = arith.constant 16 : i32
    %shift_right_arithmetic3A_56 = vector.broadcast %shift_right_arithmetic3A : i32 to vector<2560x64xi32>
    %shift_right_arithmetic3A_57 = arith.shrsi %slice3A, %shift_right_arithmetic3A_56 : vector<2560x64xi32>
    %and3A_58 = arith.constant 65535 : i32
    %and3A_59 = vector.broadcast %and3A_58 : i32 to vector<2560x64xi32>
    %and3A_60 = arith.andi %shift_right_arithmetic3A_57, %and3A_59 : vector<2560x64xi32>
    %slice3A_61 = vector.extract_strided_slice %add3A_55 {offsets = [0, 64], sizes = [2560, 64], strides = [1, 1]} : vector<2560x128xi32> to vector<2560x64xi32>
    %and3A_62 = arith.constant -65536 : i32
    %and3A_63 = vector.broadcast %and3A_62 : i32 to vector<2560x64xi32>
    %and3A_64 = arith.andi %slice3A_61, %and3A_63 : vector<2560x64xi32>
    %or3A = arith.ori %and3A_64, %and3A_60 : vector<2560x64xi32>
    %swap3A = arith.constant 0 : index
    %swap3A_65 = arith.constant 0 : index
    %swap3A_66 = vector.load %arg12[%swap3A, %swap3A_65] : memref<2560x64xi32, #tpu.memory_space<vmem>>, vector<2560x64xi32>
    tpu.vector_store %arg12[%swap3A, %swap3A_65], %or3A {strides = array<i32>} : memref<2560x64xi32, #tpu.memory_space<vmem>>, vector<2560x64xi32>,
    %get3A_67 = arith.constant 0 : index
    %get3A_68 = arith.constant 0 : index
    %get3A_69 = vector.load %arg10[%get3A_67, %get3A_68] : memref<128x1xf32, #tpu.memory_space<vmem>>, vector<128x1xf32>
    %dot_general3A_70 = arith.constant dense<0.000000e+00> : vector<2560x1xf32>
    %dot_general3A_71 = tpu.matmul %mul3A_51, %get3A_69, %dot_general3A_70 {dimension_numbers = #tpu.dot_dimension_numbers<[1], [0], [0], [1], [0, 0, 1, 1], [], []>, transpose_lhs_hint = false} : vector<2560x128xf32>, vector<128x1xf32>, vector<2560x1xf32> -> vector<2560x1xf32>
    %get3A_72 = arith.constant 0 : index
    %get3A_73 = arith.constant 0 : index
    %get3A_74 = vector.load %arg11[%get3A_72, %get3A_73] : memref<1x1xf32, #tpu.memory_space<vmem>>, vector<1x1xf32>
    %add3A_75 = vector.broadcast %get3A_74 : vector<1x1xf32> to vector<2560x1xf32>
    %add3A_76 = arith.addf %dot_general3A_71, %add3A_75 : vector<2560x1xf32>
    %swap3A_77 = arith.constant 0 : index
    %swap3A_78 = arith.constant 0 : index
    %swap3A_79 = vector.load %arg14[%swap3A_77, %swap3A_78] : memref<2560x1xf32, #tpu.memory_space<vmem>>, vector<2560x1xf32>
    tpu.vector_store %arg14[%swap3A_77, %swap3A_78], %add3A_76 {strides = array<i32>} : memref<2560x1xf32, #tpu.memory_space<vmem>>, vector<2560x1xf32>,
    %get3A_80 = arith.constant 0 : index
    %get3A_81 = arith.constant 0 : index
    %get3A_82 = vector.load %arg8[%get3A_80, %get3A_81] : memref<128x128xf32, #tpu.memory_space<vmem>>, vector<128x128xf32>
    %dot_general3A_83 = arith.constant dense<0.000000e+00> : vector<2560x128xf32>
    %dot_general3A_84 = tpu.matmul %mul3A_51, %get3A_82, %dot_general3A_83 {dimension_numbers = #tpu.dot_dimension_numbers<[1], [0], [0], [1], [0, 0, 1, 1], [], []>, transpose_lhs_hint = false} : vector<2560x128xf32>, vector<128x128xf32>, vector<2560x128xf32> -> vector<2560x128xf32>
    %add3A_85 = arith.addf %concatenate3A_31, %dot_general3A_84 : vector<2560x128xf32>
    %get3A_86 = arith.constant 0 : index
    %get3A_87 = arith.constant 0 : index
    %get3A_88 = vector.load %arg9[%get3A_86, %get3A_87] : memref<1x128xf32, #tpu.memory_space<vmem>>, vector<1x128xf32>
    %add3A_89 = vector.broadcast %get3A_88 : vector<1x128xf32> to vector<2560x128xf32>
    %add3A_90 = arith.addf %add3A_85, %add3A_89 : vector<2560x128xf32>
    %max3A_91 = arith.constant 0.000000e+00 : f32
    %max3A_92 = vector.broadcast %max3A_91 : f32 to vector<2560x128xf32>
    %max3A_93 = arith.maximumf %add3A_90, %max3A_92 : vector<2560x128xf32>
    %mul3A_94 = arith.constant 0.999994993 : f32
    %mul3A_95 = vector.broadcast %mul3A_94 : f32 to vector<2560x128xf32>
    %mul3A_96 = arith.mulf %mul3A_95, %max3A_93 : vector<2560x128xf32>
    %swap3A_97 = arith.constant 0 : index
    %swap3A_98 = arith.constant 0 : index
    %swap3A_99 = vector.load %arg13[%swap3A_97, %swap3A_98] : memref<2560x128xf32, #tpu.memory_space<vmem>>, vector<2560x128xf32>
    tpu.vector_store %arg13[%swap3A_97, %swap3A_98], %mul3A_96 {strides = array<i32>} : memref<2560x128xf32, #tpu.memory_space<vmem>>, vector<2560x128xf32>,
    return
  }
  func.func @transform_0(%arg0: i32) -> (i32, i32) {
    %c0_i32 = arith.constant 0 : i32
    %c0_i32_0 = arith.constant 0 : i32
    return %arg0, %c0_i32 : i32, i32
  }
  func.func @transform_1(%arg0: i32) -> (i32, i32) {
    %c0_i32 = arith.constant 0 : i32
    %c0_i32_0 = arith.constant 0 : i32
    return %arg0, %c0_i32 : i32, i32
  }
  func.func @transform_2(%arg0: i32) -> (i32, i32) {
    %c0_i32 = arith.constant 0 : i32
    %c0_i32_0 = arith.constant 0 : i32
    return %arg0, %c0_i32 : i32, i32
  }
  func.func @transform_3(%arg0: i32) -> (i32, i32) {
    %c0_i32 = arith.constant 0 : i32
    %c0_i32_0 = arith.constant 0 : i32
    %c0_i32_1 = arith.constant 0 : i32
    return %c0_i32, %c0_i32_0 : i32, i32
  }
  func.func @transform_4(%arg0: i32) -> (i32, i32) {
    %c0_i32 = arith.constant 0 : i32
    %c0_i32_0 = arith.constant 0 : i32
    %c0_i32_1 = arith.constant 0 : i32
    return %c0_i32, %c0_i32_0 : i32, i32
  }
  func.func @transform_5(%arg0: i32) -> (i32, i32) {
    %c0_i32 = arith.constant 0 : i32
    %c0_i32_0 = arith.constant 0 : i32
    %c0_i32_1 = arith.constant 0 : i32
    return %c0_i32, %c0_i32_0 : i32, i32
  }
  func.func @transform_6(%arg0: i32) -> (i32, i32) {
    %c0_i32 = arith.constant 0 : i32
    %c0_i32_0 = arith.constant 0 : i32
    %c0_i32_1 = arith.constant 0 : i32
    return %c0_i32, %c0_i32_0 : i32, i32
  }
  func.func @transform_7(%arg0: i32) -> (i32, i32) {
    %c0_i32 = arith.constant 0 : i32
    %c0_i32_0 = arith.constant 0 : i32
    %c0_i32_1 = arith.constant 0 : i32
    return %c0_i32, %c0_i32_0 : i32, i32
  }
  func.func @transform_8(%arg0: i32) -> (i32, i32) {
    %c0_i32 = arith.constant 0 : i32
    %c0_i32_0 = arith.constant 0 : i32
    %c0_i32_1 = arith.constant 0 : i32
    return %c0_i32, %c0_i32_0 : i32, i32
  }
  func.func @transform_9(%arg0: i32) -> (i32, i32) {
    %c0_i32 = arith.constant 0 : i32
    %c0_i32_0 = arith.constant 0 : i32
    %c0_i32_1 = arith.constant 0 : i32
    return %c0_i32, %c0_i32_0 : i32, i32
  }
  func.func @transform_10(%arg0: i32) -> (i32, i32) {
    %c0_i32 = arith.constant 0 : i32
    %c0_i32_0 = arith.constant 0 : i32
    %c0_i32_1 = arith.constant 0 : i32
    return %c0_i32, %c0_i32_0 : i32, i32
  }
  func.func @transform_11(%arg0: i32) -> (i32, i32) {
    %c0_i32 = arith.constant 0 : i32
    %c0_i32_0 = arith.constant 0 : i32
    return %arg0, %c0_i32 : i32, i32
  }
  func.func @transform_12(%arg0: i32) -> (i32, i32) {
    %c0_i32 = arith.constant 0 : i32
    %c0_i32_0 = arith.constant 0 : i32
    return %arg0, %c0_i32 : i32, i32
  }
  func.func @transform_13(%arg0: i32) -> (i32, i32) {
    %c0_i32 = arith.constant 0 : i32
    %c0_i32_0 = arith.constant 0 : i32
    return %arg0, %c0_i32 : i32, i32
  }
}

module attributes {stable_mosaic.version = 14 : i64} {
  func.func @_np1_body(%arg0: memref<2x10000x128xf32, #tpu.memory_space<vmem>>, %arg1: memref<128x128xf32, #tpu.memory_space<vmem>>, %arg2: memref<128x128xf32, #tpu.memory_space<vmem>>, %arg3: memref<10000x128xf32, #tpu.memory_space<vmem>>, %arg4: memref<10000x128xf32, #tpu.memory_space<vmem>>) attributes {dimension_semantics = [], scalar_prefetch = 0 : i64, scratch_operands = 0 : i64, tpu.core_type = #tpu.core_type<tc>} {
    %get3A = arith.constant 0 : index
    %get3A_0 = arith.constant 0 : index
    %get3A_1 = arith.constant 0 : index
    %get3A_2 = vector.load %arg0[%get3A, %get3A_0, %get3A_1] : memref<2x10000x128xf32, #tpu.memory_space<vmem>>, vector<1x10000x128xf32>
    %get3A_3 = vector.shape_cast %get3A_2 : vector<1x10000x128xf32> to vector<10000x128xf32>
    %get3A_4 = arith.constant 1 : index
    %get3A_5 = arith.constant 0 : index
    %get3A_6 = arith.constant 0 : index
    %get3A_7 = vector.load %arg0[%get3A_4, %get3A_5, %get3A_6] : memref<2x10000x128xf32, #tpu.memory_space<vmem>>, vector<1x10000x128xf32>
    %get3A_8 = vector.shape_cast %get3A_7 : vector<1x10000x128xf32> to vector<10000x128xf32>
    %add3A = arith.addf %get3A_3, %get3A_8 : vector<10000x128xf32>
    %get3A_9 = arith.constant 0 : index
    %get3A_10 = arith.constant 0 : index
    %get3A_11 = vector.load %arg1[%get3A_9, %get3A_10] : memref<128x128xf32, #tpu.memory_space<vmem>>, vector<128x128xf32>
    %dot_general3A = arith.constant dense<0.000000e+00> : vector<10000x128xf32>
    %dot_general3A_12 = tpu.matmul %add3A, %get3A_11, %dot_general3A {dimension_numbers = #tpu.dot_dimension_numbers<[1], [0], [0], [1], [0, 0, 1, 1], [], []>, transpose_lhs_hint = false} : vector<10000x128xf32>, vector<128x128xf32>, vector<10000x128xf32> -> vector<10000x128xf32>
    %swap3A = arith.constant 0 : index
    %swap3A_13 = arith.constant 0 : index
    %swap3A_14 = vector.load %arg3[%swap3A, %swap3A_13] : memref<10000x128xf32, #tpu.memory_space<vmem>>, vector<10000x128xf32>
    tpu.vector_store %arg3[%swap3A, %swap3A_13], %dot_general3A_12 {strides = array<i32>} : memref<10000x128xf32, #tpu.memory_space<vmem>>, vector<10000x128xf32>,
    %get3A_15 = arith.constant 0 : index
    %get3A_16 = arith.constant 0 : index
    %get3A_17 = vector.load %arg2[%get3A_15, %get3A_16] : memref<128x128xf32, #tpu.memory_space<vmem>>, vector<128x128xf32>
    %dot_general3A_18 = arith.constant dense<0.000000e+00> : vector<10000x128xf32>
    %dot_general3A_19 = tpu.matmul %add3A, %get3A_17, %dot_general3A_18 {dimension_numbers = #tpu.dot_dimension_numbers<[1], [0], [0], [1], [0, 0, 1, 1], [], []>, transpose_lhs_hint = false} : vector<10000x128xf32>, vector<128x128xf32>, vector<10000x128xf32> -> vector<10000x128xf32>
    %swap3A_20 = arith.constant 0 : index
    %swap3A_21 = arith.constant 0 : index
    %swap3A_22 = vector.load %arg4[%swap3A_20, %swap3A_21] : memref<10000x128xf32, #tpu.memory_space<vmem>>, vector<10000x128xf32>
    tpu.vector_store %arg4[%swap3A_20, %swap3A_21], %dot_general3A_19 {strides = array<i32>} : memref<10000x128xf32, #tpu.memory_space<vmem>>, vector<10000x128xf32>,
    return
  }
}

module attributes {stable_mosaic.version = 14 : i64} {
  func.func @_e1_body(%arg0: i32, %arg1: memref<2560x128xf32, #tpu.memory_space<vmem>>, %arg2: memref<2560x128xf32, #tpu.memory_space<vmem>>, %arg3: memref<2560x64xi32, #tpu.memory_space<vmem>>, %arg4: memref<128x128xf32, #tpu.memory_space<vmem>>, %arg5: memref<1x128xf32, #tpu.memory_space<vmem>>, %arg6: memref<128x1xf32, #tpu.memory_space<vmem>>, %arg7: memref<1x1xf32, #tpu.memory_space<vmem>>, %arg8: memref<2560x1xf32, #tpu.memory_space<vmem>>) attributes {dimension_semantics = [#tpu.dimension_semantics<arbitrary>], iteration_bounds = array<i64: 125>, scalar_prefetch = 0 : i64, scratch_operands = 0 : i64, tpu.core_type = #tpu.core_type<tc>, window_params = [{transform_indices = @transform_0, window_bounds = array<i64: 2560, 128>}, {transform_indices = @transform_1, window_bounds = array<i64: 2560, 128>}, {transform_indices = @transform_2, window_bounds = array<i64: 2560, 64>}, {pipeline_mode = #tpu.pipeline_mode<synchronous>, transform_indices = @transform_3, window_bounds = array<i64: 128, 128>}, {pipeline_mode = #tpu.pipeline_mode<synchronous>, transform_indices = @transform_4, window_bounds = array<i64: 1, 128>}, {pipeline_mode = #tpu.pipeline_mode<synchronous>, transform_indices = @transform_5, window_bounds = array<i64: 128, 1>}, {pipeline_mode = #tpu.pipeline_mode<synchronous>, transform_indices = @transform_6, window_bounds = array<i64: 1, 1>}, {transform_indices = @transform_7, window_bounds = array<i64: 2560, 1>}]} {
    %get3A = arith.constant 0 : index
    %get3A_0 = arith.constant 0 : index
    %get3A_1 = vector.load %arg1[%get3A, %get3A_0] : memref<2560x128xf32, #tpu.memory_space<vmem>>, vector<2560x128xf32>
    %get3A_2 = arith.constant 0 : index
    %get3A_3 = arith.constant 0 : index
    %get3A_4 = vector.load %arg2[%get3A_2, %get3A_3] : memref<2560x128xf32, #tpu.memory_space<vmem>>, vector<2560x128xf32>
    %add3A = arith.addf %get3A_1, %get3A_4 : vector<2560x128xf32>
    %get3A_5 = arith.constant 0 : index
    %get3A_6 = arith.constant 0 : index
    %get3A_7 = vector.load %arg3[%get3A_5, %get3A_6] : memref<2560x64xi32, #tpu.memory_space<vmem>>, vector<2560x64xi32>
    %shift_left3A = arith.constant 16 : i32
    %shift_left3A_8 = vector.broadcast %shift_left3A : i32 to vector<2560x64xi32>
    %shift_left3A_9 = arith.shli %get3A_7, %shift_left3A_8 : vector<2560x64xi32>
    %bitcast_convert_type3A = tpu.bitcast %shift_left3A_9 : vector<2560x64xi32> -> vector<2560x64xf32>
    %and3A = arith.constant -65536 : i32
    %and3A_10 = vector.broadcast %and3A : i32 to vector<2560x64xi32>
    %and3A_11 = arith.andi %get3A_7, %and3A_10 : vector<2560x64xi32>
    %bitcast_convert_type3A_12 = tpu.bitcast %and3A_11 : vector<2560x64xi32> -> vector<2560x64xf32>
    %concatenate3A = tpu.concatenate %bitcast_convert_type3A, %bitcast_convert_type3A_12 in 1 : vector<2560x64xf32>, vector<2560x64xf32> -> vector<2560x128xf32>
    %get3A_13 = arith.constant 0 : index
    %get3A_14 = arith.constant 0 : index
    %get3A_15 = vector.load %arg4[%get3A_13, %get3A_14] : memref<128x128xf32, #tpu.memory_space<vmem>>, vector<128x128xf32>
    %dot_general3A = arith.constant dense<0.000000e+00> : vector<2560x128xf32>
    %dot_general3A_16 = tpu.matmul %concatenate3A, %get3A_15, %dot_general3A {dimension_numbers = #tpu.dot_dimension_numbers<[1], [0], [0], [1], [0, 0, 1, 1], [], []>, transpose_lhs_hint = false} : vector<2560x128xf32>, vector<128x128xf32>, vector<2560x128xf32> -> vector<2560x128xf32>
    %add3A_17 = arith.addf %add3A, %dot_general3A_16 : vector<2560x128xf32>
    %get3A_18 = arith.constant 0 : index
    %get3A_19 = arith.constant 0 : index
    %get3A_20 = vector.load %arg5[%get3A_18, %get3A_19] : memref<1x128xf32, #tpu.memory_space<vmem>>, vector<1x128xf32>
    %add3A_21 = vector.broadcast %get3A_20 : vector<1x128xf32> to vector<2560x128xf32>
    %add3A_22 = arith.addf %add3A_17, %add3A_21 : vector<2560x128xf32>
    %max3A = arith.constant 0.000000e+00 : f32
    %max3A_23 = vector.broadcast %max3A : f32 to vector<2560x128xf32>
    %max3A_24 = arith.maximumf %add3A_22, %max3A_23 : vector<2560x128xf32>
    %mul3A = arith.constant 0.999994993 : f32
    %mul3A_25 = vector.broadcast %mul3A : f32 to vector<2560x128xf32>
    %mul3A_26 = arith.mulf %mul3A_25, %max3A_24 : vector<2560x128xf32>
    %get3A_27 = arith.constant 0 : index
    %get3A_28 = arith.constant 0 : index
    %get3A_29 = vector.load %arg6[%get3A_27, %get3A_28] : memref<128x1xf32, #tpu.memory_space<vmem>>, vector<128x1xf32>
    %dot_general3A_30 = arith.constant dense<0.000000e+00> : vector<2560x1xf32>
    %dot_general3A_31 = tpu.matmul %mul3A_26, %get3A_29, %dot_general3A_30 {dimension_numbers = #tpu.dot_dimension_numbers<[1], [0], [0], [1], [0, 0, 1, 1], [], []>, transpose_lhs_hint = false} : vector<2560x128xf32>, vector<128x1xf32>, vector<2560x1xf32> -> vector<2560x1xf32>
    %get3A_32 = arith.constant 0 : index
    %get3A_33 = arith.constant 0 : index
    %get3A_34 = vector.load %arg7[%get3A_32, %get3A_33] : memref<1x1xf32, #tpu.memory_space<vmem>>, vector<1x1xf32>
    %add3A_35 = vector.broadcast %get3A_34 : vector<1x1xf32> to vector<2560x1xf32>
    %add3A_36 = arith.addf %dot_general3A_31, %add3A_35 : vector<2560x1xf32>
    %swap3A = arith.constant 0 : index
    %swap3A_37 = arith.constant 0 : index
    %swap3A_38 = vector.load %arg8[%swap3A, %swap3A_37] : memref<2560x1xf32, #tpu.memory_space<vmem>>, vector<2560x1xf32>
    tpu.vector_store %arg8[%swap3A, %swap3A_37], %add3A_36 {strides = array<i32>} : memref<2560x1xf32, #tpu.memory_space<vmem>>, vector<2560x1xf32>,
    return
  }
  func.func @transform_0(%arg0: i32) -> (i32, i32) {
    %c0_i32 = arith.constant 0 : i32
    %c0_i32_0 = arith.constant 0 : i32
    return %arg0, %c0_i32 : i32, i32
  }
  func.func @transform_1(%arg0: i32) -> (i32, i32) {
    %c0_i32 = arith.constant 0 : i32
    %c0_i32_0 = arith.constant 0 : i32
    return %arg0, %c0_i32 : i32, i32
  }
  func.func @transform_2(%arg0: i32) -> (i32, i32) {
    %c0_i32 = arith.constant 0 : i32
    %c0_i32_0 = arith.constant 0 : i32
    return %arg0, %c0_i32 : i32, i32
  }
  func.func @transform_3(%arg0: i32) -> (i32, i32) {
    %c0_i32 = arith.constant 0 : i32
    %c0_i32_0 = arith.constant 0 : i32
    %c0_i32_1 = arith.constant 0 : i32
    return %c0_i32, %c0_i32_0 : i32, i32
  }
  func.func @transform_4(%arg0: i32) -> (i32, i32) {
    %c0_i32 = arith.constant 0 : i32
    %c0_i32_0 = arith.constant 0 : i32
    %c0_i32_1 = arith.constant 0 : i32
    return %c0_i32, %c0_i32_0 : i32, i32
  }
  func.func @transform_5(%arg0: i32) -> (i32, i32) {
    %c0_i32 = arith.constant 0 : i32
    %c0_i32_0 = arith.constant 0 : i32
    %c0_i32_1 = arith.constant 0 : i32
    return %c0_i32, %c0_i32_0 : i32, i32
  }
  func.func @transform_6(%arg0: i32) -> (i32, i32) {
    %c0_i32 = arith.constant 0 : i32
    %c0_i32_0 = arith.constant 0 : i32
    %c0_i32_1 = arith.constant 0 : i32
    return %c0_i32, %c0_i32_0 : i32, i32
  }
  func.func @transform_7(%arg0: i32) -> (i32, i32) {
    %c0_i32 = arith.constant 0 : i32
    %c0_i32_0 = arith.constant 0 : i32
    return %arg0, %c0_i32 : i32, i32
  }
}

</mosaic_0001>

<sc_bundles>
// kernel: kernel.12.cloned.1.call-start
scs
__scs_entry_jumppad:
0x0: {  	(pc) =	sbr.rel $0x88, $3  }
0x1: {  	(tag) =	ssettag $0x0;
	lr =	simm.s32 $0x1  }
0x2: {  	[smem:$0x3F92] =	sst lr;
	_ =	strace $0xD0000000  }
0x3: {  	_ = 	snop  }
0x4: {  	_ = 	snop  }
0x5: {  	_ = 	snop  }
0x6: {  	_ = 	snop  }
0x7: {  	_ = 	snop  }
__scs_overlays_trampoline_lowered:
0x8: {  	[smem:$0x3FA1] =	sst s0  }
0x9: {  	[smem:$0x3FA2] =	sst s1  }
0xa: {  	[smem:$0x3FA3] =	sst s2  }
0xb: {  	[smem:$0x3FA4] =	sst s3  }
0xc: {  	[smem:$0x3FA5] =	sst s4  }
0xd: {  	[smem:$0x3FA6] =	sst s5  }
0xe: {  	[smem:$0x3FA7] =	sst s6  }
0xf: {  	[smem:$0x3FA8] =	sst s7  }
0x10: {  	[smem:$0x3FA9] =	sst s8  }
0x11: {  	[smem:$0x3FAA] =	sst s9;
	s0 =	simm.s32 @!p0 $0x0  }
0x12: {  	s1 =	sld [smem:$0x3F90];
	s0 =	simm.s32 @p0 $0x1  }
0x13: {  	[smem:$0x3FAB] =	sst s0;
	s0 =	simm.s32 @!p1 $0x0  }
0x14: {  	s2 =	sld [smem:$0x3F8F];
	s0 =	simm.s32 @p1 $0x1  }
0x15: {  	[smem:$0x3FAC] =	sst s0;
	s0 =	simm.s32 @!p2 $0x0  }
0x16: {  	s3 =	sld [smem:$0x3FDB];
	s0 =	simm.s32 @p2 $0x1  }
0x17: {  	s4 =	simm.s32 $0x1BF5;
	[smem:$0x3FAE] =	sst s0  }
0x18: {  	s0 =	sld [smem:$0x3F91];
	_ =	swait.ge [sflag:s4], $0x0  }
0x19: {  	s7 =	sld [smem:$0x3F92]  }
0x1a: {  	s8 =	sadd.s32 $0xFFFFE003, lr  }
0x1b: {  	s9 =	sadd.s32 $0xFFFFFEF7, lr;
	s5 =	simm.s32 $0xFFFFFFFF;
	p2 =	slt.u32 s8, $0xFFFFF086  }
0x1c: {  	p1 =	slt.u32 s9, $0xF7A;
	s5 =	simm.s32 @!p2 $0x0  }
0x1d: {  	s5 =	simm.s32 @p1 $0x1;
	p0 =	seq.s32 s7, s2  }
0x1e: {  	s7 =	smul.u32 @!p0 $0xF7A, s2;
	p2 =	seq.s32 @!p0 s5, $0x0  }
0x1f: {  	s9 =	smul.u32 $0xF7A, s1;
	s8 =	simm.s32 @!p0 $0x1BF5;
	p2 =	por !p2, p0  }
0x20: {  	[sflag:s8] =	ssyncset.s32 @!p0 $0xFFFFF086;
	s6 =	sadd.s32 @!p0 s3, s7;
	s7 =	simm.s32 @!p0 $0x108  }
0x21: {  	s3 =	sadd.s32 s3, s9;
	s6 =	sadd.s32 @!p0 $0x88, s6;
	s7 =	simm.s32 @p2 $0x1082  }
0x22: {  	[simem:s7], [sflag:s8] =	dma.local @!p0 [hbm:s6], $0xF7A  }
0x23: {  	s9 =	sor.u32 $0xD0000000, s2;
	s6 =	simm.s32 $0x108;
	_ =	swait.ge @!p0 [sflag:s8], $0x0  }
0x24: {  	s3 =	sadd.s32 $0x88, s3;
	s6 =	simm.s32 @!p1 $0x1082;
	[sflag:s4] =	ssyncset.s32 $0xFFFFF086  }
0x25: {  	[simem:s6], [sflag:s4] =	dma.local [hbm:s3], $0xF7A  }
0x26: {  	[smem:$0x3F92] =	sst s1;
	(tag) =	ssettag s2;
	_ =	strace s9  }
0x27: {  	s1 =	sld [smem:$0x3FA2]  }
0x28: {  	s2 =	sld [smem:$0x3FA3]  }
0x29: {  	s4 =	sld [smem:$0x3FA5]  }
0x2a: {  	p0 =	seq.s32 s5, $0x0;
	s5 =	sld [smem:$0x3FA6]  }
0x2b: {  	s6 =	sld [smem:$0x3FA7]  }
0x2c: {  	s7 =	sld [smem:$0x3FA8]  }
0x2d: {  	s3 =	simm.s32 $0x108;
	s8 =	sld [smem:$0x3FA9]  }
0x2e: {  	s3 =	simm.s32 @!p0 $0x1082;
	s9 =	sld [smem:$0x3FAA]  }
0x2f: {  	lr =	sadd.s32 s0, s3;
	s0 =	sld [smem:$0x3FA1]  }
0x30: {  	s3 =	sld [smem:$0x3FA4]  }
0x31: {  	[smem:$0x3FAD] =	sst s10  }
0x32: {  	s10 =	sld [smem:$0x3FAB];
	_ =	sdelay $0x3  }
0x33: {  	p0 =	seq.s32 s10, $0x1;
	s10 =	sld [smem:$0x3FAD];
	_ =	sdelay $0x3  }
0x34: {  	[smem:$0x3FAD] =	sst s10  }
0x35: {  	s10 =	sld [smem:$0x3FAC];
	_ =	sdelay $0x3  }
0x36: {  	p1 =	seq.s32 s10, $0x1;
	s10 =	sld [smem:$0x3FAD];
	_ =	sdelay $0x3  }
0x37: {  	[smem:$0x3FAD] =	sst s10  }
0x38: {  	s10 =	sld [smem:$0x3FAE]  }
0x39: {  	_ = 	snop;
	(pc) =	sbr.ind lr, $3  }
0x3a: {  	_ = 	snop  }
0x3b: {  	_ = 	snop  }
0x3c: {  	p2 =	seq.s32 s10, $0x1;
	s10 =	sld [smem:$0x3FAD]  }
0x3d: {  	_ =	shalt  }
0x3e: {  	_ =	shalt  }
0x3f: {  	_ =	shalt  }
0x40: {  	_ =	shalt  }
0x41: {  	_ =	shalt  }
0x42: {  	_ =	shalt  }
0x43: {  	_ =	shalt  }
0x44: {  	_ =	shalt  }
0x45: {  	_ =	shalt  }
0x46: {  	_ =	shalt  }
0x47: {  	_ =	shalt  }
0x48: {  	_ =	shalt  }
0x49: {  	_ =	shalt  }
0x4a: {  	_ =	shalt  }
0x4b: {  	_ =	shalt  }
0x4c: {  	_ =	shalt  }
0x4d: {  	_ =	shalt  }
0x4e: {  	_ =	shalt  }
0x4f: {  	_ =	shalt  }
0x50: {  	_ =	shalt  }
0x51: {  	_ =	shalt  }
0x52: {  	_ =	shalt  }
0x53: {  	_ =	shalt  }
0x54: {  	_ =	shalt  }
0x55: {  	_ =	shalt  }
0x56: {  	_ =	shalt  }
0x57: {  	_ =	shalt  }
0x58: {  	_ =	shalt  }
0x59: {  	_ =	shalt  }
0x5a: {  	_ =	shalt  }
0x5b: {  	_ =	shalt  }
0x5c: {  	_ =	shalt  }
0x5d: {  	_ =	shalt  }
0x5e: {  	_ =	shalt  }
0x5f: {  	_ =	shalt  }
0x60: {  	_ =	shalt  }
0x61: {  	_ =	shalt  }
0x62: {  	_ =	shalt  }
0x63: {  	_ =	shalt  }
0x64: {  	_ =	shalt  }
0x65: {  	_ =	shalt  }
0x66: {  	_ =	shalt  }
0x67: {  	_ =	shalt  }
0x68: {  	_ =	shalt  }
0x69: {  	_ =	shalt  }
0x6a: {  	_ =	shalt  }
0x6b: {  	_ =	shalt  }
0x6c: {  	_ =	shalt  }
0x6d: {  	_ =	shalt  }
0x6e: {  	_ =	shalt  }
0x6f: {  	_ =	shalt  }
0x70: {  	_ =	shalt  }
0x71: {  	_ =	shalt  }
0x72: {  	_ =	shalt  }
0x73: {  	_ =	shalt  }
0x74: {  	_ =	shalt  }
0x75: {  	_ =	shalt  }
0x76: {  	_ =	shalt  }
0x77: {  	_ =	shalt  }
0x78: {  	_ =	shalt  }
0x79: {  	_ =	shalt  }
0x7a: {  	_ =	shalt  }
0x7b: {  	_ =	shalt  }
0x7c: {  	_ =	shalt  }
0x7d: {  	_ =	shalt  }
0x7e: {  	_ =	shalt  }
0x7f: {  	_ =	shalt  }
0x80: {  	_ =	shalt  }
0x81: {  	_ =	shalt  }
0x82: {  	_ =	shalt  }
0x83: {  	_ =	shalt  }
0x84: {  	_ =	shalt  }
0x85: {  	_ =	shalt  }
0x86: {  	_ =	shalt  }
0x87: {  	_ =	shalt  }
.Lfunc_end0:
.L_simem_size_0:
called_computation.1_lowered:
.L_overlay_start_0:
0x88: {  	s2 =	sld [smem:$0x3FD9]  }
0x89: {  	s3 =	sld [smem:$0x3FFE];
	_ =	sdelay $0x1  }
0x8a: {  	s1 =	srdreg.scid  }
0x8b: {  	s0 =	sand.u32 $0x1, s1  }
0x8c: {  	s16 =	sshll.u32 s0, $0xA;
	s2 =	sadd.s32 s3, s2  }
0x8d: {  	s2 =	sadd.s32 s2, s16  }
0x8e: {  	[smem:$0x3FB9] =	sst s2  }
0x8f: {  	_ = 	snop  }
0x90: {  	(tm) =	ssettm $0x1  }
0x91: {  	s17 =	sld [smem:$0x3FFB];
	_ =	sdelay $0x3  }
0x92: {  	_ =	strace s17  }
0x93: {  	s2 =	sld [smem:$0x3FFC];
	_ =	sdelay $0x3  }
0x94: {  	_ =	strace s2  }
0x95: {  	s2 =	sld [smem:$0x3FFD];
	_ =	sdelay $0x3  }
0x96: {  	_ =	strace s2  }
0x97: {  	_ =	strace $0x8FFFFFFF  }
0x98: {  	s18 =	sld [smem:$0x3FDB];
	_ =	sdelay $0x1  }
0x99: {  	s19 =	simm.s32 $_scs_section_size  }
0x9a: {  	s4 =	simm.s32 $_size__tile_overlayer_lowered;
	s5 =	simm.s32 $_tile_overlayer_lowered  }
0x9b: {  	s22 =	simm.s32 $0x1BFF;
	s21 =	sshll.u32 s5, $0x1;
	s2 =	sadd.s32 s19, s18  }
0x9c: {  	s6 =	simm.s32 $0x0;
	s20 =	sshll.u32 s4, $0x1;
	s4 =	sadd.s32 s21, s2  }
0x9d: {  	[timem:s6], [sflag:s22] =	dma.local [hbm:s4], s20  }
0x9e: {  	_ =	swait.ge [sflag:s22], s20  }
0x9f: {  	s3 =	ssub.s32 $0x0, s20;
	[sflag:s22] =	ssyncset.done $0x0  }
0xa0: {  	[sflag:s22] =	ssyncadd.s32 s3;
	_ =	sdelay $0x1  }
0xa1: {  	s23 =	simm.s32 $0x1B8B  }
0xa2: {  	_ =	swait.ge [sflag:s23], $0x1  }
0xa3: {  	[sflag:s23] =	ssyncset.done $0x0  }
0xa4: {  	s25 =	simm.s32 $0x1B8E;
	s24 =	sld [smem:$0x3FFE];
	[sflag:s23] =	ssyncadd.s32 $0xFFFFFFFF  }
0xa5: {  	s26 =	simm.s32 $execute0_lowered;
	[smem:$0x3FD2] =	sst s25  }
0xa6: {  	s4 =	sshll.u32 s26, $0x1;
	_ =	strace $0x80000049;
	[dreg:$0x1] =	wrdreg $0xFFFFFFFF  }
0xa7: {  	s28 =	simm.s32 $_size_execute0_lowered;
	s2 =	sadd.s32 s2, s4;
	[dreg:$0x0] =	wrdreg $0x0  }
0xa8: {  	s4 =	sshll.u32 s28, $0x1;
	[dreg:$0x2] =	wrdreg s2  }
0xa9: {  	[dreg:$0x3] =	wrdreg s4  }
0xaa: {  	[dreg:$0x4] =	wrdreg $0xC0  }
0xab: {  	_ =	task [dreg:s6], $0x5FFFF  }
0xac: {  	[dreg:$0x1] =	wrdreg $0xFFFFFFFF  }
0xad: {  	[dreg:$0x0] =	wrdreg $0x60  }
0xae: {  	[dreg:$0x2] =	wrdreg s24  }
0xaf: {  	[dreg:$0x3] =	wrdreg $0x0  }
0xb0: {  	[dreg:$0x4] =	wrdreg $0x9  }
0xb1: {  	_ =	task.clear_ibuf [dreg:s6], $0x5FFFF;
	_ =	strace $0x90000049  }
0xb2: {  	s29 =	simm.s32 $0x9;
	_ =	strace $0x8000004B  }
0xb3: {  	_ =	swait.ge [sflag:s29], $0x1  }
0xb4: {  	[sflag:s29] =	ssyncadd.s32 $0xFFFFFFFF  }
0xb5: {  	_ =	strace $0x9000004B  }
0xb6: {  	_ =	sfence  }
0xb7: {  	s30 =	sld [smem:$0x0];
	_ =	sdelay $0x2  }
0xb8: {  	s31 =	sshll.u32 s1, $0xD;
	s1 =	sshrl.u32 s1, $0x2  }
0xb9: {  	s3 =	sand.u32 $0x4000, s31;
	s1 =	sadd.s32 s1, s30  }
0xba: {  	s0 =	sor.u32 s3, s0;
	s1 =	sshll.u32 s1, $0x11  }
0xbb: {  	s0 =	sor.u32 s1, s0  }
0xbc: {  	s0 =	sadd.s32 $0x8F2B, s0  }
0xbd: {  	[sflag:s0] =	ssyncadd.remote.s32 $0x1  }
0xbe: {  	_ =	sfence.sel $0xFFFF  }
0xbf: {  	[dreg:$0x0] =	wrdreg $0xFFFFFFFF;
	(pc) =	sbr.abs _section_cstart, $3  }
0xc0: {  	[dreg:$0x1] =	wrdreg $0xFFFFFFFF  }
0xc1: {  	_ =	task.clear_ibuf [dreg:s6], $0x2FFFF;
	_ =	strace $0x9FFFFFFF  }
0xc2: {  	(tm) =	ssettm $0x7FFFFFFF  }
0xc3: {  	_ =	shalt  }
tec
execute0_lowered:
.L_overlay_start_1:
0x0: {  	(tag) =	ssettag $0x1  }
0x1: {  	s0 =	srdreg.scid  }
0x2: {  	s16 =	stileid.u32;
	s4 =	rddreg [dreg:$0x0];
	s31 =	simm.s32 $0x1D000  }
0x3: {  	s1 =	sand.u32 $0x1, s0;
	s3 =	smul.u32 $0x14000, s16;
	s6 =	sadd.s32 $0xA36800, s4  }
0x4: {  	s0 =	sshll.u32 s1, $0x4;
	s2 =	ssub.s32 $0x2, s1;
	s9 =	smul.u32 $0x140000, s1  }
0x5: {  	s1 =	smul.u32 $0x271000, s1;
	s5 =	sor.u32 s16, s0;
	s18 =	sshrl.u32 s2, $0x1  }
0x6: {  	s7 =	sadd.s32 $0x4000, s3;
	s8 =	sadd.s32 $0x6000, s3;
	s10 =	sadd.s32 $0x8000, s3  }
0x7: {  	s13 =	sadd.s32 $0xA000, s3;
	s21 =	sadd.s32 $0xC000, s3;
	s22 =	sadd.s32 $0xE000, s3  }
0x8: {  	s23 =	sadd.s32 $0x10000, s3;
	s0 =	ssub.s32 s2, s18;
	s2 =	sor.u32 $0x2000, s3  }
0x9: {  	s11 =	sadd.s32 s3, s9;
	s3 =	sadd.s32 $0x12000, s3;
	s12 =	smul.u32 $0x27100, s5  }
0xa: {  	s14 =	sadd.s32 s9, s7;
	s15 =	sadd.s32 s9, s8;
	s25 =	sadd.s32 s9, s10  }
0xb: {  	s26 =	sadd.s32 s9, s13;
	s30 =	sadd.s32 s9, s21;
	s17 =	sadd.s32 s9, s22  }
0xc: {  	s18 =	sadd.s32 s9, s23;
	s11 =	sshrl.u32 s11, $0x3;
	s19 =	sadd.s32 s9, s2  }
0xd: {  	s14 =	sshrl.u32 s14, $0x3;
	s24 =	sshrl.u32 s15, $0x3;
	s15 =	sshrl.u32 s30, $0x3  }
0xe: {  	s9 =	sadd.s32 s9, s3;
	s29 =	smax.u32 s0, $0x1;
	s0 =	simm.s32 $0x18000  }
0xf: {  	s11 =	sadd.s32 s6, s11;
	s20 =	sadd.s32 s6, s14;
	s14 =	sshrl.u32 s26, $0x3  }
0x10: {  	s9 =	sshrl.u32 s9, $0x3;
	[dreg:$0x3] =	wrdreg s11;
	s11 =	sshrl.u32 s19, $0x3  }
0x11: {  	[dreg:$0x5] =	wrdreg s20;
	s14 =	sadd.s32 s6, s14;
	s20 =	smul.u32 $0x138800, s5  }
0x12: {  	s5 =	sshll.u32 s5, $0xB;
	s11 =	sadd.s32 s6, s11;
	[dreg:$0x8] =	wrdreg s14  }
0x13: {  	s14 =	sshrl.u32 s18, $0x3;
	s5 =	sadd.s32 s5, s4;
	s4 =	sadd.s32 $0xF18800, s4  }
0x14: {  	[dreg:$0x4] =	wrdreg s11;
	s11 =	sadd.s32 s6, s24;
	s19 =	sadd.s32 s6, s14  }
0x15: {  	s24 =	smul.u32 $0x50000, s16;
	s12 =	sadd.s32 s4, s12;
	s14 =	rddreg [dreg:$0x1]  }
0x16: {  	s1 =	sadd.s32 s1, s4;
	s30 =	sadd.s32 $0x4200, s5;
	[dreg:$0x6] =	wrdreg s11  }
0x17: {  	s5 =	simm.s32 $0x2;
	s11 =	sshrl.u32 s25, $0x3;
	[dreg:$0xb] =	wrdreg s19  }
0x18: {  	[dreg:$0xd] =	wrdreg s12;
	s25 =	smul.u32 $0x27100, s16;
	s16 =	sadd.s32 s2, s14  }
0x19: {  	s18 =	sadd.s32 s8, s14;
	s19 =	sadd.s32 s10, s14;
	s21 =	sadd.s32 s21, s14  }
0x1a: {  	s22 =	sadd.s32 s22, s14;
	s23 =	sadd.s32 s23, s14;
	s2 =	simm.s32 $0x1  }
0x1b: {  	s11 =	sadd.s32 s6, s11;
	s26 =	sshrl.u32 s24, $0x2;
	s24 =	sadd.s32 s3, s14  }
0x1c: {  	s3 =	simm.s32 $0x50;
	[dreg:$0x7] =	wrdreg s11;
	s11 =	sadd.s32 s6, s15  }
0x1d: {  	s1 =	sadd.s32 s25, s1;
	[dreg:$0x9] =	wrdreg s11;
	s11 =	sshrl.u32 s17, $0x3  }
0x1e: {  	s15 =	sadd.s32 s26, s14;
	s17 =	sadd.s32 s7, s14;
	s11 =	sadd.s32 s6, s11  }
0x1f: {  	s10 =	sadd.s32 $0xF00, s1;
	s6 =	sadd.s32 s6, s9;
	[dreg:$0xa] =	wrdreg s11  }
0x20: {  	s1 =	simm.s32 $0x1A800;
	s7 =	simm.s32 $0x0;
	[dreg:$0xc] =	wrdreg s6  }
0x21: {  	s11 =	simm.s32 $0x0;
	s6 =	sshrl.u32 s20, $0x3;
	s20 =	sadd.s32 s13, s14  }
0x22: {  	s13 =	simm.s32 $0x5;
	[smem:$0x7FF] =	sst s11;
	s6 =	sadd.s32 s4, s6  }
0x23: {  	s4 =	simm.s32 $0x3;
	_ =	strace $0x8000004A;
	[dreg:$0xe] =	wrdreg s30  }
0x24: {  	v0 =	vimm.f32 $0.0e+00;
	s26 =	sadd.s32 $0x500, s6;
	s28 =	sadd.s32 $0x26C00, s6;
	s6 =	simm.s32 $0x4  }
.LBB2_1:
0x25: {  	s8 =	simm.s32 $0x0;
	s9 =	simm.s32 $0x200  }
.LBB2_2:
0x26: {  	p0 =	sne.s32 s9, $0x7E00;
	[tilespmem:s8+$0x1D070] =	vst v0  }
0x27: {  	[tilespmem:s8+$0x1D000] =	vst v0  }
0x28: {  	[tilespmem:s8+$0x1D010] =	vst v0  }
.Ltmp0:
0x29: {  	[tilespmem:s8+$0x1D020] =	vst v0;
	(pc) =	sbr.rel @p0 .LBB2_2-.Ltmp0, $4  }
0x2a: {  	[tilespmem:s8+$0x1D030] =	vst v0  }
0x2b: {  	[tilespmem:s8+$0x1D040] =	vst v0  }
0x2c: {  	[tilespmem:s8+$0x1D050] =	vst v0  }
0x2d: {  	[tilespmem:s8+$0x1D060] =	vst v0;
	s8 =	sshra.s32 s9, $0x2;
	s9 =	sadd.s32 $0x200, s9  }
0x2e: {  	[tilespmem:s8+$0x1D070] =	vst v0  }
0x2f: {  	[tilespmem:s8+$0x1D000] =	vst v0  }
0x30: {  	[tilespmem:s8+$0x1D010] =	vst v0  }
0x31: {  	[tilespmem:s8+$0x1D020] =	vst v0  }
0x32: {  	[tilespmem:s8+$0x1D030] =	vst v0  }
0x33: {  	[tilespmem:s8+$0x1D040] =	vst v0  }
0x34: {  	[tilespmem:s8+$0x1D050] =	vst v0  }
0x35: {  	[tilespmem:s8+$0x1D060] =	vst v0  }
0x36: {  	[spmem:s15] =	stream.linear.scatter [tilespmem:s31], [sflag:$0x5], $0x2000, $0x38;
	[tilespmem:$0x1F000] =	vst v63  }
0x37: {  	_ =	swait.ge [sflag:s13], $0x2000  }
0x38: {  	[sflag:s13] =	ssyncset.done $0x0  }
0x39: {  	[sflag:s13] =	ssyncadd.s32 $0xFFFFE000  }
0x3a: {  	[spmem:s16] =	stream.linear.scatter [tilespmem:s31], [sflag:$0x5], $0x2000, $0x38;
	[tilespmem:$0x1F000] =	vst v63  }
0x3b: {  	_ =	swait.ge [sflag:s13], $0x2000  }
0x3c: {  	[sflag:s13] =	ssyncset.done $0x0  }
0x3d: {  	[sflag:s13] =	ssyncadd.s32 $0xFFFFE000  }
0x3e: {  	[spmem:s17] =	stream.linear.scatter [tilespmem:s31], [sflag:$0x5], $0x2000, $0x38;
	[tilespmem:$0x1F000] =	vst v63  }
0x3f: {  	_ =	swait.ge [sflag:s13], $0x2000  }
0x40: {  	[sflag:s13] =	ssyncset.done $0x0  }
0x41: {  	[sflag:s13] =	ssyncadd.s32 $0xFFFFE000  }
0x42: {  	[spmem:s18] =	stream.linear.scatter [tilespmem:s31], [sflag:$0x5], $0x2000, $0x38;
	[tilespmem:$0x1F000] =	vst v63  }
0x43: {  	_ =	swait.ge [sflag:s13], $0x2000  }
0x44: {  	[sflag:s13] =	ssyncset.done $0x0  }
0x45: {  	[sflag:s13] =	ssyncadd.s32 $0xFFFFE000  }
0x46: {  	[spmem:s19] =	stream.linear.scatter [tilespmem:s31], [sflag:$0x5], $0x2000, $0x38;
	[tilespmem:$0x1F000] =	vst v63  }
0x47: {  	_ =	swait.ge [sflag:s13], $0x2000  }
0x48: {  	[sflag:s13] =	ssyncset.done $0x0  }
0x49: {  	[sflag:s13] =	ssyncadd.s32 $0xFFFFE000  }
0x4a: {  	[spmem:s20] =	stream.linear.scatter [tilespmem:s31], [sflag:$0x5], $0x2000, $0x38;
	[tilespmem:$0x1F000] =	vst v63  }
0x4b: {  	_ =	swait.ge [sflag:s13], $0x2000  }
0x4c: {  	[sflag:s13] =	ssyncset.done $0x0  }
0x4d: {  	[sflag:s13] =	ssyncadd.s32 $0xFFFFE000  }
0x4e: {  	[spmem:s21] =	stream.linear.scatter [tilespmem:s31], [sflag:$0x5], $0x2000, $0x38;
	[tilespmem:$0x1F000] =	vst v63  }
0x4f: {  	_ =	swait.ge [sflag:s13], $0x2000  }
0x50: {  	[sflag:s13] =	ssyncset.done $0x0  }
0x51: {  	[sflag:s13] =	ssyncadd.s32 $0xFFFFE000  }
0x52: {  	[spmem:s22] =	stream.linear.scatter [tilespmem:s31], [sflag:$0x5], $0x2000, $0x38;
	[tilespmem:$0x1F000] =	vst v63  }
0x53: {  	_ =	swait.ge [sflag:s13], $0x2000  }
0x54: {  	[sflag:s13] =	ssyncset.done $0x0  }
0x55: {  	[sflag:s13] =	ssyncadd.s32 $0xFFFFE000  }
0x56: {  	[spmem:s23] =	stream.linear.scatter [tilespmem:s31], [sflag:$0x5], $0x2000, $0x38;
	[tilespmem:$0x1F000] =	vst v63  }
0x57: {  	_ =	swait.ge [sflag:s13], $0x2000  }
0x58: {  	[sflag:s13] =	ssyncset.done $0x0  }
0x59: {  	[sflag:s13] =	ssyncadd.s32 $0xFFFFE000  }
0x5a: {  	[spmem:s24] =	stream.linear.scatter [tilespmem:s31], [sflag:$0x5], $0x2000, $0x38;
	[tilespmem:$0x1F000] =	vst v63  }
0x5b: {  	_ =	swait.ge [sflag:s13], $0x2000  }
0x5c: {  	[sflag:s13] =	ssyncset.done $0x0  }
0x5d: {  	[sflag:s13] =	ssyncadd.s32 $0xFFFFE000  }
0x5e: {  	[bflag:$0x0] =	sbarrier.arrive $0xFFFF  }
0x5f: {  	s8 =	simm.s32 $0x0;
	s12 =	simm.s32 $0x14000;
	s9 =	rddreg [dreg:$0xe]  }
0x60: {  	[tilespmem:s12], [sflag:$0x5] =	stream.linear.gather [hbm4b:s9+s8], $0x3E80, $0x38;
	[tilespmem:$0x1F000] =	vst v63  }
0x61: {  	_ =	swait.ge [sflag:s13], $0x3E80  }
0x62: {  	[sflag:s13] =	ssyncset.done $0x0  }
0x63: {  	s25 =	rddreg [dreg:$0xd];
	[sflag:s13] =	ssyncadd.s32 $0xFFFFC180  }
0x64: {  	[tilespmem:s0], [sflag:$0x1] =	stream.linear.gather [hbm4b:s25+s8], $0x2800, $0x38;
	[tilespmem:$0x1F000] =	vst v63  }
0x65: {  	_ = 	snop  }
0x66: {  	[tilespmem:s1], [sflag:$0x2] =	stream.linear.gather [hbm4b:s26+s8], $0x2800, $0x38;
	[tilespmem:$0x1F000] =	vst v63  }
0x67: {  	_ =	swait.ge [sflag:s2], $0x2800  }
0x68: {  	[sflag:s2] =	ssyncset.done $0x0  }
0x69: {  	s9 =	simm.s32 $0x14000;
	[sflag:s2] =	ssyncadd.s32 $0xFFFFD800  }
0x6a: {  	[spmem:s14] =	stream.indirect.scatter.add.f32 [tilespmem:s0], [sflag:$0x3], $0x80, s9, s3, $0xb8;
	[tilespmem:$0x1F000] =	vst v63  }
0x6b: {  	_ =	swait.ge [sflag:s4], $0x2800  }
0x6c: {  	[sflag:s4] =	ssyncset.done $0x0  }
0x6d: {  	s12 =	sadd.s32 $0xFFFFFB00, s10;
	[sflag:s4] =	ssyncadd.s32 $0xFFFFD800  }
0x6e: {  	[tilespmem:s0], [sflag:$0x1] =	stream.linear.gather [hbm4b:s12+s11], $0x2800, $0x38;
	[tilespmem:$0x1F000] =	vst v63  }
0x6f: {  	_ =	swait.ge [sflag:s5], $0x2800  }
0x70: {  	[sflag:s5] =	ssyncset.done $0x0  }
0x71: {  	s25 =	simm.s32 $0x14080;
	[sflag:s5] =	ssyncadd.s32 $0xFFFFD800  }
0x72: {  	[spmem:s14] =	stream.indirect.scatter.add.f32 [tilespmem:s1], [sflag:$0x4], $0x80, s25, s3, $0xb8;
	[tilespmem:$0x1F000] =	vst v63  }
0x73: {  	_ =	swait.ge [sflag:s6], $0x2800  }
0x74: {  	s30 =	smov.u32 s10;
	[sflag:s6] =	ssyncset.done $0x0  }
0x75: {  	s8 =	simm.s32 $0x400;
	s9 =	sadd.s32 $0xA00, s10;
	[sflag:s6] =	ssyncadd.s32 $0xFFFFD800  }
.LBB2_4:
0x76: {  	[tilespmem:s1], [sflag:$0x2] =	stream.linear.gather [hbm4b:s30+s11], $0x2800, $0x38;
	[tilespmem:$0x1F000] =	vst v63  }
0x77: {  	s12 =	smov.u32 s8;
	s30 =	smov.u32 s9  }
0x78: {  	p0 =	sne.s32 s8, $0xF000;
	s8 =	sadd.s32 $0x400, s8;
	_ =	swait.ge [sflag:s2], $0x2800  }
0x79: {  	s12 =	sshra.s32 s12, $0x2;
	[sflag:s2] =	ssyncset.done $0x0  }
0x7a: {  	s25 =	sadd.s32 $0x14000, s12;
	[sflag:s2] =	ssyncadd.s32 $0xFFFFD800  }
0x7b: {  	[spmem:s14] =	stream.indirect.scatter.add.f32 [tilespmem:s0], [sflag:$0x3], $0x80, s25, s3, $0xb8;
	[tilespmem:$0x1F000] =	vst v63  }
0x7c: {  	_ =	swait.ge [sflag:s4], $0x2800  }
0x7d: {  	[sflag:s4] =	ssyncset.done $0x0  }
0x7e: {  	s25 =	sadd.s32 $0xFFFFFB00, s9;
	[sflag:s4] =	ssyncadd.s32 $0xFFFFD800  }
0x7f: {  	[tilespmem:s0], [sflag:$0x1] =	stream.linear.gather [hbm4b:s25+s11], $0x2800, $0x38;
	[tilespmem:$0x1F000] =	vst v63  }
0x80: {  	_ =	swait.ge [sflag:s5], $0x2800  }
0x81: {  	[sflag:s5] =	ssyncset.done $0x0  }
.Ltmp1:
0x82: {  	s12 =	sadd.s32 $0x14080, s12;
	[sflag:s5] =	ssyncadd.s32 $0xFFFFD800;
	(pc) =	sbr.rel @p0 .LBB2_4-.Ltmp1, $4  }
0x83: {  	[spmem:s14] =	stream.indirect.scatter.add.f32 [tilespmem:s1], [sflag:$0x4], $0x80, s12, s3, $0xb8;
	[tilespmem:$0x1F000] =	vst v63  }
0x84: {  	_ =	swait.ge [sflag:s6], $0x2800  }
0x85: {  	[sflag:s6] =	ssyncset.done $0x0  }
0x86: {  	s9 =	sadd.s32 $0xA00, s9;
	[sflag:s6] =	ssyncadd.s32 $0xFFFFD800  }
0x87: {  	[tilespmem:s1], [sflag:$0x2] =	stream.linear.gather [hbm4b:s30+s11], $0x2800, $0x38;
	[tilespmem:$0x1F000] =	vst v63  }
0x88: {  	_ =	swait.ge [sflag:s2], $0x2800  }
0x89: {  	[sflag:s2] =	ssyncset.done $0x0  }
0x8a: {  	s8 =	simm.s32 $0x17D00;
	[sflag:s2] =	ssyncadd.s32 $0xFFFFD800  }
0x8b: {  	[spmem:s14] =	stream.indirect.scatter.add.f32 [tilespmem:s0], [sflag:$0x3], $0x80, s8, s3, $0xb8;
	[tilespmem:$0x1F000] =	vst v63  }
0x8c: {  	_ =	swait.ge [sflag:s4], $0x2800  }
0x8d: {  	[sflag:s4] =	ssyncset.done $0x0  }
0x8e: {  	[sflag:s4] =	ssyncadd.s32 $0xFFFFD800  }
0x8f: {  	[tilespmem:s0], [sflag:$0x1] =	stream.linear.gather [hbm4b:s28+s11], $0x2800, $0x38;
	[tilespmem:$0x1F000] =	vst v63  }
0x90: {  	_ =	swait.ge [sflag:s5], $0x2800  }
0x91: {  	[sflag:s5] =	ssyncset.done $0x0  }
0x92: {  	s9 =	simm.s32 $0x17D80;
	[sflag:s5] =	ssyncadd.s32 $0xFFFFD800  }
0x93: {  	[spmem:s14] =	stream.indirect.scatter.add.f32 [tilespmem:s1], [sflag:$0x4], $0x80, s9, s3, $0xb8;
	[tilespmem:$0x1F000] =	vst v63  }
0x94: {  	_ =	swait.ge [sflag:s2], $0x2800  }
0x95: {  	[sflag:s2] =	ssyncset.done $0x0  }
0x96: {  	s12 =	simm.s32 $0x17E00;
	[sflag:s2] =	ssyncadd.s32 $0xFFFFD800  }
0x97: {  	[spmem:s14] =	stream.indirect.scatter.add.f32 [tilespmem:s0], [sflag:$0x3], $0x80, s12, s3, $0xb8;
	[tilespmem:$0x1F000] =	vst v63  }
0x98: {  	_ =	swait.ge [sflag:s4], $0x2800  }
0x99: {  	[sflag:s4] =	ssyncset.done $0x0  }
0x9a: {  	[sflag:s4] =	ssyncadd.s32 $0xFFFFD800  }
0x9b: {  	_ =	swait.ge [sflag:s6], $0x2800  }
0x9c: {  	[sflag:s6] =	ssyncset.done $0x0  }
0x9d: {  	[sflag:s6] =	ssyncadd.s32 $0xFFFFD800  }
0x9e: {  	[bflag:$0x0] =	sbarrier.arrive $0xFFFF  }
0x9f: {  	[tilespmem:s31], [sflag:$0x5] =	stream.linear.gather [spmem:s15], $0x2000, $0x38;
	[tilespmem:$0x1F000] =	vst v63  }
0xa0: {  	_ =	swait.ge [sflag:s13], $0x2000  }
0xa1: {  	[sflag:s13] =	ssyncset.done $0x0  }
0xa2: {  	s25 =	rddreg [dreg:$0x3];
	[sflag:s13] =	ssyncadd.s32 $0xFFFFE000  }
0xa3: {  	[hbm4b:s25+s11] =	stream.linear.scatter [tilespmem:s31], [sflag:$0x5], $0x2000, $0x38;
	[tilespmem:$0x1F000] =	vst v63  }
0xa4: {  	_ =	swait.ge [sflag:s13], $0x2000  }
0xa5: {  	[sflag:s13] =	ssyncset.done $0x0  }
0xa6: {  	[sflag:s13] =	ssyncadd.s32 $0xFFFFE000  }
0xa7: {  	[tilespmem:s31], [sflag:$0x5] =	stream.linear.gather [spmem:s16], $0x2000, $0x38;
	[tilespmem:$0x1F000] =	vst v63  }
0xa8: {  	_ =	swait.ge [sflag:s13], $0x2000  }
0xa9: {  	[sflag:s13] =	ssyncset.done $0x0  }
0xaa: {  	s30 =	rddreg [dreg:$0x4];
	[sflag:s13] =	ssyncadd.s32 $0xFFFFE000  }
0xab: {  	[hbm4b:s30+s11] =	stream.linear.scatter [tilespmem:s31], [sflag:$0x5], $0x2000, $0x38;
	[tilespmem:$0x1F000] =	vst v63  }
0xac: {  	_ =	swait.ge [sflag:s13], $0x2000  }
0xad: {  	[sflag:s13] =	ssyncset.done $0x0  }
0xae: {  	[sflag:s13] =	ssyncadd.s32 $0xFFFFE000  }
0xaf: {  	[tilespmem:s31], [sflag:$0x5] =	stream.linear.gather [spmem:s17], $0x2000, $0x38;
	[tilespmem:$0x1F000] =	vst v63  }
0xb0: {  	_ =	swait.ge [sflag:s13], $0x2000  }
0xb1: {  	[sflag:s13] =	ssyncset.done $0x0  }
0xb2: {  	s9 =	rddreg [dreg:$0x5];
	[sflag:s13] =	ssyncadd.s32 $0xFFFFE000  }
0xb3: {  	[hbm4b:s9+s11] =	stream.linear.scatter [tilespmem:s31], [sflag:$0x5], $0x2000, $0x38;
	[tilespmem:$0x1F000] =	vst v63  }
0xb4: {  	_ =	swait.ge [sflag:s13], $0x2000  }
0xb5: {  	[sflag:s13] =	ssyncset.done $0x0  }
0xb6: {  	[sflag:s13] =	ssyncadd.s32 $0xFFFFE000  }
0xb7: {  	[tilespmem:s31], [sflag:$0x5] =	stream.linear.gather [spmem:s18], $0x2000, $0x38;
	[tilespmem:$0x1F000] =	vst v63  }
0xb8: {  	_ =	swait.ge [sflag:s13], $0x2000  }
0xb9: {  	[sflag:s13] =	ssyncset.done $0x0  }
0xba: {  	s12 =	rddreg [dreg:$0x6];
	[sflag:s13] =	ssyncadd.s32 $0xFFFFE000  }
0xbb: {  	[hbm4b:s12+s11] =	stream.linear.scatter [tilespmem:s31], [sflag:$0x5], $0x2000, $0x38;
	[tilespmem:$0x1F000] =	vst v63  }
0xbc: {  	_ =	swait.ge [sflag:s13], $0x2000  }
0xbd: {  	[sflag:s13] =	ssyncset.done $0x0  }
0xbe: {  	[sflag:s13] =	ssyncadd.s32 $0xFFFFE000  }
0xbf: {  	[tilespmem:s31], [sflag:$0x5] =	stream.linear.gather [spmem:s19], $0x2000, $0x38;
	[tilespmem:$0x1F000] =	vst v63  }
0xc0: {  	_ =	swait.ge [sflag:s13], $0x2000  }
0xc1: {  	[sflag:s13] =	ssyncset.done $0x0  }
0xc2: {  	s25 =	rddreg [dreg:$0x7];
	[sflag:s13] =	ssyncadd.s32 $0xFFFFE000  }
0xc3: {  	[hbm4b:s25+s11] =	stream.linear.scatter [tilespmem:s31], [sflag:$0x5], $0x2000, $0x38;
	[tilespmem:$0x1F000] =	vst v63  }
0xc4: {  	_ =	swait.ge [sflag:s13], $0x2000  }
0xc5: {  	[sflag:s13] =	ssyncset.done $0x0  }
0xc6: {  	[sflag:s13] =	ssyncadd.s32 $0xFFFFE000  }
0xc7: {  	[tilespmem:s31], [sflag:$0x5] =	stream.linear.gather [spmem:s20], $0x2000, $0x38;
	[tilespmem:$0x1F000] =	vst v63  }
0xc8: {  	_ =	swait.ge [sflag:s13], $0x2000  }
0xc9: {  	[sflag:s13] =	ssyncset.done $0x0  }
0xca: {  	s30 =	rddreg [dreg:$0x8];
	[sflag:s13] =	ssyncadd.s32 $0xFFFFE000  }
0xcb: {  	[hbm4b:s30+s11] =	stream.linear.scatter [tilespmem:s31], [sflag:$0x5], $0x2000, $0x38;
	[tilespmem:$0x1F000] =	vst v63  }
0xcc: {  	_ =	swait.ge [sflag:s13], $0x2000  }
0xcd: {  	[sflag:s13] =	ssyncset.done $0x0  }
0xce: {  	[sflag:s13] =	ssyncadd.s32 $0xFFFFE000  }
0xcf: {  	[tilespmem:s31], [sflag:$0x5] =	stream.linear.gather [spmem:s21], $0x2000, $0x38;
	[tilespmem:$0x1F000] =	vst v63  }
0xd0: {  	_ =	swait.ge [sflag:s13], $0x2000  }
0xd1: {  	[sflag:s13] =	ssyncset.done $0x0  }
0xd2: {  	s9 =	rddreg [dreg:$0x9];
	[sflag:s13] =	ssyncadd.s32 $0xFFFFE000  }
0xd3: {  	[hbm4b:s9+s11] =	stream.linear.scatter [tilespmem:s31], [sflag:$0x5], $0x2000, $0x38;
	[tilespmem:$0x1F000] =	vst v63  }
0xd4: {  	_ =	swait.ge [sflag:s13], $0x2000  }
0xd5: {  	[sflag:s13] =	ssyncset.done $0x0  }
0xd6: {  	[sflag:s13] =	ssyncadd.s32 $0xFFFFE000  }
0xd7: {  	[tilespmem:s31], [sflag:$0x5] =	stream.linear.gather [spmem:s22], $0x2000, $0x38;
	[tilespmem:$0x1F000] =	vst v63  }
0xd8: {  	_ =	swait.ge [sflag:s13], $0x2000  }
0xd9: {  	[sflag:s13] =	ssyncset.done $0x0  }
0xda: {  	s12 =	rddreg [dreg:$0xa];
	[sflag:s13] =	ssyncadd.s32 $0xFFFFE000  }
0xdb: {  	[hbm4b:s12+s11] =	stream.linear.scatter [tilespmem:s31], [sflag:$0x5], $0x2000, $0x38;
	[tilespmem:$0x1F000] =	vst v63  }
0xdc: {  	_ =	swait.ge [sflag:s13], $0x2000  }
0xdd: {  	[sflag:s13] =	ssyncset.done $0x0  }
0xde: {  	[sflag:s13] =	ssyncadd.s32 $0xFFFFE000  }
0xdf: {  	[tilespmem:s31], [sflag:$0x5] =	stream.linear.gather [spmem:s23], $0x2000, $0x38;
	[tilespmem:$0x1F000] =	vst v63  }
0xe0: {  	_ =	swait.ge [sflag:s13], $0x2000  }
0xe1: {  	[sflag:s13] =	ssyncset.done $0x0  }
0xe2: {  	s25 =	rddreg [dreg:$0xb];
	[sflag:s13] =	ssyncadd.s32 $0xFFFFE000  }
0xe3: {  	[hbm4b:s25+s11] =	stream.linear.scatter [tilespmem:s31], [sflag:$0x5], $0x2000, $0x38;
	[tilespmem:$0x1F000] =	vst v63  }
0xe4: {  	_ =	swait.ge [sflag:s13], $0x2000  }
0xe5: {  	[sflag:s13] =	ssyncset.done $0x0  }
0xe6: {  	[sflag:s13] =	ssyncadd.s32 $0xFFFFE000  }
0xe7: {  	[tilespmem:s31], [sflag:$0x5] =	stream.linear.gather [spmem:s24], $0x2000, $0x38;
	[tilespmem:$0x1F000] =	vst v63  }
0xe8: {  	s7 =	sadd.s32 $0x1, s7;
	_ =	swait.ge [sflag:s13], $0x2000  }
0xe9: {  	p0 =	sne.s32 s7, s29;
	[sflag:s13] =	ssyncset.done $0x0  }
.Ltmp2:
0xea: {  	s30 =	rddreg [dreg:$0xc];
	[sflag:s13] =	ssyncadd.s32 $0xFFFFE000;
	(pc) =	sbr.rel @p0 .LBB2_1-.Ltmp2, $4  }
0xeb: {  	[hbm4b:s30+s11] =	stream.linear.scatter [tilespmem:s31], [sflag:$0x5], $0x2000, $0x38;
	[tilespmem:$0x1F000] =	vst v63  }
0xec: {  	_ =	swait.ge [sflag:s13], $0x2000  }
0xed: {  	[sflag:s13] =	ssyncset.done $0x0  }
0xee: {  	[sflag:s13] =	ssyncadd.s32 $0xFFFFE000  }
0xef: {  	_ =	sfence.sel $0x180000  }
0xf0: {  	[bflag:$0x0] =	sbarrier.arrive $0xFFFF  }
0xf1: {  	_ =	strace $0x9000004A  }
0xf2: {  	s0 =	stileid.u32;
	[bflag:$0x2] =	sbarrier.arrive $0xFFFF  }
0xf3: {  	p0 =	sne.s32 s0, $0x0;
	s0 =	rddreg [dreg:$0x2]  }
0xf4: {  	s0 =	sadd.s32 @!p0 $0x100000, s0  }
0xf5: {  	[sflag:s0] =	ssyncadd.tile.s32 @!p0 $0x1;
	_ =	shalt  }
.Lfunc_end2:
_tile_overlayer_lowered:
.L_overlay_start_2:
0xf6: {  	(tag) =	ssettag $0x2  }
0xf7: {  	s0 =	rddreg [dreg:$0x0];
	s2 =	stileid.u32  }
0xf8: {  	s1 =	rddreg [dreg:$0x1];
	p0 =	sne.s32 s2, $0x0  }
0xf9: {  	s3 =	rddreg [dreg:$0x2];
	[bflag:$0x3] =	sbarrier.arrive $0xFFFF;
	s2 =	simm.s32 @!p0 $0x1C05  }
0xfa: {  	[timem:s3], [sflag:s2] =	dma.local @!p0 [hbm:s0], s1  }
0xfb: {  	s0 =	simm.s32 @!p0 $0x5  }
0xfc: {  	_ =	swait.ge @!p0 [sflag:s0], s1  }
0xfd: {  	s1 =	ssub.s32 @!p0 $0x0, s1;
	[sflag:s0] =	ssyncset.done @!p0 $0x0  }
0xfe: {  	[sflag:s0] =	ssyncadd.s32 @!p0 s1  }
0xff: {  	[bflag:$0x3] =	sbarrier.arrive $0xFFFF  }
0x100: {  	_ =	shalt  }

// kernel: kernel.15.cloned.1.call-start
scs
__scs_entry_jumppad:
0x0: {  	(pc) =	sbr.rel $0x88, $3  }
0x1: {  	(tag) =	ssettag $0x0;
	lr =	simm.s32 $0x1  }
0x2: {  	[smem:$0x3F92] =	sst lr;
	_ =	strace $0xD0000000  }
0x3: {  	_ = 	snop  }
0x4: {  	_ = 	snop  }
0x5: {  	_ = 	snop  }
0x6: {  	_ = 	snop  }
0x7: {  	_ = 	snop  }
__scs_overlays_trampoline_lowered:
0x8: {  	[smem:$0x3FA1] =	sst s0  }
0x9: {  	[smem:$0x3FA2] =	sst s1  }
0xa: {  	[smem:$0x3FA3] =	sst s2  }
0xb: {  	[smem:$0x3FA4] =	sst s3  }
0xc: {  	[smem:$0x3FA5] =	sst s4  }
0xd: {  	[smem:$0x3FA6] =	sst s5  }
0xe: {  	[smem:$0x3FA7] =	sst s6  }
0xf: {  	[smem:$0x3FA8] =	sst s7  }
0x10: {  	[smem:$0x3FA9] =	sst s8  }
0x11: {  	[smem:$0x3FAA] =	sst s9;
	s0 =	simm.s32 @!p0 $0x0  }
0x12: {  	s1 =	sld [smem:$0x3F90];
	s0 =	simm.s32 @p0 $0x1  }
0x13: {  	[smem:$0x3FAB] =	sst s0;
	s0 =	simm.s32 @!p1 $0x0  }
0x14: {  	s2 =	sld [smem:$0x3F8F];
	s0 =	simm.s32 @p1 $0x1  }
0x15: {  	[smem:$0x3FAC] =	sst s0;
	s0 =	simm.s32 @!p2 $0x0  }
0x16: {  	s3 =	sld [smem:$0x3FDB];
	s0 =	simm.s32 @p2 $0x1  }
0x17: {  	s4 =	simm.s32 $0x1BF5;
	[smem:$0x3FAE] =	sst s0  }
0x18: {  	s0 =	sld [smem:$0x3F91];
	_ =	swait.ge [sflag:s4], $0x0  }
0x19: {  	s7 =	sld [smem:$0x3F92]  }
0x1a: {  	s8 =	sadd.s32 $0xFFFFE003, lr  }
0x1b: {  	s9 =	sadd.s32 $0xFFFFFEF7, lr;
	s5 =	simm.s32 $0xFFFFFFFF;
	p2 =	slt.u32 s8, $0xFFFFF086  }
0x1c: {  	p1 =	slt.u32 s9, $0xF7A;
	s5 =	simm.s32 @!p2 $0x0  }
0x1d: {  	s5 =	simm.s32 @p1 $0x1;
	p0 =	seq.s32 s7, s2  }
0x1e: {  	s7 =	smul.u32 @!p0 $0xF7A, s2;
	p2 =	seq.s32 @!p0 s5, $0x0  }
0x1f: {  	s9 =	smul.u32 $0xF7A, s1;
	s8 =	simm.s32 @!p0 $0x1BF5;
	p2 =	por !p2, p0  }
0x20: {  	[sflag:s8] =	ssyncset.s32 @!p0 $0xFFFFF086;
	s6 =	sadd.s32 @!p0 s3, s7;
	s7 =	simm.s32 @!p0 $0x108  }
0x21: {  	s3 =	sadd.s32 s3, s9;
	s6 =	sadd.s32 @!p0 $0x88, s6;
	s7 =	simm.s32 @p2 $0x1082  }
0x22: {  	[simem:s7], [sflag:s8] =	dma.local @!p0 [hbm:s6], $0xF7A  }
0x23: {  	s9 =	sor.u32 $0xD0000000, s2;
	s6 =	simm.s32 $0x108;
	_ =	swait.ge @!p0 [sflag:s8], $0x0  }
0x24: {  	s3 =	sadd.s32 $0x88, s3;
	s6 =	simm.s32 @!p1 $0x1082;
	[sflag:s4] =	ssyncset.s32 $0xFFFFF086  }
0x25: {  	[simem:s6], [sflag:s4] =	dma.local [hbm:s3], $0xF7A  }
0x26: {  	[smem:$0x3F92] =	sst s1;
	(tag) =	ssettag s2;
	_ =	strace s9  }
0x27: {  	s1 =	sld [smem:$0x3FA2]  }
0x28: {  	s2 =	sld [smem:$0x3FA3]  }
0x29: {  	s4 =	sld [smem:$0x3FA5]  }
0x2a: {  	p0 =	seq.s32 s5, $0x0;
	s5 =	sld [smem:$0x3FA6]  }
0x2b: {  	s6 =	sld [smem:$0x3FA7]  }
0x2c: {  	s7 =	sld [smem:$0x3FA8]  }
0x2d: {  	s3 =	simm.s32 $0x108;
	s8 =	sld [smem:$0x3FA9]  }
0x2e: {  	s3 =	simm.s32 @!p0 $0x1082;
	s9 =	sld [smem:$0x3FAA]  }
0x2f: {  	lr =	sadd.s32 s0, s3;
	s0 =	sld [smem:$0x3FA1]  }
0x30: {  	s3 =	sld [smem:$0x3FA4]  }
0x31: {  	[smem:$0x3FAD] =	sst s10  }
0x32: {  	s10 =	sld [smem:$0x3FAB];
	_ =	sdelay $0x3  }
0x33: {  	p0 =	seq.s32 s10, $0x1;
	s10 =	sld [smem:$0x3FAD];
	_ =	sdelay $0x3  }
0x34: {  	[smem:$0x3FAD] =	sst s10  }
0x35: {  	s10 =	sld [smem:$0x3FAC];
	_ =	sdelay $0x3  }
0x36: {  	p1 =	seq.s32 s10, $0x1;
	s10 =	sld [smem:$0x3FAD];
	_ =	sdelay $0x3  }
0x37: {  	[smem:$0x3FAD] =	sst s10  }
0x38: {  	s10 =	sld [smem:$0x3FAE]  }
0x39: {  	_ = 	snop;
	(pc) =	sbr.ind lr, $3  }
0x3a: {  	_ = 	snop  }
0x3b: {  	_ = 	snop  }
0x3c: {  	p2 =	seq.s32 s10, $0x1;
	s10 =	sld [smem:$0x3FAD]  }
0x3d: {  	_ =	shalt  }
0x3e: {  	_ =	shalt  }
0x3f: {  	_ =	shalt  }
0x40: {  	_ =	shalt  }
0x41: {  	_ =	shalt  }
0x42: {  	_ =	shalt  }
0x43: {  	_ =	shalt  }
0x44: {  	_ =	shalt  }
0x45: {  	_ =	shalt  }
0x46: {  	_ =	shalt  }
0x47: {  	_ =	shalt  }
0x48: {  	_ =	shalt  }
0x49: {  	_ =	shalt  }
0x4a: {  	_ =	shalt  }
0x4b: {  	_ =	shalt  }
0x4c: {  	_ =	shalt  }
0x4d: {  	_ =	shalt  }
0x4e: {  	_ =	shalt  }
0x4f: {  	_ =	shalt  }
0x50: {  	_ =	shalt  }
0x51: {  	_ =	shalt  }
0x52: {  	_ =	shalt  }
0x53: {  	_ =	shalt  }
0x54: {  	_ =	shalt  }
0x55: {  	_ =	shalt  }
0x56: {  	_ =	shalt  }
0x57: {  	_ =	shalt  }
0x58: {  	_ =	shalt  }
0x59: {  	_ =	shalt  }
0x5a: {  	_ =	shalt  }
0x5b: {  	_ =	shalt  }
0x5c: {  	_ =	shalt  }
0x5d: {  	_ =	shalt  }
0x5e: {  	_ =	shalt  }
0x5f: {  	_ =	shalt  }
0x60: {  	_ =	shalt  }
0x61: {  	_ =	shalt  }
0x62: {  	_ =	shalt  }
0x63: {  	_ =	shalt  }
0x64: {  	_ =	shalt  }
0x65: {  	_ =	shalt  }
0x66: {  	_ =	shalt  }
0x67: {  	_ =	shalt  }
0x68: {  	_ =	shalt  }
0x69: {  	_ =	shalt  }
0x6a: {  	_ =	shalt  }
0x6b: {  	_ =	shalt  }
0x6c: {  	_ =	shalt  }
0x6d: {  	_ =	shalt  }
0x6e: {  	_ =	shalt  }
0x6f: {  	_ =	shalt  }
0x70: {  	_ =	shalt  }
0x71: {  	_ =	shalt  }
0x72: {  	_ =	shalt  }
0x73: {  	_ =	shalt  }
0x74: {  	_ =	shalt  }
0x75: {  	_ =	shalt  }
0x76: {  	_ =	shalt  }
0x77: {  	_ =	shalt  }
0x78: {  	_ =	shalt  }
0x79: {  	_ =	shalt  }
0x7a: {  	_ =	shalt  }
0x7b: {  	_ =	shalt  }
0x7c: {  	_ =	shalt  }
0x7d: {  	_ =	shalt  }
0x7e: {  	_ =	shalt  }
0x7f: {  	_ =	shalt  }
0x80: {  	_ =	shalt  }
0x81: {  	_ =	shalt  }
0x82: {  	_ =	shalt  }
0x83: {  	_ =	shalt  }
0x84: {  	_ =	shalt  }
0x85: {  	_ =	shalt  }
0x86: {  	_ =	shalt  }
0x87: {  	_ =	shalt  }
.Lfunc_end0:
.L_simem_size_0:
called_computation.2_lowered:
.L_overlay_start_0:
0x88: {  	s2 =	sld [smem:$0x3FD9]  }
0x89: {  	s3 =	sld [smem:$0x3FFE];
	_ =	sdelay $0x1  }
0x8a: {  	s1 =	srdreg.scid  }
0x8b: {  	s0 =	sand.u32 $0x1, s1  }
0x8c: {  	s16 =	sshll.u32 s0, $0xA;
	s2 =	sadd.s32 s3, s2  }
0x8d: {  	s2 =	sadd.s32 s2, s16  }
0x8e: {  	[smem:$0x3FB9] =	sst s2  }
0x8f: {  	_ = 	snop  }
0x90: {  	(tm) =	ssettm $0x1  }
0x91: {  	s17 =	sld [smem:$0x3FFB];
	_ =	sdelay $0x3  }
0x92: {  	_ =	strace s17  }
0x93: {  	s2 =	sld [smem:$0x3FFC];
	_ =	sdelay $0x3  }
0x94: {  	_ =	strace s2  }
0x95: {  	s2 =	sld [smem:$0x3FFD];
	_ =	sdelay $0x3  }
0x96: {  	_ =	strace s2  }
0x97: {  	_ =	strace $0x8FFFFFFF  }
0x98: {  	s18 =	sld [smem:$0x3FDB];
	_ =	sdelay $0x1  }
0x99: {  	s19 =	simm.s32 $_scs_section_size  }
0x9a: {  	s4 =	simm.s32 $_size__tile_overlayer_lowered;
	s5 =	simm.s32 $_tile_overlayer_lowered  }
0x9b: {  	s22 =	simm.s32 $0x1BFF;
	s21 =	sshll.u32 s5, $0x1;
	s2 =	sadd.s32 s19, s18  }
0x9c: {  	s6 =	simm.s32 $0x0;
	s20 =	sshll.u32 s4, $0x1;
	s4 =	sadd.s32 s21, s2  }
0x9d: {  	[timem:s6], [sflag:s22] =	dma.local [hbm:s4], s20  }
0x9e: {  	_ =	swait.ge [sflag:s22], s20  }
0x9f: {  	s3 =	ssub.s32 $0x0, s20;
	[sflag:s22] =	ssyncset.done $0x0  }
0xa0: {  	[sflag:s22] =	ssyncadd.s32 s3;
	_ =	sdelay $0x1  }
0xa1: {  	s23 =	simm.s32 $0x1B8B  }
0xa2: {  	_ =	swait.ge [sflag:s23], $0x1  }
0xa3: {  	[sflag:s23] =	ssyncset.done $0x0  }
0xa4: {  	s25 =	simm.s32 $0x1B8E;
	s24 =	sld [smem:$0x3FFE];
	[sflag:s23] =	ssyncadd.s32 $0xFFFFFFFF  }
0xa5: {  	s26 =	simm.s32 $execute0_lowered;
	[smem:$0x3FD2] =	sst s25  }
0xa6: {  	s4 =	sshll.u32 s26, $0x1;
	_ =	strace $0x8000004C;
	[dreg:$0x1] =	wrdreg $0xFFFFFFFF  }
0xa7: {  	s28 =	simm.s32 $_size_execute0_lowered;
	s2 =	sadd.s32 s2, s4;
	[dreg:$0x0] =	wrdreg $0x0  }
0xa8: {  	s4 =	sshll.u32 s28, $0x1;
	[dreg:$0x2] =	wrdreg s2  }
0xa9: {  	[dreg:$0x3] =	wrdreg s4  }
0xaa: {  	[dreg:$0x4] =	wrdreg $0xC0  }
0xab: {  	_ =	task [dreg:s6], $0x5FFFF  }
0xac: {  	[dreg:$0x1] =	wrdreg $0xFFFFFFFF  }
0xad: {  	[dreg:$0x0] =	wrdreg $0x60  }
0xae: {  	[dreg:$0x2] =	wrdreg s24  }
0xaf: {  	[dreg:$0x3] =	wrdreg $0x9  }
0xb0: {  	_ =	task.clear_ibuf [dreg:s6], $0x4FFFF;
	_ =	strace $0x9000004C  }
0xb1: {  	s29 =	simm.s32 $0x9;
	_ =	strace $0x8000004E  }
0xb2: {  	_ =	swait.ge [sflag:s29], $0x1  }
0xb3: {  	[sflag:s29] =	ssyncadd.s32 $0xFFFFFFFF  }
0xb4: {  	_ =	strace $0x9000004E  }
0xb5: {  	_ =	sfence  }
0xb6: {  	s30 =	sld [smem:$0x0];
	_ =	sdelay $0x2  }
0xb7: {  	s31 =	sshll.u32 s1, $0xD;
	s1 =	sshrl.u32 s1, $0x2  }
0xb8: {  	s3 =	sand.u32 $0x4000, s31;
	s1 =	sadd.s32 s1, s30  }
0xb9: {  	s0 =	sor.u32 s3, s0;
	s1 =	sshll.u32 s1, $0x11  }
0xba: {  	s0 =	sor.u32 s1, s0  }
0xbb: {  	s0 =	sadd.s32 $0x8F2B, s0  }
0xbc: {  	[sflag:s0] =	ssyncadd.remote.s32 $0x1  }
0xbd: {  	_ =	sfence.sel $0xFFFF  }
0xbe: {  	[dreg:$0x0] =	wrdreg $0xFFFFFFFF;
	(pc) =	sbr.abs _section_cstart, $3  }
0xbf: {  	[dreg:$0x1] =	wrdreg $0xFFFFFFFF  }
0xc0: {  	_ =	task.clear_ibuf [dreg:s6], $0x2FFFF;
	_ =	strace $0x9FFFFFFF  }
0xc1: {  	(tm) =	ssettm $0x7FFFFFFF  }
tec
execute0_lowered:
.L_overlay_start_1:
0x0: {  	(tag) =	ssettag $0x1  }
0x1: {  	s0 =	rddreg [dreg:$0x0];
	s2 =	simm.s32 $0x0  }
0x2: {  	s1 =	srdreg.scid;
	s11 =	stileid.u32;
	s16 =	simm.s32 $0x7  }
0x3: {  	s17 =	simm.s32 $0x4000;
	s18 =	simm.s32 $0x50;
	s19 =	simm.s32 $0x8000  }
0x4: {  	s20 =	simm.s32 $0xD000;
	s22 =	simm.s32 $0xA800;
	s28 =	simm.s32 $0x5  }
0x5: {  	s29 =	simm.s32 $0x2;
	s30 =	simm.s32 $0x4;
	s31 =	simm.s32 $0x6  }
0x6: {  	s21 =	simm.s32 $0x0;
	[smem:$0x7FF] =	sst s2;
	s3 =	sadd.s32 $0xA36800, s0  }
0x7: {  	s1 =	sand.u32 $0x1, s1;
	s4 =	sadd.s32 $0xA5DA00, s0;
	s12 =	sadd.s32 $0xA84C00, s0  }
0x8: {  	s5 =	sshll.u32 s11, $0x1;
	s14 =	smul.u32 $0x4E200, s11;
	_ =	strace $0x8000004D  }
0x9: {  	s5 =	sor.u32 s1, s5;
	s7 =	ssub.s32 $0x2, s1;
	s1 =	smul.u32 $0x27100, s1  }
0xa: {  	s6 =	sshll.u32 s5, $0xB;
	s5 =	smul.u32 $0x138800, s5;
	s8 =	sshrl.u32 s7, $0x1  }
0xb: {  	s15 =	sadd.s32 s14, s12;
	s6 =	sadd.s32 s6, s0;
	s0 =	sadd.s32 $0x24200, s0  }
0xc: {  	s13 =	ssub.s32 s7, s8;
	s26 =	sadd.s32 s1, s15;
	s5 =	sshrl.u32 s5, $0x3  }
0xd: {  	s24 =	sadd.s32 $0x4200, s6;
	s6 =	sadd.s32 $0x14200, s6;
	s14 =	sadd.s32 s14, s0  }
0xe: {  	s13 =	smax.u32 s13, $0x1;
	[dreg:$0x2] =	wrdreg s24;
	s25 =	sadd.s32 $0x26200, s5  }
0xf: {  	[dreg:$0x3] =	wrdreg s6;
	s10 =	sadd.s32 $0x26700, s5;
	s5 =	sadd.s32 $0x26C00, s5  }
0x10: {  	s1 =	sadd.s32 s1, s14;
	s14 =	sadd.s32 $0x500, s26;
	s24 =	simm.s32 $0xF800  }
0x11: {  	s26 =	simm.s32 $0x3;
	s7 =	sadd.s32 s12, s25;
	s8 =	sadd.s32 s0, s25  }
0x12: {  	s9 =	sadd.s32 s12, s10;
	s10 =	sadd.s32 s0, s10;
	s11 =	sadd.s32 s12, s5  }
0x13: {  	s12 =	sadd.s32 s0, s5;
	s15 =	sadd.s32 $0x500, s1;
	s25 =	simm.s32 $0x1  }
.LBB2_1:
0x14: {  	s0 =	rddreg [dreg:$0x2]  }
0x15: {  	[tilespmem:s2], [sflag:$0x7] =	stream.linear.gather [hbm4b:s0+s2], $0x3E80, $0x38;
	[tilespmem:$0x12000] =	vst v63  }
0x16: {  	_ =	swait.ge [sflag:s16], $0x3E80  }
0x17: {  	[sflag:s16] =	ssyncset.done $0x0  }
0x18: {  	s1 =	rddreg [dreg:$0x3];
	[sflag:s16] =	ssyncadd.s32 $0xFFFFC180  }
0x19: {  	[tilespmem:s17], [sflag:$0x7] =	stream.linear.gather [hbm4b:s1+s2], $0x3E80, $0x38;
	[tilespmem:$0x12000] =	vst v63  }
0x1a: {  	_ =	swait.ge [sflag:s16], $0x3E80  }
0x1b: {  	[sflag:s16] =	ssyncset.done $0x0  }
0x1c: {  	[sflag:s16] =	ssyncadd.s32 $0xFFFFC180  }
0x1d: {  	[tilespmem:s19], [sflag:$0x1] =	stream.indirect.gather [hbm4b:s3+s18], $0x80, s2, s18, $0xb8;
	[tilespmem:$0x12000] =	vst v63  }
0x1e: {  	_ = 	snop  }
0x1f: {  	[tilespmem:s20], [sflag:$0x1] =	stream.indirect.gather [hbm4b:s4+s18], $0x80, s17, s18, $0xb8;
	[tilespmem:$0x12000] =	vst v63  }
0x20: {  	s5 =	simm.s32 $0x80  }
0x21: {  	[tilespmem:s22], [sflag:$0x2] =	stream.indirect.gather [hbm4b:s3+s18], $0x80, s5, s18, $0xb8;
	[tilespmem:$0x12000] =	vst v63  }
0x22: {  	s6 =	simm.s32 $0x4080  }
0x23: {  	[tilespmem:s24], [sflag:$0x2] =	stream.indirect.gather [hbm4b:s4+s18], $0x80, s6, s18, $0xb8;
	[tilespmem:$0x12000] =	vst v63  }
0x24: {  	_ =	swait.ge [sflag:s25], $0x2800  }
0x25: {  	[sflag:s25] =	ssyncset.done $0x0  }
0x26: {  	[sflag:s25] =	ssyncadd.s32 $0xFFFFD800  }
0x27: {  	_ =	swait.ge [sflag:s25], $0x2800  }
0x28: {  	[sflag:s25] =	ssyncset.done $0x0  }
0x29: {  	s23 =	sadd.s32 $0xFFFFFB00, s14;
	[sflag:s25] =	ssyncadd.s32 $0xFFFFD800  }
0x2a: {  	[hbm4b:s23+s2] =	stream.linear.scatter [tilespmem:s19], [sflag:$0x3], $0x2800, $0x38;
	[tilespmem:$0x12000] =	vst v63  }
0x2b: {  	s1 =	sadd.s32 $0xFFFFFB00, s15  }
0x2c: {  	[hbm4b:s1+s2] =	stream.linear.scatter [tilespmem:s20], [sflag:$0x5], $0x2800, $0x38;
	[tilespmem:$0x12000] =	vst v63  }
0x2d: {  	_ =	swait.ge [sflag:s26], $0x2800  }
0x2e: {  	[sflag:s26] =	ssyncset.done $0x0  }
0x2f: {  	[sflag:s26] =	ssyncadd.s32 $0xFFFFD800  }
0x30: {  	_ =	swait.ge [sflag:s28], $0x2800  }
0x31: {  	[sflag:s28] =	ssyncset.done $0x0  }
0x32: {  	s5 =	simm.s32 $0x100;
	[sflag:s28] =	ssyncadd.s32 $0xFFFFD800  }
0x33: {  	[tilespmem:s19], [sflag:$0x1] =	stream.indirect.gather [hbm4b:s3+s18], $0x80, s5, s18, $0xb8;
	[tilespmem:$0x12000] =	vst v63  }
0x34: {  	s6 =	simm.s32 $0x4100  }
0x35: {  	[tilespmem:s20], [sflag:$0x1] =	stream.indirect.gather [hbm4b:s4+s18], $0x80, s6, s18, $0xb8;
	[tilespmem:$0x12000] =	vst v63  }
0x36: {  	_ =	swait.ge [sflag:s29], $0x2800  }
0x37: {  	[sflag:s29] =	ssyncset.done $0x0  }
0x38: {  	[sflag:s29] =	ssyncadd.s32 $0xFFFFD800  }
0x39: {  	_ =	swait.ge [sflag:s29], $0x2800  }
0x3a: {  	[sflag:s29] =	ssyncset.done $0x0  }
0x3b: {  	[sflag:s29] =	ssyncadd.s32 $0xFFFFD800  }
0x3c: {  	[hbm4b:s14+s2] =	stream.linear.scatter [tilespmem:s22], [sflag:$0x4], $0x2800, $0x38;
	[tilespmem:$0x12000] =	vst v63  }
0x3d: {  	_ = 	snop  }
0x3e: {  	[hbm4b:s15+s2] =	stream.linear.scatter [tilespmem:s24], [sflag:$0x6], $0x2800, $0x38;
	[tilespmem:$0x12000] =	vst v63  }
0x3f: {  	_ =	swait.ge [sflag:s30], $0x2800  }
0x40: {  	[sflag:s30] =	ssyncset.done $0x0  }
0x41: {  	[sflag:s30] =	ssyncadd.s32 $0xFFFFD800  }
0x42: {  	_ =	swait.ge [sflag:s31], $0x2800  }
0x43: {  	[sflag:s31] =	ssyncset.done $0x0  }
0x44: {  	s0 =	sadd.s32 $0xA00, s14;
	s23 =	simm.s32 $0x180;
	[sflag:s31] =	ssyncadd.s32 $0xFFFFD800  }
0x45: {  	[tilespmem:s22], [sflag:$0x2] =	stream.indirect.gather [hbm4b:s3+s18], $0x80, s23, s18, $0xb8;
	[tilespmem:$0x12000] =	vst v63  }
0x46: {  	s1 =	sadd.s32 $0xA00, s15;
	s5 =	simm.s32 $0x4180;
	s23 =	simm.s32 $0x400  }
.LBB2_2:
0x47: {  	[tilespmem:s24], [sflag:$0x2] =	stream.indirect.gather [hbm4b:s4+s18], $0x80, s5, s18, $0xb8;
	[tilespmem:$0x12000] =	vst v63  }
0x48: {  	s5 =	smov.u32 s23  }
0x49: {  	p0 =	sne.s32 s23, $0xF000;
	s23 =	sadd.s32 $0x400, s23;
	_ =	swait.ge [sflag:s25], $0x2800  }
0x4a: {  	[sflag:s25] =	ssyncset.done $0x0  }
0x4b: {  	[sflag:s25] =	ssyncadd.s32 $0xFFFFD800  }
0x4c: {  	_ =	swait.ge [sflag:s25], $0x2800  }
0x4d: {  	[sflag:s25] =	ssyncset.done $0x0  }
0x4e: {  	s6 =	sadd.s32 $0xFFFFFB00, s0;
	[sflag:s25] =	ssyncadd.s32 $0xFFFFD800  }
0x4f: {  	[hbm4b:s6+s2] =	stream.linear.scatter [tilespmem:s19], [sflag:$0x3], $0x2800, $0x38;
	[tilespmem:$0x12000] =	vst v63  }
0x50: {  	s6 =	sadd.s32 $0xFFFFFB00, s1  }
0x51: {  	[hbm4b:s6+s2] =	stream.linear.scatter [tilespmem:s20], [sflag:$0x5], $0x2800, $0x38;
	[tilespmem:$0x12000] =	vst v63  }
0x52: {  	_ =	swait.ge [sflag:s26], $0x2800  }
0x53: {  	[sflag:s26] =	ssyncset.done $0x0  }
0x54: {  	[sflag:s26] =	ssyncadd.s32 $0xFFFFD800  }
0x55: {  	_ =	swait.ge [sflag:s28], $0x2800  }
0x56: {  	s5 =	sshra.s32 s5, $0x2;
	[sflag:s28] =	ssyncset.done $0x0  }
0x57: {  	s6 =	sadd.s32 $0x100, s5;
	[sflag:s28] =	ssyncadd.s32 $0xFFFFD800  }
0x58: {  	[tilespmem:s19], [sflag:$0x1] =	stream.indirect.gather [hbm4b:s3+s18], $0x80, s6, s18, $0xb8;
	[tilespmem:$0x12000] =	vst v63  }
0x59: {  	s6 =	sadd.s32 $0x4100, s5  }
0x5a: {  	[tilespmem:s20], [sflag:$0x1] =	stream.indirect.gather [hbm4b:s4+s18], $0x80, s6, s18, $0xb8;
	[tilespmem:$0x12000] =	vst v63  }
0x5b: {  	_ =	swait.ge [sflag:s29], $0x2800  }
0x5c: {  	[sflag:s29] =	ssyncset.done $0x0  }
0x5d: {  	[sflag:s29] =	ssyncadd.s32 $0xFFFFD800  }
0x5e: {  	_ =	swait.ge [sflag:s29], $0x2800  }
0x5f: {  	[sflag:s29] =	ssyncset.done $0x0  }
0x60: {  	[sflag:s29] =	ssyncadd.s32 $0xFFFFD800  }
0x61: {  	[hbm4b:s0+s2] =	stream.linear.scatter [tilespmem:s22], [sflag:$0x4], $0x2800, $0x38;
	[tilespmem:$0x12000] =	vst v63  }
0x62: {  	_ = 	snop  }
0x63: {  	[hbm4b:s1+s2] =	stream.linear.scatter [tilespmem:s24], [sflag:$0x6], $0x2800, $0x38;
	[tilespmem:$0x12000] =	vst v63  }
0x64: {  	_ =	swait.ge [sflag:s30], $0x2800  }
0x65: {  	[sflag:s30] =	ssyncset.done $0x0  }
0x66: {  	[sflag:s30] =	ssyncadd.s32 $0xFFFFD800  }
.Ltmp0:
0x67: {  	_ =	swait.ge [sflag:s31], $0x2800;
	(pc) =	sbr.rel @p0 .LBB2_2-.Ltmp0, $4  }
0x68: {  	[sflag:s31] =	ssyncset.done $0x0  }
0x69: {  	s6 =	sadd.s32 $0x180, s5;
	[sflag:s31] =	ssyncadd.s32 $0xFFFFD800  }
0x6a: {  	[tilespmem:s22], [sflag:$0x2] =	stream.indirect.gather [hbm4b:s3+s18], $0x80, s6, s18, $0xb8;
	[tilespmem:$0x12000] =	vst v63  }
0x6b: {  	s5 =	sadd.s32 $0x4180, s5;
	s0 =	sadd.s32 $0xA00, s0;
	s1 =	sadd.s32 $0xA00, s1  }
0x6c: {  	[tilespmem:s24], [sflag:$0x2] =	stream.indirect.gather [hbm4b:s4+s18], $0x80, s5, s18, $0xb8;
	[tilespmem:$0x12000] =	vst v63  }
0x6d: {  	_ =	swait.ge [sflag:s25], $0x2800  }
0x6e: {  	[sflag:s25] =	ssyncset.done $0x0  }
0x6f: {  	[sflag:s25] =	ssyncadd.s32 $0xFFFFD800  }
0x70: {  	_ =	swait.ge [sflag:s25], $0x2800  }
0x71: {  	[sflag:s25] =	ssyncset.done $0x0  }
0x72: {  	[sflag:s25] =	ssyncadd.s32 $0xFFFFD800  }
0x73: {  	[hbm4b:s7+s2] =	stream.linear.scatter [tilespmem:s19], [sflag:$0x3], $0x2800, $0x38;
	[tilespmem:$0x12000] =	vst v63  }
0x74: {  	_ = 	snop  }
0x75: {  	[hbm4b:s8+s2] =	stream.linear.scatter [tilespmem:s20], [sflag:$0x5], $0x2800, $0x38;
	[tilespmem:$0x12000] =	vst v63  }
0x76: {  	_ =	swait.ge [sflag:s26], $0x2800  }
0x77: {  	[sflag:s26] =	ssyncset.done $0x0  }
0x78: {  	[sflag:s26] =	ssyncadd.s32 $0xFFFFD800  }
0x79: {  	_ =	swait.ge [sflag:s28], $0x2800  }
0x7a: {  	[sflag:s28] =	ssyncset.done $0x0  }
0x7b: {  	s0 =	simm.s32 $0x3E00;
	[sflag:s28] =	ssyncadd.s32 $0xFFFFD800  }
0x7c: {  	[tilespmem:s19], [sflag:$0x1] =	stream.indirect.gather [hbm4b:s3+s18], $0x80, s0, s18, $0xb8;
	[tilespmem:$0x12000] =	vst v63  }
0x7d: {  	s23 =	simm.s32 $0x7E00  }
0x7e: {  	[tilespmem:s20], [sflag:$0x1] =	stream.indirect.gather [hbm4b:s4+s18], $0x80, s23, s18, $0xb8;
	[tilespmem:$0x12000] =	vst v63  }
0x7f: {  	_ =	swait.ge [sflag:s29], $0x2800  }
0x80: {  	[sflag:s29] =	ssyncset.done $0x0  }
0x81: {  	[sflag:s29] =	ssyncadd.s32 $0xFFFFD800  }
0x82: {  	_ =	swait.ge [sflag:s29], $0x2800  }
0x83: {  	[sflag:s29] =	ssyncset.done $0x0  }
0x84: {  	[sflag:s29] =	ssyncadd.s32 $0xFFFFD800  }
0x85: {  	[hbm4b:s9+s2] =	stream.linear.scatter [tilespmem:s22], [sflag:$0x4], $0x2800, $0x38;
	[tilespmem:$0x12000] =	vst v63  }
0x86: {  	_ = 	snop  }
0x87: {  	[hbm4b:s10+s2] =	stream.linear.scatter [tilespmem:s24], [sflag:$0x6], $0x2800, $0x38;
	[tilespmem:$0x12000] =	vst v63  }
0x88: {  	_ =	swait.ge [sflag:s25], $0x2800  }
0x89: {  	[sflag:s25] =	ssyncset.done $0x0  }
0x8a: {  	[sflag:s25] =	ssyncadd.s32 $0xFFFFD800  }
0x8b: {  	_ =	swait.ge [sflag:s25], $0x2800  }
0x8c: {  	[sflag:s25] =	ssyncset.done $0x0  }
0x8d: {  	[sflag:s25] =	ssyncadd.s32 $0xFFFFD800  }
0x8e: {  	[hbm4b:s11+s2] =	stream.linear.scatter [tilespmem:s19], [sflag:$0x3], $0x2800, $0x38;
	[tilespmem:$0x12000] =	vst v63  }
0x8f: {  	_ = 	snop  }
0x90: {  	[hbm4b:s12+s2] =	stream.linear.scatter [tilespmem:s20], [sflag:$0x5], $0x2800, $0x38;
	[tilespmem:$0x12000] =	vst v63  }
0x91: {  	_ =	swait.ge [sflag:s26], $0x2800  }
0x92: {  	[sflag:s26] =	ssyncset.done $0x0  }
0x93: {  	[sflag:s26] =	ssyncadd.s32 $0xFFFFD800  }
0x94: {  	_ =	swait.ge [sflag:s28], $0x2800  }
0x95: {  	[sflag:s28] =	ssyncset.done $0x0  }
0x96: {  	s21 =	sadd.s32 $0x1, s21;
	[sflag:s28] =	ssyncadd.s32 $0xFFFFD800  }
0x97: {  	p0 =	sne.s32 s21, s13;
	_ =	swait.ge [sflag:s30], $0x2800  }
.Ltmp1:
0x98: {  	[sflag:s30] =	ssyncset.done $0x0;
	(pc) =	sbr.rel @p0 .LBB2_1-.Ltmp1, $4  }
0x99: {  	[sflag:s30] =	ssyncadd.s32 $0xFFFFD800  }
0x9a: {  	_ =	swait.ge [sflag:s31], $0x2800  }
0x9b: {  	[sflag:s31] =	ssyncset.done $0x0  }
0x9c: {  	[sflag:s31] =	ssyncadd.s32 $0xFFFFD800  }
0x9d: {  	_ =	sfence.sel $0x180000  }
0x9e: {  	[bflag:$0x0] =	sbarrier.arrive $0xFFFF  }
0x9f: {  	_ =	strace $0x9000004D  }
0xa0: {  	s0 =	stileid.u32;
	[bflag:$0x2] =	sbarrier.arrive $0xFFFF  }
0xa1: {  	p0 =	sne.s32 s0, $0x0;
	s0 =	rddreg [dreg:$0x1]  }
0xa2: {  	s0 =	sadd.s32 @!p0 $0x100000, s0  }
0xa3: {  	[sflag:s0] =	ssyncadd.tile.s32 @!p0 $0x1;
	_ =	shalt  }
.Lfunc_end2:
_tile_overlayer_lowered:
.L_overlay_start_2:
0xa4: {  	(tag) =	ssettag $0x2  }
0xa5: {  	s0 =	rddreg [dreg:$0x0];
	s2 =	stileid.u32  }
0xa6: {  	s1 =	rddreg [dreg:$0x1];
	p0 =	sne.s32 s2, $0x0  }
0xa7: {  	s3 =	rddreg [dreg:$0x2];
	[bflag:$0x3] =	sbarrier.arrive $0xFFFF;
	s2 =	simm.s32 @!p0 $0x1C07  }
0xa8: {  	[timem:s3], [sflag:s2] =	dma.local @!p0 [hbm:s0], s1  }
0xa9: {  	s0 =	simm.s32 @!p0 $0x7  }
0xaa: {  	_ =	swait.ge @!p0 [sflag:s0], s1  }
0xab: {  	s1 =	ssub.s32 @!p0 $0x0, s1;
	[sflag:s0] =	ssyncset.done @!p0 $0x0  }
0xac: {  	[sflag:s0] =	ssyncadd.s32 @!p0 s1  }
0xad: {  	[bflag:$0x3] =	sbarrier.arrive $0xFFFF  }
0xae: {  	_ =	shalt  }

// kernel: kernel.9.cloned.1.call-start
scs
__scs_entry_jumppad:
0x0: {  	(pc) =	sbr.rel $0x88, $3  }
0x1: {  	(tag) =	ssettag $0x0;
	lr =	simm.s32 $0x1  }
0x2: {  	[smem:$0x3F92] =	sst lr;
	_ =	strace $0xD0000000  }
0x3: {  	_ = 	snop  }
0x4: {  	_ = 	snop  }
0x5: {  	_ = 	snop  }
0x6: {  	_ = 	snop  }
0x7: {  	_ = 	snop  }
__scs_overlays_trampoline_lowered:
0x8: {  	[smem:$0x3FA1] =	sst s0  }
0x9: {  	[smem:$0x3FA2] =	sst s1  }
0xa: {  	[smem:$0x3FA3] =	sst s2  }
0xb: {  	[smem:$0x3FA4] =	sst s3  }
0xc: {  	[smem:$0x3FA5] =	sst s4  }
0xd: {  	[smem:$0x3FA6] =	sst s5  }
0xe: {  	[smem:$0x3FA7] =	sst s6  }
0xf: {  	[smem:$0x3FA8] =	sst s7  }
0x10: {  	[smem:$0x3FA9] =	sst s8  }
0x11: {  	[smem:$0x3FAA] =	sst s9;
	s0 =	simm.s32 @!p0 $0x0  }
0x12: {  	s1 =	sld [smem:$0x3F90];
	s0 =	simm.s32 @p0 $0x1  }
0x13: {  	[smem:$0x3FAB] =	sst s0;
	s0 =	simm.s32 @!p1 $0x0  }
0x14: {  	s2 =	sld [smem:$0x3F8F];
	s0 =	simm.s32 @p1 $0x1  }
0x15: {  	[smem:$0x3FAC] =	sst s0;
	s0 =	simm.s32 @!p2 $0x0  }
0x16: {  	s3 =	sld [smem:$0x3FDB];
	s0 =	simm.s32 @p2 $0x1  }
0x17: {  	s4 =	simm.s32 $0x1BF5;
	[smem:$0x3FAE] =	sst s0  }
0x18: {  	s0 =	sld [smem:$0x3F91];
	_ =	swait.ge [sflag:s4], $0x0  }
0x19: {  	s7 =	sld [smem:$0x3F92]  }
0x1a: {  	s8 =	sadd.s32 $0xFFFFE003, lr  }
0x1b: {  	s9 =	sadd.s32 $0xFFFFFEF7, lr;
	s5 =	simm.s32 $0xFFFFFFFF;
	p2 =	slt.u32 s8, $0xFFFFF086  }
0x1c: {  	p1 =	slt.u32 s9, $0xF7A;
	s5 =	simm.s32 @!p2 $0x0  }
0x1d: {  	s5 =	simm.s32 @p1 $0x1;
	p0 =	seq.s32 s7, s2  }
0x1e: {  	s7 =	smul.u32 @!p0 $0xF7A, s2;
	p2 =	seq.s32 @!p0 s5, $0x0  }
0x1f: {  	s9 =	smul.u32 $0xF7A, s1;
	s8 =	simm.s32 @!p0 $0x1BF5;
	p2 =	por !p2, p0  }
0x20: {  	[sflag:s8] =	ssyncset.s32 @!p0 $0xFFFFF086;
	s6 =	sadd.s32 @!p0 s3, s7;
	s7 =	simm.s32 @!p0 $0x108  }
0x21: {  	s3 =	sadd.s32 s3, s9;
	s6 =	sadd.s32 @!p0 $0x88, s6;
	s7 =	simm.s32 @p2 $0x1082  }
0x22: {  	[simem:s7], [sflag:s8] =	dma.local @!p0 [hbm:s6], $0xF7A  }
0x23: {  	s9 =	sor.u32 $0xD0000000, s2;
	s6 =	simm.s32 $0x108;
	_ =	swait.ge @!p0 [sflag:s8], $0x0  }
0x24: {  	s3 =	sadd.s32 $0x88, s3;
	s6 =	simm.s32 @!p1 $0x1082;
	[sflag:s4] =	ssyncset.s32 $0xFFFFF086  }
0x25: {  	[simem:s6], [sflag:s4] =	dma.local [hbm:s3], $0xF7A  }
0x26: {  	[smem:$0x3F92] =	sst s1;
	(tag) =	ssettag s2;
	_ =	strace s9  }
0x27: {  	s1 =	sld [smem:$0x3FA2]  }
0x28: {  	s2 =	sld [smem:$0x3FA3]  }
0x29: {  	s4 =	sld [smem:$0x3FA5]  }
0x2a: {  	p0 =	seq.s32 s5, $0x0;
	s5 =	sld [smem:$0x3FA6]  }
0x2b: {  	s6 =	sld [smem:$0x3FA7]  }
0x2c: {  	s7 =	sld [smem:$0x3FA8]  }
0x2d: {  	s3 =	simm.s32 $0x108;
	s8 =	sld [smem:$0x3FA9]  }
0x2e: {  	s3 =	simm.s32 @!p0 $0x1082;
	s9 =	sld [smem:$0x3FAA]  }
0x2f: {  	lr =	sadd.s32 s0, s3;
	s0 =	sld [smem:$0x3FA1]  }
0x30: {  	s3 =	sld [smem:$0x3FA4]  }
0x31: {  	[smem:$0x3FAD] =	sst s10  }
0x32: {  	s10 =	sld [smem:$0x3FAB];
	_ =	sdelay $0x3  }
0x33: {  	p0 =	seq.s32 s10, $0x1;
	s10 =	sld [smem:$0x3FAD];
	_ =	sdelay $0x3  }
0x34: {  	[smem:$0x3FAD] =	sst s10  }
0x35: {  	s10 =	sld [smem:$0x3FAC];
	_ =	sdelay $0x3  }
0x36: {  	p1 =	seq.s32 s10, $0x1;
	s10 =	sld [smem:$0x3FAD];
	_ =	sdelay $0x3  }
0x37: {  	[smem:$0x3FAD] =	sst s10  }
0x38: {  	s10 =	sld [smem:$0x3FAE]  }
0x39: {  	_ = 	snop;
	(pc) =	sbr.ind lr, $3  }
0x3a: {  	_ = 	snop  }
0x3b: {  	_ = 	snop  }
0x3c: {  	p2 =	seq.s32 s10, $0x1;
	s10 =	sld [smem:$0x3FAD]  }
0x3d: {  	_ =	shalt  }
0x3e: {  	_ =	shalt  }
0x3f: {  	_ =	shalt  }
0x40: {  	_ =	shalt  }
0x41: {  	_ =	shalt  }
0x42: {  	_ =	shalt  }
0x43: {  	_ =	shalt  }
0x44: {  	_ =	shalt  }
0x45: {  	_ =	shalt  }
0x46: {  	_ =	shalt  }
0x47: {  	_ =	shalt  }
0x48: {  	_ =	shalt  }
0x49: {  	_ =	shalt  }
0x4a: {  	_ =	shalt  }
0x4b: {  	_ =	shalt  }
0x4c: {  	_ =	shalt  }
0x4d: {  	_ =	shalt  }
0x4e: {  	_ =	shalt  }
0x4f: {  	_ =	shalt  }
0x50: {  	_ =	shalt  }
0x51: {  	_ =	shalt  }
0x52: {  	_ =	shalt  }
0x53: {  	_ =	shalt  }
0x54: {  	_ =	shalt  }
0x55: {  	_ =	shalt  }
0x56: {  	_ =	shalt  }
0x57: {  	_ =	shalt  }
0x58: {  	_ =	shalt  }
0x59: {  	_ =	shalt  }
0x5a: {  	_ =	shalt  }
0x5b: {  	_ =	shalt  }
0x5c: {  	_ =	shalt  }
0x5d: {  	_ =	shalt  }
0x5e: {  	_ =	shalt  }
0x5f: {  	_ =	shalt  }
0x60: {  	_ =	shalt  }
0x61: {  	_ =	shalt  }
0x62: {  	_ =	shalt  }
0x63: {  	_ =	shalt  }
0x64: {  	_ =	shalt  }
0x65: {  	_ =	shalt  }
0x66: {  	_ =	shalt  }
0x67: {  	_ =	shalt  }
0x68: {  	_ =	shalt  }
0x69: {  	_ =	shalt  }
0x6a: {  	_ =	shalt  }
0x6b: {  	_ =	shalt  }
0x6c: {  	_ =	shalt  }
0x6d: {  	_ =	shalt  }
0x6e: {  	_ =	shalt  }
0x6f: {  	_ =	shalt  }
0x70: {  	_ =	shalt  }
0x71: {  	_ =	shalt  }
0x72: {  	_ =	shalt  }
0x73: {  	_ =	shalt  }
0x74: {  	_ =	shalt  }
0x75: {  	_ =	shalt  }
0x76: {  	_ =	shalt  }
0x77: {  	_ =	shalt  }
0x78: {  	_ =	shalt  }
0x79: {  	_ =	shalt  }
0x7a: {  	_ =	shalt  }
0x7b: {  	_ =	shalt  }
0x7c: {  	_ =	shalt  }
0x7d: {  	_ =	shalt  }
0x7e: {  	_ =	shalt  }
0x7f: {  	_ =	shalt  }
0x80: {  	_ =	shalt  }
0x81: {  	_ =	shalt  }
0x82: {  	_ =	shalt  }
0x83: {  	_ =	shalt  }
0x84: {  	_ =	shalt  }
0x85: {  	_ =	shalt  }
0x86: {  	_ =	shalt  }
0x87: {  	_ =	shalt  }
.Lfunc_end0:
.L_simem_size_0:
called_computation_lowered:
.L_overlay_start_0:
0x88: {  	s2 =	sld [smem:$0x3FD9]  }
0x89: {  	s3 =	sld [smem:$0x3FFE];
	_ =	sdelay $0x1  }
0x8a: {  	s1 =	srdreg.scid  }
0x8b: {  	s0 =	sand.u32 $0x1, s1  }
0x8c: {  	s16 =	sshll.u32 s0, $0xA;
	s2 =	sadd.s32 s3, s2  }
0x8d: {  	s2 =	sadd.s32 s2, s16  }
0x8e: {  	[smem:$0x3FB9] =	sst s2  }
0x8f: {  	_ = 	snop  }
0x90: {  	(tm) =	ssettm $0x1  }
0x91: {  	s17 =	sld [smem:$0x3FFB];
	_ =	sdelay $0x3  }
0x92: {  	_ =	strace s17  }
0x93: {  	s2 =	sld [smem:$0x3FFC];
	_ =	sdelay $0x3  }
0x94: {  	_ =	strace s2  }
0x95: {  	s2 =	sld [smem:$0x3FFD];
	_ =	sdelay $0x3  }
0x96: {  	_ =	strace s2  }
0x97: {  	_ =	strace $0x8FFFFFFF  }
0x98: {  	s18 =	sld [smem:$0x3FDB];
	_ =	sdelay $0x1  }
0x99: {  	s19 =	simm.s32 $_scs_section_size  }
0x9a: {  	s4 =	simm.s32 $_size__tile_overlayer_lowered;
	s5 =	simm.s32 $_tile_overlayer_lowered  }
0x9b: {  	s22 =	simm.s32 $0x1BFF;
	s21 =	sshll.u32 s5, $0x1;
	s2 =	sadd.s32 s19, s18  }
0x9c: {  	s6 =	simm.s32 $0x0;
	s20 =	sshll.u32 s4, $0x1;
	s4 =	sadd.s32 s21, s2  }
0x9d: {  	[timem:s6], [sflag:s22] =	dma.local [hbm:s4], s20  }
0x9e: {  	_ =	swait.ge [sflag:s22], s20  }
0x9f: {  	s3 =	ssub.s32 $0x0, s20;
	[sflag:s22] =	ssyncset.done $0x0  }
0xa0: {  	[sflag:s22] =	ssyncadd.s32 s3;
	_ =	sdelay $0x1  }
0xa1: {  	s23 =	simm.s32 $0x1B8B  }
0xa2: {  	_ =	swait.ge [sflag:s23], $0x1  }
0xa3: {  	[sflag:s23] =	ssyncset.done $0x0  }
0xa4: {  	s25 =	simm.s32 $0x1B8E;
	s24 =	sld [smem:$0x3FFE];
	[sflag:s23] =	ssyncadd.s32 $0xFFFFFFFF  }
0xa5: {  	s26 =	simm.s32 $execute0_lowered;
	[smem:$0x3FD2] =	sst s25  }
0xa6: {  	s4 =	sshll.u32 s26, $0x1;
	_ =	strace $0x80000046;
	[dreg:$0x1] =	wrdreg $0xFFFFFFFF  }
0xa7: {  	s28 =	simm.s32 $_size_execute0_lowered;
	s2 =	sadd.s32 s2, s4;
	[dreg:$0x0] =	wrdreg $0x0  }
0xa8: {  	s4 =	sshll.u32 s28, $0x1;
	[dreg:$0x2] =	wrdreg s2  }
0xa9: {  	[dreg:$0x3] =	wrdreg s4  }
0xaa: {  	[dreg:$0x4] =	wrdreg $0xC0  }
0xab: {  	_ =	task [dreg:s6], $0x5FFFF  }
0xac: {  	[dreg:$0x1] =	wrdreg $0xFFFFFFFF  }
0xad: {  	[dreg:$0x0] =	wrdreg $0x60  }
0xae: {  	[dreg:$0x2] =	wrdreg s24  }
0xaf: {  	[dreg:$0x3] =	wrdreg $0x9  }
0xb0: {  	_ =	task.clear_ibuf [dreg:s6], $0x4FFFF;
	_ =	strace $0x90000046  }
0xb1: {  	s29 =	simm.s32 $0x9;
	_ =	strace $0x80000048  }
0xb2: {  	_ =	swait.ge [sflag:s29], $0x1  }
0xb3: {  	[sflag:s29] =	ssyncadd.s32 $0xFFFFFFFF  }
0xb4: {  	_ =	strace $0x90000048  }
0xb5: {  	_ =	sfence  }
0xb6: {  	s30 =	sld [smem:$0x0];
	_ =	sdelay $0x2  }
0xb7: {  	s31 =	sshll.u32 s1, $0xD;
	s1 =	sshrl.u32 s1, $0x2  }
0xb8: {  	s3 =	sand.u32 $0x4000, s31;
	s1 =	sadd.s32 s1, s30  }
0xb9: {  	s0 =	sor.u32 s3, s0;
	s1 =	sshll.u32 s1, $0x11  }
0xba: {  	s0 =	sor.u32 s1, s0  }
0xbb: {  	s0 =	sadd.s32 $0x8F2B, s0  }
0xbc: {  	[sflag:s0] =	ssyncadd.remote.s32 $0x1  }
0xbd: {  	_ =	sfence.sel $0xFFFF  }
0xbe: {  	[dreg:$0x0] =	wrdreg $0xFFFFFFFF;
	(pc) =	sbr.abs _section_cstart, $3  }
0xbf: {  	[dreg:$0x1] =	wrdreg $0xFFFFFFFF  }
0xc0: {  	_ =	task.clear_ibuf [dreg:s6], $0x2FFFF;
	_ =	strace $0x9FFFFFFF  }
0xc1: {  	(tm) =	ssettm $0x7FFFFFFF  }
tec
execute0_lowered:
.L_overlay_start_1:
0x0: {  	(tag) =	ssettag $0x1  }
0x1: {  	s0 =	rddreg [dreg:$0x0];
	s2 =	simm.s32 $0x0  }
0x2: {  	s1 =	srdreg.scid;
	s11 =	stileid.u32;
	s16 =	simm.s32 $0x7  }
0x3: {  	s17 =	simm.s32 $0x4000;
	s18 =	simm.s32 $0x50;
	s19 =	simm.s32 $0x8000  }
0x4: {  	s20 =	simm.s32 $0xD000;
	s22 =	simm.s32 $0xA800;
	s28 =	simm.s32 $0x5  }
0x5: {  	s29 =	simm.s32 $0x2;
	s30 =	simm.s32 $0x4;
	s31 =	simm.s32 $0x6  }
0x6: {  	s21 =	simm.s32 $0x0;
	[smem:$0x7FF] =	sst s2;
	s1 =	sand.u32 $0x1, s1  }
0x7: {  	s4 =	sshll.u32 s11, $0x1;
	s3 =	sadd.s32 $0x24200, s0;
	s12 =	sadd.s32 $0x72600, s0  }
0x8: {  	s14 =	smul.u32 $0x4E200, s11;
	_ =	strace $0x80000047;
	s5 =	sor.u32 s1, s4  }
0x9: {  	s4 =	sadd.s32 $0x4B400, s0;
	s7 =	ssub.s32 $0x2, s1;
	s1 =	smul.u32 $0x27100, s1  }
0xa: {  	s6 =	sshll.u32 s5, $0xB;
	s5 =	smul.u32 $0x138800, s5;
	s8 =	sshrl.u32 s7, $0x1  }
0xb: {  	s15 =	sadd.s32 s14, s12;
	s6 =	sadd.s32 s6, s0;
	s0 =	sadd.s32 $0x554600, s0  }
0xc: {  	s13 =	ssub.s32 s7, s8;
	s26 =	sadd.s32 s1, s15;
	s5 =	sshrl.u32 s5, $0x3  }
0xd: {  	s24 =	sadd.s32 $0x4200, s6;
	s6 =	sadd.s32 $0x14200, s6;
	s14 =	sadd.s32 s14, s0  }
0xe: {  	s13 =	smax.u32 s13, $0x1;
	[dreg:$0x2] =	wrdreg s24;
	s25 =	sadd.s32 $0x26200, s5  }
0xf: {  	[dreg:$0x3] =	wrdreg s6;
	s10 =	sadd.s32 $0x26700, s5;
	s5 =	sadd.s32 $0x26C00, s5  }
0x10: {  	s1 =	sadd.s32 s1, s14;
	s14 =	sadd.s32 $0x500, s26;
	s24 =	simm.s32 $0xF800  }
0x11: {  	s26 =	simm.s32 $0x3;
	s7 =	sadd.s32 s12, s25;
	s8 =	sadd.s32 s0, s25  }
0x12: {  	s9 =	sadd.s32 s12, s10;
	s10 =	sadd.s32 s0, s10;
	s11 =	sadd.s32 s12, s5  }
0x13: {  	s12 =	sadd.s32 s0, s5;
	s15 =	sadd.s32 $0x500, s1;
	s25 =	simm.s32 $0x1  }
.LBB2_1:
0x14: {  	s0 =	rddreg [dreg:$0x2]  }
0x15: {  	[tilespmem:s2], [sflag:$0x7] =	stream.linear.gather [hbm4b:s0+s2], $0x3E80, $0x38;
	[tilespmem:$0x12000] =	vst v63  }
0x16: {  	_ =	swait.ge [sflag:s16], $0x3E80  }
0x17: {  	[sflag:s16] =	ssyncset.done $0x0  }
0x18: {  	s1 =	rddreg [dreg:$0x3];
	[sflag:s16] =	ssyncadd.s32 $0xFFFFC180  }
0x19: {  	[tilespmem:s17], [sflag:$0x7] =	stream.linear.gather [hbm4b:s1+s2], $0x3E80, $0x38;
	[tilespmem:$0x12000] =	vst v63  }
0x1a: {  	_ =	swait.ge [sflag:s16], $0x3E80  }
0x1b: {  	[sflag:s16] =	ssyncset.done $0x0  }
0x1c: {  	[sflag:s16] =	ssyncadd.s32 $0xFFFFC180  }
0x1d: {  	[tilespmem:s19], [sflag:$0x1] =	stream.indirect.gather [hbm4b:s3+s18], $0x80, s2, s18, $0xb8;
	[tilespmem:$0x12000] =	vst v63  }
0x1e: {  	_ = 	snop  }
0x1f: {  	[tilespmem:s20], [sflag:$0x1] =	stream.indirect.gather [hbm4b:s4+s18], $0x80, s17, s18, $0xb8;
	[tilespmem:$0x12000] =	vst v63  }
0x20: {  	s5 =	simm.s32 $0x80  }
0x21: {  	[tilespmem:s22], [sflag:$0x2] =	stream.indirect.gather [hbm4b:s3+s18], $0x80, s5, s18, $0xb8;
	[tilespmem:$0x12000] =	vst v63  }
0x22: {  	s6 =	simm.s32 $0x4080  }
0x23: {  	[tilespmem:s24], [sflag:$0x2] =	stream.indirect.gather [hbm4b:s4+s18], $0x80, s6, s18, $0xb8;
	[tilespmem:$0x12000] =	vst v63  }
0x24: {  	_ =	swait.ge [sflag:s25], $0x2800  }
0x25: {  	[sflag:s25] =	ssyncset.done $0x0  }
0x26: {  	[sflag:s25] =	ssyncadd.s32 $0xFFFFD800  }
0x27: {  	_ =	swait.ge [sflag:s25], $0x2800  }
0x28: {  	[sflag:s25] =	ssyncset.done $0x0  }
0x29: {  	s23 =	sadd.s32 $0xFFFFFB00, s14;
	[sflag:s25] =	ssyncadd.s32 $0xFFFFD800  }
0x2a: {  	[hbm4b:s23+s2] =	stream.linear.scatter [tilespmem:s19], [sflag:$0x3], $0x2800, $0x38;
	[tilespmem:$0x12000] =	vst v63  }
0x2b: {  	s1 =	sadd.s32 $0xFFFFFB00, s15  }
0x2c: {  	[hbm4b:s1+s2] =	stream.linear.scatter [tilespmem:s20], [sflag:$0x5], $0x2800, $0x38;
	[tilespmem:$0x12000] =	vst v63  }
0x2d: {  	_ =	swait.ge [sflag:s26], $0x2800  }
0x2e: {  	[sflag:s26] =	ssyncset.done $0x0  }
0x2f: {  	[sflag:s26] =	ssyncadd.s32 $0xFFFFD800  }
0x30: {  	_ =	swait.ge [sflag:s28], $0x2800  }
0x31: {  	[sflag:s28] =	ssyncset.done $0x0  }
0x32: {  	s5 =	simm.s32 $0x100;
	[sflag:s28] =	ssyncadd.s32 $0xFFFFD800  }
0x33: {  	[tilespmem:s19], [sflag:$0x1] =	stream.indirect.gather [hbm4b:s3+s18], $0x80, s5, s18, $0xb8;
	[tilespmem:$0x12000] =	vst v63  }
0x34: {  	s6 =	simm.s32 $0x4100  }
0x35: {  	[tilespmem:s20], [sflag:$0x1] =	stream.indirect.gather [hbm4b:s4+s18], $0x80, s6, s18, $0xb8;
	[tilespmem:$0x12000] =	vst v63  }
0x36: {  	_ =	swait.ge [sflag:s29], $0x2800  }
0x37: {  	[sflag:s29] =	ssyncset.done $0x0  }
0x38: {  	[sflag:s29] =	ssyncadd.s32 $0xFFFFD800  }
0x39: {  	_ =	swait.ge [sflag:s29], $0x2800  }
0x3a: {  	[sflag:s29] =	ssyncset.done $0x0  }
0x3b: {  	[sflag:s29] =	ssyncadd.s32 $0xFFFFD800  }
0x3c: {  	[hbm4b:s14+s2] =	stream.linear.scatter [tilespmem:s22], [sflag:$0x4], $0x2800, $0x38;
	[tilespmem:$0x12000] =	vst v63  }
0x3d: {  	_ = 	snop  }
0x3e: {  	[hbm4b:s15+s2] =	stream.linear.scatter [tilespmem:s24], [sflag:$0x6], $0x2800, $0x38;
	[tilespmem:$0x12000] =	vst v63  }
0x3f: {  	_ =	swait.ge [sflag:s30], $0x2800  }
0x40: {  	[sflag:s30] =	ssyncset.done $0x0  }
0x41: {  	[sflag:s30] =	ssyncadd.s32 $0xFFFFD800  }
0x42: {  	_ =	swait.ge [sflag:s31], $0x2800  }
0x43: {  	[sflag:s31] =	ssyncset.done $0x0  }
0x44: {  	s0 =	sadd.s32 $0xA00, s14;
	s23 =	simm.s32 $0x180;
	[sflag:s31] =	ssyncadd.s32 $0xFFFFD800  }
0x45: {  	[tilespmem:s22], [sflag:$0x2] =	stream.indirect.gather [hbm4b:s3+s18], $0x80, s23, s18, $0xb8;
	[tilespmem:$0x12000] =	vst v63  }
0x46: {  	s1 =	sadd.s32 $0xA00, s15;
	s5 =	simm.s32 $0x4180;
	s23 =	simm.s32 $0x400  }
.LBB2_2:
0x47: {  	[tilespmem:s24], [sflag:$0x2] =	stream.indirect.gather [hbm4b:s4+s18], $0x80, s5, s18, $0xb8;
	[tilespmem:$0x12000] =	vst v63  }
0x48: {  	s5 =	smov.u32 s23  }
0x49: {  	p0 =	sne.s32 s23, $0xF000;
	s23 =	sadd.s32 $0x400, s23;
	_ =	swait.ge [sflag:s25], $0x2800  }
0x4a: {  	[sflag:s25] =	ssyncset.done $0x0  }
0x4b: {  	[sflag:s25] =	ssyncadd.s32 $0xFFFFD800  }
0x4c: {  	_ =	swait.ge [sflag:s25], $0x2800  }
0x4d: {  	[sflag:s25] =	ssyncset.done $0x0  }
0x4e: {  	s6 =	sadd.s32 $0xFFFFFB00, s0;
	[sflag:s25] =	ssyncadd.s32 $0xFFFFD800  }
0x4f: {  	[hbm4b:s6+s2] =	stream.linear.scatter [tilespmem:s19], [sflag:$0x3], $0x2800, $0x38;
	[tilespmem:$0x12000] =	vst v63  }
0x50: {  	s6 =	sadd.s32 $0xFFFFFB00, s1  }
0x51: {  	[hbm4b:s6+s2] =	stream.linear.scatter [tilespmem:s20], [sflag:$0x5], $0x2800, $0x38;
	[tilespmem:$0x12000] =	vst v63  }
0x52: {  	_ =	swait.ge [sflag:s26], $0x2800  }
0x53: {  	[sflag:s26] =	ssyncset.done $0x0  }
0x54: {  	[sflag:s26] =	ssyncadd.s32 $0xFFFFD800  }
0x55: {  	_ =	swait.ge [sflag:s28], $0x2800  }
0x56: {  	s5 =	sshra.s32 s5, $0x2;
	[sflag:s28] =	ssyncset.done $0x0  }
0x57: {  	s6 =	sadd.s32 $0x100, s5;
	[sflag:s28] =	ssyncadd.s32 $0xFFFFD800  }
0x58: {  	[tilespmem:s19], [sflag:$0x1] =	stream.indirect.gather [hbm4b:s3+s18], $0x80, s6, s18, $0xb8;
	[tilespmem:$0x12000] =	vst v63  }
0x59: {  	s6 =	sadd.s32 $0x4100, s5  }
0x5a: {  	[tilespmem:s20], [sflag:$0x1] =	stream.indirect.gather [hbm4b:s4+s18], $0x80, s6, s18, $0xb8;
	[tilespmem:$0x12000] =	vst v63  }
0x5b: {  	_ =	swait.ge [sflag:s29], $0x2800  }
0x5c: {  	[sflag:s29] =	ssyncset.done $0x0  }
0x5d: {  	[sflag:s29] =	ssyncadd.s32 $0xFFFFD800  }
0x5e: {  	_ =	swait.ge [sflag:s29], $0x2800  }
0x5f: {  	[sflag:s29] =	ssyncset.done $0x0  }
0x60: {  	[sflag:s29] =	ssyncadd.s32 $0xFFFFD800  }
0x61: {  	[hbm4b:s0+s2] =	stream.linear.scatter [tilespmem:s22], [sflag:$0x4], $0x2800, $0x38;
	[tilespmem:$0x12000] =	vst v63  }
0x62: {  	_ = 	snop  }
0x63: {  	[hbm4b:s1+s2] =	stream.linear.scatter [tilespmem:s24], [sflag:$0x6], $0x2800, $0x38;
	[tilespmem:$0x12000] =	vst v63  }
0x64: {  	_ =	swait.ge [sflag:s30], $0x2800  }
0x65: {  	[sflag:s30] =	ssyncset.done $0x0  }
0x66: {  	[sflag:s30] =	ssyncadd.s32 $0xFFFFD800  }
.Ltmp0:
0x67: {  	_ =	swait.ge [sflag:s31], $0x2800;
	(pc) =	sbr.rel @p0 .LBB2_2-.Ltmp0, $4  }
0x68: {  	[sflag:s31] =	ssyncset.done $0x0  }
0x69: {  	s6 =	sadd.s32 $0x180, s5;
	[sflag:s31] =	ssyncadd.s32 $0xFFFFD800  }
0x6a: {  	[tilespmem:s22], [sflag:$0x2] =	stream.indirect.gather [hbm4b:s3+s18], $0x80, s6, s18, $0xb8;
	[tilespmem:$0x12000] =	vst v63  }
0x6b: {  	s5 =	sadd.s32 $0x4180, s5;
	s0 =	sadd.s32 $0xA00, s0;
	s1 =	sadd.s32 $0xA00, s1  }
0x6c: {  	[tilespmem:s24], [sflag:$0x2] =	stream.indirect.gather [hbm4b:s4+s18], $0x80, s5, s18, $0xb8;
	[tilespmem:$0x12000] =	vst v63  }
0x6d: {  	_ =	swait.ge [sflag:s25], $0x2800  }
0x6e: {  	[sflag:s25] =	ssyncset.done $0x0  }
0x6f: {  	[sflag:s25] =	ssyncadd.s32 $0xFFFFD800  }
0x70: {  	_ =	swait.ge [sflag:s25], $0x2800  }
0x71: {  	[sflag:s25] =	ssyncset.done $0x0  }
0x72: {  	[sflag:s25] =	ssyncadd.s32 $0xFFFFD800  }
0x73: {  	[hbm4b:s7+s2] =	stream.linear.scatter [tilespmem:s19], [sflag:$0x3], $0x2800, $0x38;
	[tilespmem:$0x12000] =	vst v63  }
0x74: {  	_ = 	snop  }
0x75: {  	[hbm4b:s8+s2] =	stream.linear.scatter [tilespmem:s20], [sflag:$0x5], $0x2800, $0x38;
	[tilespmem:$0x12000] =	vst v63  }
0x76: {  	_ =	swait.ge [sflag:s26], $0x2800  }
0x77: {  	[sflag:s26] =	ssyncset.done $0x0  }
0x78: {  	[sflag:s26] =	ssyncadd.s32 $0xFFFFD800  }
0x79: {  	_ =	swait.ge [sflag:s28], $0x2800  }
0x7a: {  	[sflag:s28] =	ssyncset.done $0x0  }
0x7b: {  	s0 =	simm.s32 $0x3E00;
	[sflag:s28] =	ssyncadd.s32 $0xFFFFD800  }
0x7c: {  	[tilespmem:s19], [sflag:$0x1] =	stream.indirect.gather [hbm4b:s3+s18], $0x80, s0, s18, $0xb8;
	[tilespmem:$0x12000] =	vst v63  }
0x7d: {  	s23 =	simm.s32 $0x7E00  }
0x7e: {  	[tilespmem:s20], [sflag:$0x1] =	stream.indirect.gather [hbm4b:s4+s18], $0x80, s23, s18, $0xb8;
	[tilespmem:$0x12000] =	vst v63  }
0x7f: {  	_ =	swait.ge [sflag:s29], $0x2800  }
0x80: {  	[sflag:s29] =	ssyncset.done $0x0  }
0x81: {  	[sflag:s29] =	ssyncadd.s32 $0xFFFFD800  }
0x82: {  	_ =	swait.ge [sflag:s29], $0x2800  }
0x83: {  	[sflag:s29] =	ssyncset.done $0x0  }
0x84: {  	[sflag:s29] =	ssyncadd.s32 $0xFFFFD800  }
0x85: {  	[hbm4b:s9+s2] =	stream.linear.scatter [tilespmem:s22], [sflag:$0x4], $0x2800, $0x38;
	[tilespmem:$0x12000] =	vst v63  }
0x86: {  	_ = 	snop  }
0x87: {  	[hbm4b:s10+s2] =	stream.linear.scatter [tilespmem:s24], [sflag:$0x6], $0x2800, $0x38;
	[tilespmem:$0x12000] =	vst v63  }
0x88: {  	_ =	swait.ge [sflag:s25], $0x2800  }
0x89: {  	[sflag:s25] =	ssyncset.done $0x0  }
0x8a: {  	[sflag:s25] =	ssyncadd.s32 $0xFFFFD800  }
0x8b: {  	_ =	swait.ge [sflag:s25], $0x2800  }
0x8c: {  	[sflag:s25] =	ssyncset.done $0x0  }
0x8d: {  	[sflag:s25] =	ssyncadd.s32 $0xFFFFD800  }
0x8e: {  	[hbm4b:s11+s2] =	stream.linear.scatter [tilespmem:s19], [sflag:$0x3], $0x2800, $0x38;
	[tilespmem:$0x12000] =	vst v63  }
0x8f: {  	_ = 	snop  }
0x90: {  	[hbm4b:s12+s2] =	stream.linear.scatter [tilespmem:s20], [sflag:$0x5], $0x2800, $0x38;
	[tilespmem:$0x12000] =	vst v63  }
0x91: {  	_ =	swait.ge [sflag:s26], $0x2800  }
0x92: {  	[sflag:s26] =	ssyncset.done $0x0  }
0x93: {  	[sflag:s26] =	ssyncadd.s32 $0xFFFFD800  }
0x94: {  	_ =	swait.ge [sflag:s28], $0x2800  }
0x95: {  	[sflag:s28] =	ssyncset.done $0x0  }
0x96: {  	s21 =	sadd.s32 $0x1, s21;
	[sflag:s28] =	ssyncadd.s32 $0xFFFFD800  }
0x97: {  	p0 =	sne.s32 s21, s13;
	_ =	swait.ge [sflag:s30], $0x2800  }
.Ltmp1:
0x98: {  	[sflag:s30] =	ssyncset.done $0x0;
	(pc) =	sbr.rel @p0 .LBB2_1-.Ltmp1, $4  }
0x99: {  	[sflag:s30] =	ssyncadd.s32 $0xFFFFD800  }
0x9a: {  	_ =	swait.ge [sflag:s31], $0x2800  }
0x9b: {  	[sflag:s31] =	ssyncset.done $0x0  }
0x9c: {  	[sflag:s31] =	ssyncadd.s32 $0xFFFFD800  }
0x9d: {  	_ =	sfence.sel $0x180000  }
0x9e: {  	[bflag:$0x0] =	sbarrier.arrive $0xFFFF  }
0x9f: {  	_ =	strace $0x90000047  }
0xa0: {  	s0 =	stileid.u32;
	[bflag:$0x2] =	sbarrier.arrive $0xFFFF  }
0xa1: {  	p0 =	sne.s32 s0, $0x0;
	s0 =	rddreg [dreg:$0x1]  }
0xa2: {  	s0 =	sadd.s32 @!p0 $0x100000, s0  }
0xa3: {  	[sflag:s0] =	ssyncadd.tile.s32 @!p0 $0x1;
	_ =	shalt  }
.Lfunc_end2:
_tile_overlayer_lowered:
.L_overlay_start_2:
0xa4: {  	(tag) =	ssettag $0x2  }
0xa5: {  	s0 =	rddreg [dreg:$0x0];
	s2 =	stileid.u32  }
0xa6: {  	s1 =	rddreg [dreg:$0x1];
	p0 =	sne.s32 s2, $0x0  }
0xa7: {  	s3 =	rddreg [dreg:$0x2];
	[bflag:$0x3] =	sbarrier.arrive $0xFFFF;
	s2 =	simm.s32 @!p0 $0x1C07  }
0xa8: {  	[timem:s3], [sflag:s2] =	dma.local @!p0 [hbm:s0], s1  }
0xa9: {  	s0 =	simm.s32 @!p0 $0x7  }
0xaa: {  	_ =	swait.ge @!p0 [sflag:s0], s1  }
0xab: {  	s1 =	ssub.s32 @!p0 $0x0, s1;
	[sflag:s0] =	ssyncset.done @!p0 $0x0  }
0xac: {  	[sflag:s0] =	ssyncadd.s32 @!p0 s1  }
0xad: {  	[bflag:$0x3] =	sbarrier.arrive $0xFFFF  }
0xae: {  	_ =	shalt  }

</sc_bundles>
